<compile_context>
chip_gen: v7x
topology: tpu7x:2x2x1
jax: 0.10.2.dev20260603
libtpu: 0.0.44.dev20260713+nightly
codegen_flags: <defaults>
</compile_context>

<pallas_src>
import functools

import jax
import jax.numpy as jnp
from jax import lax
from jax.experimental import pallas as pl
from jax.experimental.pallas import tpu as pltpu
from jax.experimental.pallas import tpu_sc as plsc

N, P, L, D = 1024, 2048, 75, 3
Q = 15
LANES = 16
ROW = 128
NW = 32
BPW = N // NW
CHUNKS = P // LANES

_mesh = plsc.VectorSubcoreMesh(core_axis_name="c", subcore_axis_name="s")


@functools.partial(
    pl.kernel,
    out_type=jax.ShapeDtypeStruct((N, 3, ROW), jnp.float32),
    mesh=_mesh,
    compiler_params=pltpu.CompilerParams(needs_layout_passes=False),
    scratch_types=[
        pltpu.VMEM((3, P), jnp.float32),
        pltpu.VMEM((2 * Q, ROW), jnp.float32),
        pltpu.VMEM((4, ROW), jnp.float32),
        pltpu.VMEM((3, ROW), jnp.float32),
        pltpu.VMEM((ROW,), jnp.float32),
        pltpu.VMEM((ROW,), jnp.int32),
    ],
)
def _sc_match(pts_hbm, qsp_hbm, aux_hbm, out_hbm, pts_v, qsp_v, aux_v, res_v,
              red_f, red_i):
    wid = lax.axis_index("s") * 2 + lax.axis_index("c")
    lane = lax.iota(jnp.int32, LANES)

    def batch_body(b, _):
        n = wid * BPW + b
        pltpu.sync_copy(pts_hbm.at[n], pts_v)
        pltpu.sync_copy(qsp_hbm.at[n], qsp_v)
        pltpu.sync_copy(aux_hbm.at[n], aux_v)

        idxs = jnp.zeros((LANES,), jnp.int32)
        for q in range(Q):
            qxv = qsp_v[2 * q, pl.ds(0, LANES)]
            qyv = qsp_v[2 * q + 1, pl.ds(0, LANES)]

            def chunk(i, c, qxv=qxv, qyv=qyv):
                vmin, vidx = c
                x = pts_v[0, pl.ds(i * LANES, LANES)]
                y = pts_v[1, pl.ds(i * LANES, LANES)]
                dx = x - qxv
                dy = y - qyv
                d = dx * dx + dy * dy
                cond = d < vmin
                cidx = i * LANES + lane
                return (jnp.where(cond, d, vmin), jnp.where(cond, cidx, vidx))

            vmin, vidx = lax.fori_loop(
                0, CHUNKS, chunk,
                (jnp.full((LANES,), jnp.inf, jnp.float32),
                 jnp.zeros((LANES,), jnp.int32)))

            for k in (8, 4, 2, 1):
                red_f[pl.ds(0, LANES)] = vmin
                red_i[pl.ds(0, LANES)] = vidx
                perm = lane ^ k
                m2 = plsc.load_gather(red_f, [perm])
                i2 = plsc.load_gather(red_i, [perm])
                c = (m2 < vmin) | ((m2 == vmin) & (i2 < vidx))
                vmin = jnp.where(c, m2, vmin)
                vidx = jnp.where(c, i2, vidx)
            idxs = jnp.where(lane == q, vidx, idxs)

        zero = jnp.zeros((LANES,), jnp.int32)
        gx = plsc.load_gather(pts_v, [zero, idxs])
        gy = plsc.load_gather(pts_v, [zero + 1, idxs])
        gz = plsc.load_gather(pts_v, [zero + 2, idxs])
        use = aux_v[3, pl.ds(0, LANES)] != 0.0
        res_v[0, pl.ds(0, LANES)] = jnp.where(use, gx, aux_v[0, pl.ds(0, LANES)])
        res_v[1, pl.ds(0, LANES)] = jnp.where(use, gy, aux_v[1, pl.ds(0, LANES)])
        res_v[2, pl.ds(0, LANES)] = jnp.where(use, gz, aux_v[2, pl.ds(0, LANES)])
        pltpu.sync_copy(res_v, out_hbm.at[n])
        return 0

    lax.fori_loop(0, BPW, batch_body, 0)


@jax.jit
def kernel(lmks_pred, cntr_pts, cntr_mask, lmks_real):
    ptsT = cntr_pts.transpose(0, 2, 1)
    qxy = lmks_real[:, :Q, :2]
    qsp = jnp.broadcast_to(
        qxy.reshape(N, 2 * Q, 1), (N, 2 * Q, ROW))
    lp = lmks_pred[:, :Q, :].transpose(0, 2, 1)
    lp = jnp.pad(lp, ((0, 0), (0, 0), (0, ROW - Q)))
    maskf = jnp.broadcast_to(
        cntr_mask.astype(jnp.float32)[:, None, None], (N, 1, ROW))
    aux = jnp.concatenate([lp, maskf], axis=1)

    out3 = _sc_match(ptsT, qsp, aux)
    cntr = out3.transpose(0, 2, 1)[:, :Q, :]
    return jnp.concatenate([cntr, lmks_pred[:, Q:, :]], axis=1)

# --- scband reference (transcript-rebuilt; emitter-appended) ---
"""Pipeline reference for scband-flameext-2808908612149 (READ-ONLY COPY).

The authoritative reference and input builder live on the scoring server;
editing this copy changes nothing except your own understanding.
"""

import jax, jax.numpy as jnp
import numpy as np


def setup_inputs(seed: int = 0) -> dict:
    key = jax.random.key(seed)
    k1, k2, k3, k4 = jax.random.split(key, 4)
    N, P, L, D = 1024, 2048, 75, 3
    lmks_pred = jax.random.normal(k1, (N, L, D), dtype=jnp.float32)
    cntr_pts = jax.random.normal(k2, (N, P, D), dtype=jnp.float32)
    cntr_mask = jax.random.randint(k3, (N,), 0, 2).astype(jnp.bool_)
    lmks_real = jax.random.normal(k4, (N, L, D), dtype=jnp.float32)
    return {"lmks_pred": lmks_pred, "cntr_pts": cntr_pts, "cntr_mask": cntr_mask, "lmks_real": lmks_real}


def _find_closest(pts, qry):
    # pts: [N, P, D], qry: [N, Q, D]
    # distance on xy only, detached (no grad through argmin path)
    diff = qry[..., :2][..., :, None, :] - pts[..., :2][..., None, :, :]  # [N, Q, P, 2]
    dist = jnp.sqrt(jnp.sum(diff * diff, axis=-1))  # [N, Q, P]
    dist = jax.lax.stop_gradient(dist)
    cidx = jnp.argmin(dist, axis=-1)  # [N, Q]
    # gather nearest points: equivalent to torch.index_select on flattened pts
    val = jnp.take_along_axis(pts, cidx[..., None], axis=-2)  # [N, Q, D]
    return val


def reference(lmks_pred, cntr_pts, cntr_mask, lmks_real):
    # FLAMEExt.correct_fw75_contour
    mask = cntr_mask[..., None, None]  # [N,1,1]
    cntr_pred = _find_closest(cntr_pts, lmks_real[..., :15, :])  # [N,15,D]
    cntr_pred = jnp.where(mask, cntr_pred, lmks_pred[..., :15, :])
    return jnp.concatenate((cntr_pred, lmks_pred[..., 15:, :]), axis=-2)

if __name__ == "__main__":
    import jax
    _d = setup_inputs()
    print(jax.jit(kernel)(*tuple(_d.values())))

</pallas_src>

<mosaic_0001>
#map = affine_map<(d0, d1) -> (0, 0, 0)>
module attributes {stable_mosaic.version = 14 : i64} {
  func.func @_sc_match(%arg0: i32, %arg1: i32, %arg2: memref<1024x3x2048xf32, #tpu.memory_space<hbm>>, %arg3: memref<1024x30x128xf32, #tpu.memory_space<hbm>>, %arg4: memref<1024x4x128xf32, #tpu.memory_space<hbm>>, %arg5: memref<1024x3x128xf32, #tpu.memory_space<hbm>>, %arg6: memref<3x2048xf32, #tpu.memory_space<vmem>>, %arg7: memref<30x128xf32, #tpu.memory_space<vmem>>, %arg8: memref<4x128xf32, #tpu.memory_space<vmem>>, %arg9: memref<3x128xf32, #tpu.memory_space<vmem>>, %arg10: memref<128xf32, #tpu.memory_space<vmem>>, %arg11: memref<128xi32, #tpu.memory_space<vmem>>) attributes {dimension_semantics = [#tpu.dimension_semantics<core_parallel>, #tpu.dimension_semantics<subcore_parallel>], iteration_bounds = array<i64: 2, 16>, scalar_prefetch = 0 : i64, scratch_operands = 6 : i64, tpu.core_type = #tpu.core_type<sc_vector_subcore>, window_params = [{transform_indices = #map}, {transform_indices = #map}, {transform_indices = #map}, {transform_indices = #map}]} {
    %mul3A = arith.constant 2 : i32
    %mul3A_0 = arith.muli %arg1, %mul3A : i32
    %add3A = arith.addi %mul3A_0, %arg0 : i32
    %iota3A = tpu.iota {dimensions = array<i32: 0>} : vector<16xi32>
    %scan3A = arith.constant 0 : i32
    %scan3A_1 = arith.constant 0 : i32
    %scan3A_2 = arith.constant 32 : i32
    %scan3A_3 = arith.addi %scan3A_1, %scan3A_2 : i32
    %scan3A_4 = arith.constant 1 : i32
    %scan3A_5 = scf.for %scan3A_7 = %scan3A_1 to %scan3A_3 step %scan3A_4 iter_args(%scan3A_8 = %scan3A) -> (i32)  : i32 {
      %mul3A_9 = arith.constant 32 : i32
      %mul3A_10 = arith.muli %add3A, %mul3A_9 : i32
      %add3A_11 = arith.addi %mul3A_10, %scan3A_7 : i32
      "tpu.region"() ({
        %run_scoped3A = tpu.sem_alloc : memref<!tpu.dma_semaphore, #tpu.memory_space<semaphore_mem>>
        %dma_start3A = arith.constant 0 : i32
        %dma_start3A_1339 = arith.constant 0 : i32
        %dma_start3A_1340 = tpu.memref_slice %arg2[%add3A_11, %dma_start3A, %dma_start3A_1339] : memref<1024x3x2048xf32, #tpu.memory_space<hbm>> -> memref<1x3x2048xf32, #tpu.memory_space<hbm>>
        %dma_start3A_1341 = tpu.memref_squeeze %dma_start3A_1340 : memref<1x3x2048xf32, #tpu.memory_space<hbm>> -> memref<3x2048xf32, #tpu.memory_space<hbm>>
        %dma_start3A_1342 = arith.constant 0 : i32
        %dma_start3A_1343 = arith.constant 0 : i32
        %dma_start3A_1344 = tpu.memref_slice %arg2[%add3A_11, %dma_start3A_1342, %dma_start3A_1343] : memref<1024x3x2048xf32, #tpu.memory_space<hbm>> -> memref<1x3x2048xf32, #tpu.memory_space<hbm>>
        %dma_start3A_1345 = tpu.memref_squeeze %dma_start3A_1344 : memref<1x3x2048xf32, #tpu.memory_space<hbm>> -> memref<3x2048xf32, #tpu.memory_space<hbm>>
        tpu.enqueue_dma source(%dma_start3A_1345 : memref<3x2048xf32, #tpu.memory_space<hbm>>) target(%arg6 : memref<3x2048xf32, #tpu.memory_space<vmem>>) target_semaphore(%run_scoped3A : memref<!tpu.dma_semaphore, #tpu.memory_space<semaphore_mem>>)
        %dma_wait3A = arith.constant 0 : i32
        %dma_wait3A_1346 = arith.constant 0 : i32
        %dma_wait3A_1347 = tpu.memref_slice %arg2[%add3A_11, %dma_wait3A, %dma_wait3A_1346] : memref<1024x3x2048xf32, #tpu.memory_space<hbm>> -> memref<1x3x2048xf32, #tpu.memory_space<hbm>>
        %dma_wait3A_1348 = tpu.memref_squeeze %dma_wait3A_1347 : memref<1x3x2048xf32, #tpu.memory_space<hbm>> -> memref<3x2048xf32, #tpu.memory_space<hbm>>
        %dma_wait3A_1349 = arith.constant 0 : i32
        %dma_wait3A_1350 = arith.constant 0 : i32
        %dma_wait3A_1351 = tpu.memref_slice %arg2[%add3A_11, %dma_wait3A_1349, %dma_wait3A_1350] : memref<1024x3x2048xf32, #tpu.memory_space<hbm>> -> memref<1x3x2048xf32, #tpu.memory_space<hbm>>
        %dma_wait3A_1352 = tpu.memref_squeeze %dma_wait3A_1351 : memref<1x3x2048xf32, #tpu.memory_space<hbm>> -> memref<3x2048xf32, #tpu.memory_space<hbm>>
        tpu.wait_dma2 semaphore(%run_scoped3A : memref<!tpu.dma_semaphore, #tpu.memory_space<semaphore_mem>>) src(%dma_wait3A_1352 : memref<3x2048xf32, #tpu.memory_space<hbm>>) dst(%arg6 : memref<3x2048xf32, #tpu.memory_space<vmem>>)
        tpu.yield
      }) : () -> ()
      "tpu.region"() ({
        %run_scoped3A = tpu.sem_alloc : memref<!tpu.dma_semaphore, #tpu.memory_space<semaphore_mem>>
        %dma_start3A = arith.constant 0 : i32
        %dma_start3A_1339 = arith.constant 0 : i32
        %dma_start3A_1340 = tpu.memref_slice %arg3[%add3A_11, %dma_start3A, %dma_start3A_1339] : memref<1024x30x128xf32, #tpu.memory_space<hbm>> -> memref<1x30x128xf32, #tpu.memory_space<hbm>>
        %dma_start3A_1341 = tpu.memref_squeeze %dma_start3A_1340 : memref<1x30x128xf32, #tpu.memory_space<hbm>> -> memref<30x128xf32, #tpu.memory_space<hbm>>
        %dma_start3A_1342 = arith.constant 0 : i32
        %dma_start3A_1343 = arith.constant 0 : i32
        %dma_start3A_1344 = tpu.memref_slice %arg3[%add3A_11, %dma_start3A_1342, %dma_start3A_1343] : memref<1024x30x128xf32, #tpu.memory_space<hbm>> -> memref<1x30x128xf32, #tpu.memory_space<hbm>>
        %dma_start3A_1345 = tpu.memref_squeeze %dma_start3A_1344 : memref<1x30x128xf32, #tpu.memory_space<hbm>> -> memref<30x128xf32, #tpu.memory_space<hbm>>
        tpu.enqueue_dma source(%dma_start3A_1345 : memref<30x128xf32, #tpu.memory_space<hbm>>) target(%arg7 : memref<30x128xf32, #tpu.memory_space<vmem>>) target_semaphore(%run_scoped3A : memref<!tpu.dma_semaphore, #tpu.memory_space<semaphore_mem>>)
        %dma_wait3A = arith.constant 0 : i32
        %dma_wait3A_1346 = arith.constant 0 : i32
        %dma_wait3A_1347 = tpu.memref_slice %arg3[%add3A_11, %dma_wait3A, %dma_wait3A_1346] : memref<1024x30x128xf32, #tpu.memory_space<hbm>> -> memref<1x30x128xf32, #tpu.memory_space<hbm>>
        %dma_wait3A_1348 = tpu.memref_squeeze %dma_wait3A_1347 : memref<1x30x128xf32, #tpu.memory_space<hbm>> -> memref<30x128xf32, #tpu.memory_space<hbm>>
        %dma_wait3A_1349 = arith.constant 0 : i32
        %dma_wait3A_1350 = arith.constant 0 : i32
        %dma_wait3A_1351 = tpu.memref_slice %arg3[%add3A_11, %dma_wait3A_1349, %dma_wait3A_1350] : memref<1024x30x128xf32, #tpu.memory_space<hbm>> -> memref<1x30x128xf32, #tpu.memory_space<hbm>>
        %dma_wait3A_1352 = tpu.memref_squeeze %dma_wait3A_1351 : memref<1x30x128xf32, #tpu.memory_space<hbm>> -> memref<30x128xf32, #tpu.memory_space<hbm>>
        tpu.wait_dma2 semaphore(%run_scoped3A : memref<!tpu.dma_semaphore, #tpu.memory_space<semaphore_mem>>) src(%dma_wait3A_1352 : memref<30x128xf32, #tpu.memory_space<hbm>>) dst(%arg7 : memref<30x128xf32, #tpu.memory_space<vmem>>)
        tpu.yield
      }) : () -> ()
      "tpu.region"() ({
        %run_scoped3A = tpu.sem_alloc : memref<!tpu.dma_semaphore, #tpu.memory_space<semaphore_mem>>
        %dma_start3A = arith.constant 0 : i32
        %dma_start3A_1339 = arith.constant 0 : i32
        %dma_start3A_1340 = tpu.memref_slice %arg4[%add3A_11, %dma_start3A, %dma_start3A_1339] : memref<1024x4x128xf32, #tpu.memory_space<hbm>> -> memref<1x4x128xf32, #tpu.memory_space<hbm>>
        %dma_start3A_1341 = tpu.memref_squeeze %dma_start3A_1340 : memref<1x4x128xf32, #tpu.memory_space<hbm>> -> memref<4x128xf32, #tpu.memory_space<hbm>>
        %dma_start3A_1342 = arith.constant 0 : i32
        %dma_start3A_1343 = arith.constant 0 : i32
        %dma_start3A_1344 = tpu.memref_slice %arg4[%add3A_11, %dma_start3A_1342, %dma_start3A_1343] : memref<1024x4x128xf32, #tpu.memory_space<hbm>> -> memref<1x4x128xf32, #tpu.memory_space<hbm>>
        %dma_start3A_1345 = tpu.memref_squeeze %dma_start3A_1344 : memref<1x4x128xf32, #tpu.memory_space<hbm>> -> memref<4x128xf32, #tpu.memory_space<hbm>>
        tpu.enqueue_dma source(%dma_start3A_1345 : memref<4x128xf32, #tpu.memory_space<hbm>>) target(%arg8 : memref<4x128xf32, #tpu.memory_space<vmem>>) target_semaphore(%run_scoped3A : memref<!tpu.dma_semaphore, #tpu.memory_space<semaphore_mem>>)
        %dma_wait3A = arith.constant 0 : i32
        %dma_wait3A_1346 = arith.constant 0 : i32
        %dma_wait3A_1347 = tpu.memref_slice %arg4[%add3A_11, %dma_wait3A, %dma_wait3A_1346] : memref<1024x4x128xf32, #tpu.memory_space<hbm>> -> memref<1x4x128xf32, #tpu.memory_space<hbm>>
        %dma_wait3A_1348 = tpu.memref_squeeze %dma_wait3A_1347 : memref<1x4x128xf32, #tpu.memory_space<hbm>> -> memref<4x128xf32, #tpu.memory_space<hbm>>
        %dma_wait3A_1349 = arith.constant 0 : i32
        %dma_wait3A_1350 = arith.constant 0 : i32
        %dma_wait3A_1351 = tpu.memref_slice %arg4[%add3A_11, %dma_wait3A_1349, %dma_wait3A_1350] : memref<1024x4x128xf32, #tpu.memory_space<hbm>> -> memref<1x4x128xf32, #tpu.memory_space<hbm>>
        %dma_wait3A_1352 = tpu.memref_squeeze %dma_wait3A_1351 : memref<1x4x128xf32, #tpu.memory_space<hbm>> -> memref<4x128xf32, #tpu.memory_space<hbm>>
        tpu.wait_dma2 semaphore(%run_scoped3A : memref<!tpu.dma_semaphore, #tpu.memory_space<semaphore_mem>>) src(%dma_wait3A_1352 : memref<4x128xf32, #tpu.memory_space<hbm>>) dst(%arg8 : memref<4x128xf32, #tpu.memory_space<vmem>>)
        tpu.yield
      }) : () -> ()
      %broadcast_in_dim3A = arith.constant 0 : i32
      %broadcast_in_dim3A_12 = vector.broadcast %broadcast_in_dim3A : i32 to vector<16xi32>
      %get3A = arith.constant 0 : i32
      %get3A_13 = arith.index_cast %get3A : i32 to index
      %get3A_14 = arith.constant 0 : index
      %get3A_15 = tpu.vector_load %arg7[%get3A_13, %get3A_14] {strides = array<i32>} : memref<30x128xf32, #tpu.memory_space<vmem>>, vector<16xf32>,
      %get3A_16 = arith.constant 1 : i32
      %get3A_17 = arith.index_cast %get3A_16 : i32 to index
      %get3A_18 = arith.constant 0 : index
      %get3A_19 = tpu.vector_load %arg7[%get3A_17, %get3A_18] {strides = array<i32>} : memref<30x128xf32, #tpu.memory_space<vmem>>, vector<16xf32>,
      %broadcast_in_dim3A_20 = arith.constant 0x7F800000 : f32
      %broadcast_in_dim3A_21 = vector.broadcast %broadcast_in_dim3A_20 : f32 to vector<16xf32>
      %broadcast_in_dim3A_22 = arith.constant 0 : i32
      %broadcast_in_dim3A_23 = vector.broadcast %broadcast_in_dim3A_22 : i32 to vector<16xi32>
      %scan3A_24 = arith.constant 0 : i32
      %scan3A_25 = arith.constant 128 : i32
      %scan3A_26 = arith.addi %scan3A_24, %scan3A_25 : i32
      %scan3A_27 = arith.constant 1 : i32
      %scan3A_28:2 = scf.for %scan3A_1339 = %scan3A_24 to %scan3A_26 step %scan3A_27 iter_args(%scan3A_1340 = %broadcast_in_dim3A_21, %scan3A_1341 = %broadcast_in_dim3A_23) -> (vector<16xf32>, vector<16xi32>)  : i32 {
        %mul3A_1342 = arith.constant 16 : i32
        %mul3A_1343 = arith.muli %scan3A_1339, %mul3A_1342 : i32
        %get3A_1344 = arith.constant 0 : i32
        %get3A_1345 = arith.index_cast %get3A_1344 : i32 to index
        %get3A_1346 = arith.index_cast %mul3A_1343 : i32 to index
        %get3A_1347 = tpu.vector_load %arg6[%get3A_1345, %get3A_1346] {strides = array<i32>} : memref<3x2048xf32, #tpu.memory_space<vmem>>, vector<16xf32>,
        %mul3A_1348 = arith.constant 16 : i32
        %mul3A_1349 = arith.muli %scan3A_1339, %mul3A_1348 : i32
        %get3A_1350 = arith.constant 1 : i32
        %get3A_1351 = arith.index_cast %get3A_1350 : i32 to index
        %get3A_1352 = arith.index_cast %mul3A_1349 : i32 to index
        %get3A_1353 = tpu.vector_load %arg6[%get3A_1351, %get3A_1352] {strides = array<i32>} : memref<3x2048xf32, #tpu.memory_space<vmem>>, vector<16xf32>,
        %sub3A = arith.subf %get3A_1347, %get3A_15 : vector<16xf32>
        %sub3A_1354 = arith.subf %get3A_1353, %get3A_19 : vector<16xf32>
        %mul3A_1355 = arith.mulf %sub3A, %sub3A : vector<16xf32>
        %mul3A_1356 = arith.mulf %sub3A_1354, %sub3A_1354 : vector<16xf32>
        %add3A_1357 = arith.addf %mul3A_1355, %mul3A_1356 : vector<16xf32>
        %lt3A_1358 = arith.cmpf olt, %add3A_1357, %scan3A_1340 : vector<16xf32>
        %mul3A_1359 = arith.constant 16 : i32
        %mul3A_1360 = arith.muli %scan3A_1339, %mul3A_1359 : i32
        %add3A_1361 = vector.broadcast %mul3A_1360 : i32 to vector<16xi32>
        %add3A_1362 = arith.addi %add3A_1361, %iota3A : vector<16xi32>
        %select_n3A_1363 = arith.select %lt3A_1358, %add3A_1357, %scan3A_1340 : vector<16xi1>, vector<16xf32>
        %select_n3A_1364 = arith.select %lt3A_1358, %add3A_1362, %scan3A_1341 : vector<16xi1>, vector<16xi32>
        scf.yield %select_n3A_1363, %select_n3A_1364 : vector<16xf32>, vector<16xi32>
      }
      %scan3A_29 = arith.constant 128 : i32
      %swap3A = arith.constant 0 : index
      %swap3A_30 = tpu.vector_load %arg10[%swap3A] {strides = array<i32>} : memref<128xf32, #tpu.memory_space<vmem>>, vector<16xf32>,
      tpu.vector_store %arg10[%swap3A], %scan3A_28#0 {strides = array<i32>} : memref<128xf32, #tpu.memory_space<vmem>>, vector<16xf32>,
      %swap3A_31 = arith.constant 0 : index
      %swap3A_32 = tpu.vector_load %arg11[%swap3A_31] {strides = array<i32>} : memref<128xi32, #tpu.memory_space<vmem>>, vector<16xi32>,
      tpu.vector_store %arg11[%swap3A_31], %scan3A_28#1 {strides = array<i32>} : memref<128xi32, #tpu.memory_space<vmem>>, vector<16xi32>,
      %xor3A = arith.constant 8 : i32
      %xor3A_33 = vector.broadcast %xor3A : i32 to vector<16xi32>
      %xor3A_34 = arith.xori %iota3A, %xor3A_33 : vector<16xi32>
      %gather3A = tpu.vector_load_idx %arg10[%xor3A_34] : memref<128xf32, #tpu.memory_space<vmem>>[vector<16xi32>], vector<16xf32>,
      %gather3A_35 = tpu.vector_load_idx %arg11[%xor3A_34] : memref<128xi32, #tpu.memory_space<vmem>>[vector<16xi32>], vector<16xi32>,
      %lt3A = arith.cmpf olt, %gather3A, %scan3A_28#0 : vector<16xf32>
      %eq3A = arith.cmpf oeq, %gather3A, %scan3A_28#0 : vector<16xf32>
      %lt3A_36 = arith.cmpi slt, %gather3A_35, %scan3A_28#1 : vector<16xi32>
      %and3A = arith.andi %eq3A, %lt3A_36 : vector<16xi1>
      %or3A = arith.ori %lt3A, %and3A : vector<16xi1>
      %select_n3A = arith.select %or3A, %gather3A, %scan3A_28#0 : vector<16xi1>, vector<16xf32>
      %select_n3A_37 = arith.select %or3A, %gather3A_35, %scan3A_28#1 : vector<16xi1>, vector<16xi32>
      %swap3A_38 = arith.constant 0 : index
      %swap3A_39 = tpu.vector_load %arg10[%swap3A_38] {strides = array<i32>} : memref<128xf32, #tpu.memory_space<vmem>>, vector<16xf32>,
      tpu.vector_store %arg10[%swap3A_38], %select_n3A {strides = array<i32>} : memref<128xf32, #tpu.memory_space<vmem>>, vector<16xf32>,
      %swap3A_40 = arith.constant 0 : index
      %swap3A_41 = tpu.vector_load %arg11[%swap3A_40] {strides = array<i32>} : memref<128xi32, #tpu.memory_space<vmem>>, vector<16xi32>,
      tpu.vector_store %arg11[%swap3A_40], %select_n3A_37 {strides = array<i32>} : memref<128xi32, #tpu.memory_space<vmem>>, vector<16xi32>,
      %xor3A_42 = arith.constant 4 : i32
      %xor3A_43 = vector.broadcast %xor3A_42 : i32 to vector<16xi32>
      %xor3A_44 = arith.xori %iota3A, %xor3A_43 : vector<16xi32>
      %gather3A_45 = tpu.vector_load_idx %arg10[%xor3A_44] : memref<128xf32, #tpu.memory_space<vmem>>[vector<16xi32>], vector<16xf32>,
      %gather3A_46 = tpu.vector_load_idx %arg11[%xor3A_44] : memref<128xi32, #tpu.memory_space<vmem>>[vector<16xi32>], vector<16xi32>,
      %lt3A_47 = arith.cmpf olt, %gather3A_45, %select_n3A : vector<16xf32>
      %eq3A_48 = arith.cmpf oeq, %gather3A_45, %select_n3A : vector<16xf32>
      %lt3A_49 = arith.cmpi slt, %gather3A_46, %select_n3A_37 : vector<16xi32>
      %and3A_50 = arith.andi %eq3A_48, %lt3A_49 : vector<16xi1>
      %or3A_51 = arith.ori %lt3A_47, %and3A_50 : vector<16xi1>
      %select_n3A_52 = arith.select %or3A_51, %gather3A_45, %select_n3A : vector<16xi1>, vector<16xf32>
      %select_n3A_53 = arith.select %or3A_51, %gather3A_46, %select_n3A_37 : vector<16xi1>, vector<16xi32>
      %swap3A_54 = arith.constant 0 : index
      %swap3A_55 = tpu.vector_load %arg10[%swap3A_54] {strides = array<i32>} : memref<128xf32, #tpu.memory_space<vmem>>, vector<16xf32>,
      tpu.vector_store %arg10[%swap3A_54], %select_n3A_52 {strides = array<i32>} : memref<128xf32, #tpu.memory_space<vmem>>, vector<16xf32>,
      %swap3A_56 = arith.constant 0 : index
      %swap3A_57 = tpu.vector_load %arg11[%swap3A_56] {strides = array<i32>} : memref<128xi32, #tpu.memory_space<vmem>>, vector<16xi32>,
      tpu.vector_store %arg11[%swap3A_56], %select_n3A_53 {strides = array<i32>} : memref<128xi32, #tpu.memory_space<vmem>>, vector<16xi32>,
      %xor3A_58 = arith.constant 2 : i32
      %xor3A_59 = vector.broadcast %xor3A_58 : i32 to vector<16xi32>
      %xor3A_60 = arith.xori %iota3A, %xor3A_59 : vector<16xi32>
      %gather3A_61 = tpu.vector_load_idx %arg10[%xor3A_60] : memref<128xf32, #tpu.memory_space<vmem>>[vector<16xi32>], vector<16xf32>,
      %gather3A_62 = tpu.vector_load_idx %arg11[%xor3A_60] : memref<128xi32, #tpu.memory_space<vmem>>[vector<16xi32>], vector<16xi32>,
      %lt3A_63 = arith.cmpf olt, %gather3A_61, %select_n3A_52 : vector<16xf32>
      %eq3A_64 = arith.cmpf oeq, %gather3A_61, %select_n3A_52 : vector<16xf32>
      %lt3A_65 = arith.cmpi slt, %gather3A_62, %select_n3A_53 : vector<16xi32>
      %and3A_66 = arith.andi %eq3A_64, %lt3A_65 : vector<16xi1>
      %or3A_67 = arith.ori %lt3A_63, %and3A_66 : vector<16xi1>
      %select_n3A_68 = arith.select %or3A_67, %gather3A_61, %select_n3A_52 : vector<16xi1>, vector<16xf32>
      %select_n3A_69 = arith.select %or3A_67, %gather3A_62, %select_n3A_53 : vector<16xi1>, vector<16xi32>
      %swap3A_70 = arith.constant 0 : index
      %swap3A_71 = tpu.vector_load %arg10[%swap3A_70] {strides = array<i32>} : memref<128xf32, #tpu.memory_space<vmem>>, vector<16xf32>,
      tpu.vector_store %arg10[%swap3A_70], %select_n3A_68 {strides = array<i32>} : memref<128xf32, #tpu.memory_space<vmem>>, vector<16xf32>,
      %swap3A_72 = arith.constant 0 : index
      %swap3A_73 = tpu.vector_load %arg11[%swap3A_72] {strides = array<i32>} : memref<128xi32, #tpu.memory_space<vmem>>, vector<16xi32>,
      tpu.vector_store %arg11[%swap3A_72], %select_n3A_69 {strides = array<i32>} : memref<128xi32, #tpu.memory_space<vmem>>, vector<16xi32>,
      %xor3A_74 = arith.constant 1 : i32
      %xor3A_75 = vector.broadcast %xor3A_74 : i32 to vector<16xi32>
      %xor3A_76 = arith.xori %iota3A, %xor3A_75 : vector<16xi32>
      %gather3A_77 = tpu.vector_load_idx %arg10[%xor3A_76] : memref<128xf32, #tpu.memory_space<vmem>>[vector<16xi32>], vector<16xf32>,
      %gather3A_78 = tpu.vector_load_idx %arg11[%xor3A_76] : memref<128xi32, #tpu.memory_space<vmem>>[vector<16xi32>], vector<16xi32>,
      %lt3A_79 = arith.cmpf olt, %gather3A_77, %select_n3A_68 : vector<16xf32>
      %eq3A_80 = arith.cmpf oeq, %gather3A_77, %select_n3A_68 : vector<16xf32>
      %lt3A_81 = arith.cmpi slt, %gather3A_78, %select_n3A_69 : vector<16xi32>
      %and3A_82 = arith.andi %eq3A_80, %lt3A_81 : vector<16xi1>
      %or3A_83 = arith.ori %lt3A_79, %and3A_82 : vector<16xi1>
      %select_n3A_84 = arith.select %or3A_83, %gather3A_77, %select_n3A_68 : vector<16xi1>, vector<16xf32>
      %select_n3A_85 = arith.select %or3A_83, %gather3A_78, %select_n3A_69 : vector<16xi1>, vector<16xi32>
      %eq3A_86 = arith.constant 0 : i32
      %eq3A_87 = vector.broadcast %eq3A_86 : i32 to vector<16xi32>
      %eq3A_88 = arith.cmpi eq, %iota3A, %eq3A_87 : vector<16xi32>
      %select_n3A_89 = arith.select %eq3A_88, %select_n3A_85, %broadcast_in_dim3A_12 : vector<16xi1>, vector<16xi32>
      %get3A_90 = arith.constant 2 : i32
      %get3A_91 = arith.index_cast %get3A_90 : i32 to index
      %get3A_92 = arith.constant 0 : index
      %get3A_93 = tpu.vector_load %arg7[%get3A_91, %get3A_92] {strides = array<i32>} : memref<30x128xf32, #tpu.memory_space<vmem>>, vector<16xf32>,
      %get3A_94 = arith.constant 3 : i32
      %get3A_95 = arith.index_cast %get3A_94 : i32 to index
      %get3A_96 = arith.constant 0 : index
      %get3A_97 = tpu.vector_load %arg7[%get3A_95, %get3A_96] {strides = array<i32>} : memref<30x128xf32, #tpu.memory_space<vmem>>, vector<16xf32>,
      %broadcast_in_dim3A_98 = arith.constant 0x7F800000 : f32
      %broadcast_in_dim3A_99 = vector.broadcast %broadcast_in_dim3A_98 : f32 to vector<16xf32>
      %broadcast_in_dim3A_100 = arith.constant 0 : i32
      %broadcast_in_dim3A_101 = vector.broadcast %broadcast_in_dim3A_100 : i32 to vector<16xi32>
      %scan3A_102 = arith.constant 0 : i32
      %scan3A_103 = arith.constant 128 : i32
      %scan3A_104 = arith.addi %scan3A_102, %scan3A_103 : i32
      %scan3A_105 = arith.constant 1 : i32
      %scan3A_106:2 = scf.for %scan3A_1339 = %scan3A_102 to %scan3A_104 step %scan3A_105 iter_args(%scan3A_1340 = %broadcast_in_dim3A_99, %scan3A_1341 = %broadcast_in_dim3A_101) -> (vector<16xf32>, vector<16xi32>)  : i32 {
        %mul3A_1342 = arith.constant 16 : i32
        %mul3A_1343 = arith.muli %scan3A_1339, %mul3A_1342 : i32
        %get3A_1344 = arith.constant 0 : i32
        %get3A_1345 = arith.index_cast %get3A_1344 : i32 to index
        %get3A_1346 = arith.index_cast %mul3A_1343 : i32 to index
        %get3A_1347 = tpu.vector_load %arg6[%get3A_1345, %get3A_1346] {strides = array<i32>} : memref<3x2048xf32, #tpu.memory_space<vmem>>, vector<16xf32>,
        %mul3A_1348 = arith.constant 16 : i32
        %mul3A_1349 = arith.muli %scan3A_1339, %mul3A_1348 : i32
        %get3A_1350 = arith.constant 1 : i32
        %get3A_1351 = arith.index_cast %get3A_1350 : i32 to index
        %get3A_1352 = arith.index_cast %mul3A_1349 : i32 to index
        %get3A_1353 = tpu.vector_load %arg6[%get3A_1351, %get3A_1352] {strides = array<i32>} : memref<3x2048xf32, #tpu.memory_space<vmem>>, vector<16xf32>,
        %sub3A = arith.subf %get3A_1347, %get3A_93 : vector<16xf32>
        %sub3A_1354 = arith.subf %get3A_1353, %get3A_97 : vector<16xf32>
        %mul3A_1355 = arith.mulf %sub3A, %sub3A : vector<16xf32>
        %mul3A_1356 = arith.mulf %sub3A_1354, %sub3A_1354 : vector<16xf32>
        %add3A_1357 = arith.addf %mul3A_1355, %mul3A_1356 : vector<16xf32>
        %lt3A_1358 = arith.cmpf olt, %add3A_1357, %scan3A_1340 : vector<16xf32>
        %mul3A_1359 = arith.constant 16 : i32
        %mul3A_1360 = arith.muli %scan3A_1339, %mul3A_1359 : i32
        %add3A_1361 = vector.broadcast %mul3A_1360 : i32 to vector<16xi32>
        %add3A_1362 = arith.addi %add3A_1361, %iota3A : vector<16xi32>
        %select_n3A_1363 = arith.select %lt3A_1358, %add3A_1357, %scan3A_1340 : vector<16xi1>, vector<16xf32>
        %select_n3A_1364 = arith.select %lt3A_1358, %add3A_1362, %scan3A_1341 : vector<16xi1>, vector<16xi32>
        scf.yield %select_n3A_1363, %select_n3A_1364 : vector<16xf32>, vector<16xi32>
      }
      %scan3A_107 = arith.constant 128 : i32
      %swap3A_108 = arith.constant 0 : index
      %swap3A_109 = tpu.vector_load %arg10[%swap3A_108] {strides = array<i32>} : memref<128xf32, #tpu.memory_space<vmem>>, vector<16xf32>,
      tpu.vector_store %arg10[%swap3A_108], %scan3A_106#0 {strides = array<i32>} : memref<128xf32, #tpu.memory_space<vmem>>, vector<16xf32>,
      %swap3A_110 = arith.constant 0 : index
      %swap3A_111 = tpu.vector_load %arg11[%swap3A_110] {strides = array<i32>} : memref<128xi32, #tpu.memory_space<vmem>>, vector<16xi32>,
      tpu.vector_store %arg11[%swap3A_110], %scan3A_106#1 {strides = array<i32>} : memref<128xi32, #tpu.memory_space<vmem>>, vector<16xi32>,
      %xor3A_112 = arith.constant 8 : i32
      %xor3A_113 = vector.broadcast %xor3A_112 : i32 to vector<16xi32>
      %xor3A_114 = arith.xori %iota3A, %xor3A_113 : vector<16xi32>
      %gather3A_115 = tpu.vector_load_idx %arg10[%xor3A_114] : memref<128xf32, #tpu.memory_space<vmem>>[vector<16xi32>], vector<16xf32>,
      %gather3A_116 = tpu.vector_load_idx %arg11[%xor3A_114] : memref<128xi32, #tpu.memory_space<vmem>>[vector<16xi32>], vector<16xi32>,
      %lt3A_117 = arith.cmpf olt, %gather3A_115, %scan3A_106#0 : vector<16xf32>
      %eq3A_118 = arith.cmpf oeq, %gather3A_115, %scan3A_106#0 : vector<16xf32>
      %lt3A_119 = arith.cmpi slt, %gather3A_116, %scan3A_106#1 : vector<16xi32>
      %and3A_120 = arith.andi %eq3A_118, %lt3A_119 : vector<16xi1>
      %or3A_121 = arith.ori %lt3A_117, %and3A_120 : vector<16xi1>
      %select_n3A_122 = arith.select %or3A_121, %gather3A_115, %scan3A_106#0 : vector<16xi1>, vector<16xf32>
      %select_n3A_123 = arith.select %or3A_121, %gather3A_116, %scan3A_106#1 : vector<16xi1>, vector<16xi32>
      %swap3A_124 = arith.constant 0 : index
      %swap3A_125 = tpu.vector_load %arg10[%swap3A_124] {strides = array<i32>} : memref<128xf32, #tpu.memory_space<vmem>>, vector<16xf32>,
      tpu.vector_store %arg10[%swap3A_124], %select_n3A_122 {strides = array<i32>} : memref<128xf32, #tpu.memory_space<vmem>>, vector<16xf32>,
      %swap3A_126 = arith.constant 0 : index
      %swap3A_127 = tpu.vector_load %arg11[%swap3A_126] {strides = array<i32>} : memref<128xi32, #tpu.memory_space<vmem>>, vector<16xi32>,
      tpu.vector_store %arg11[%swap3A_126], %select_n3A_123 {strides = array<i32>} : memref<128xi32, #tpu.memory_space<vmem>>, vector<16xi32>,
      %xor3A_128 = arith.constant 4 : i32
      %xor3A_129 = vector.broadcast %xor3A_128 : i32 to vector<16xi32>
      %xor3A_130 = arith.xori %iota3A, %xor3A_129 : vector<16xi32>
      %gather3A_131 = tpu.vector_load_idx %arg10[%xor3A_130] : memref<128xf32, #tpu.memory_space<vmem>>[vector<16xi32>], vector<16xf32>,
      %gather3A_132 = tpu.vector_load_idx %arg11[%xor3A_130] : memref<128xi32, #tpu.memory_space<vmem>>[vector<16xi32>], vector<16xi32>,
      %lt3A_133 = arith.cmpf olt, %gather3A_131, %select_n3A_122 : vector<16xf32>
      %eq3A_134 = arith.cmpf oeq, %gather3A_131, %select_n3A_122 : vector<16xf32>
      %lt3A_135 = arith.cmpi slt, %gather3A_132, %select_n3A_123 : vector<16xi32>
      %and3A_136 = arith.andi %eq3A_134, %lt3A_135 : vector<16xi1>
      %or3A_137 = arith.ori %lt3A_133, %and3A_136 : vector<16xi1>
      %select_n3A_138 = arith.select %or3A_137, %gather3A_131, %select_n3A_122 : vector<16xi1>, vector<16xf32>
      %select_n3A_139 = arith.select %or3A_137, %gather3A_132, %select_n3A_123 : vector<16xi1>, vector<16xi32>
      %swap3A_140 = arith.constant 0 : index
      %swap3A_141 = tpu.vector_load %arg10[%swap3A_140] {strides = array<i32>} : memref<128xf32, #tpu.memory_space<vmem>>, vector<16xf32>,
      tpu.vector_store %arg10[%swap3A_140], %select_n3A_138 {strides = array<i32>} : memref<128xf32, #tpu.memory_space<vmem>>, vector<16xf32>,
      %swap3A_142 = arith.constant 0 : index
      %swap3A_143 = tpu.vector_load %arg11[%swap3A_142] {strides = array<i32>} : memref<128xi32, #tpu.memory_space<vmem>>, vector<16xi32>,
      tpu.vector_store %arg11[%swap3A_142], %select_n3A_139 {strides = array<i32>} : memref<128xi32, #tpu.memory_space<vmem>>, vector<16xi32>,
      %xor3A_144 = arith.constant 2 : i32
      %xor3A_145 = vector.broadcast %xor3A_144 : i32 to vector<16xi32>
      %xor3A_146 = arith.xori %iota3A, %xor3A_145 : vector<16xi32>
      %gather3A_147 = tpu.vector_load_idx %arg10[%xor3A_146] : memref<128xf32, #tpu.memory_space<vmem>>[vector<16xi32>], vector<16xf32>,
      %gather3A_148 = tpu.vector_load_idx %arg11[%xor3A_146] : memref<128xi32, #tpu.memory_space<vmem>>[vector<16xi32>], vector<16xi32>,
      %lt3A_149 = arith.cmpf olt, %gather3A_147, %select_n3A_138 : vector<16xf32>
      %eq3A_150 = arith.cmpf oeq, %gather3A_147, %select_n3A_138 : vector<16xf32>
      %lt3A_151 = arith.cmpi slt, %gather3A_148, %select_n3A_139 : vector<16xi32>
      %and3A_152 = arith.andi %eq3A_150, %lt3A_151 : vector<16xi1>
      %or3A_153 = arith.ori %lt3A_149, %and3A_152 : vector<16xi1>
      %select_n3A_154 = arith.select %or3A_153, %gather3A_147, %select_n3A_138 : vector<16xi1>, vector<16xf32>
      %select_n3A_155 = arith.select %or3A_153, %gather3A_148, %select_n3A_139 : vector<16xi1>, vector<16xi32>
      %swap3A_156 = arith.constant 0 : index
      %swap3A_157 = tpu.vector_load %arg10[%swap3A_156] {strides = array<i32>} : memref<128xf32, #tpu.memory_space<vmem>>, vector<16xf32>,
      tpu.vector_store %arg10[%swap3A_156], %select_n3A_154 {strides = array<i32>} : memref<128xf32, #tpu.memory_space<vmem>>, vector<16xf32>,
      %swap3A_158 = arith.constant 0 : index
      %swap3A_159 = tpu.vector_load %arg11[%swap3A_158] {strides = array<i32>} : memref<128xi32, #tpu.memory_space<vmem>>, vector<16xi32>,
      tpu.vector_store %arg11[%swap3A_158], %select_n3A_155 {strides = array<i32>} : memref<128xi32, #tpu.memory_space<vmem>>, vector<16xi32>,
      %xor3A_160 = arith.constant 1 : i32
      %xor3A_161 = vector.broadcast %xor3A_160 : i32 to vector<16xi32>
      %xor3A_162 = arith.xori %iota3A, %xor3A_161 : vector<16xi32>
      %gather3A_163 = tpu.vector_load_idx %arg10[%xor3A_162] : memref<128xf32, #tpu.memory_space<vmem>>[vector<16xi32>], vector<16xf32>,
      %gather3A_164 = tpu.vector_load_idx %arg11[%xor3A_162] : memref<128xi32, #tpu.memory_space<vmem>>[vector<16xi32>], vector<16xi32>,
      %lt3A_165 = arith.cmpf olt, %gather3A_163, %select_n3A_154 : vector<16xf32>
      %eq3A_166 = arith.cmpf oeq, %gather3A_163, %select_n3A_154 : vector<16xf32>
      %lt3A_167 = arith.cmpi slt, %gather3A_164, %select_n3A_155 : vector<16xi32>
      %and3A_168 = arith.andi %eq3A_166, %lt3A_167 : vector<16xi1>
      %or3A_169 = arith.ori %lt3A_165, %and3A_168 : vector<16xi1>
      %select_n3A_170 = arith.select %or3A_169, %gather3A_163, %select_n3A_154 : vector<16xi1>, vector<16xf32>
      %select_n3A_171 = arith.select %or3A_169, %gather3A_164, %select_n3A_155 : vector<16xi1>, vector<16xi32>
      %eq3A_172 = arith.constant 1 : i32
      %eq3A_173 = vector.broadcast %eq3A_172 : i32 to vector<16xi32>
      %eq3A_174 = arith.cmpi eq, %iota3A, %eq3A_173 : vector<16xi32>
      %select_n3A_175 = arith.select %eq3A_174, %select_n3A_171, %select_n3A_89 : vector<16xi1>, vector<16xi32>
      %get3A_176 = arith.constant 4 : i32
      %get3A_177 = arith.index_cast %get3A_176 : i32 to index
      %get3A_178 = arith.constant 0 : index
      %get3A_179 = tpu.vector_load %arg7[%get3A_177, %get3A_178] {strides = array<i32>} : memref<30x128xf32, #tpu.memory_space<vmem>>, vector<16xf32>,
      %get3A_180 = arith.constant 5 : i32
      %get3A_181 = arith.index_cast %get3A_180 : i32 to index
      %get3A_182 = arith.constant 0 : index
      %get3A_183 = tpu.vector_load %arg7[%get3A_181, %get3A_182] {strides = array<i32>} : memref<30x128xf32, #tpu.memory_space<vmem>>, vector<16xf32>,
      %broadcast_in_dim3A_184 = arith.constant 0x7F800000 : f32
      %broadcast_in_dim3A_185 = vector.broadcast %broadcast_in_dim3A_184 : f32 to vector<16xf32>
      %broadcast_in_dim3A_186 = arith.constant 0 : i32
      %broadcast_in_dim3A_187 = vector.broadcast %broadcast_in_dim3A_186 : i32 to vector<16xi32>
      %scan3A_188 = arith.constant 0 : i32
      %scan3A_189 = arith.constant 128 : i32
      %scan3A_190 = arith.addi %scan3A_188, %scan3A_189 : i32
      %scan3A_191 = arith.constant 1 : i32
      %scan3A_192:2 = scf.for %scan3A_1339 = %scan3A_188 to %scan3A_190 step %scan3A_191 iter_args(%scan3A_1340 = %broadcast_in_dim3A_185, %scan3A_1341 = %broadcast_in_dim3A_187) -> (vector<16xf32>, vector<16xi32>)  : i32 {
        %mul3A_1342 = arith.constant 16 : i32
        %mul3A_1343 = arith.muli %scan3A_1339, %mul3A_1342 : i32
        %get3A_1344 = arith.constant 0 : i32
        %get3A_1345 = arith.index_cast %get3A_1344 : i32 to index
        %get3A_1346 = arith.index_cast %mul3A_1343 : i32 to index
        %get3A_1347 = tpu.vector_load %arg6[%get3A_1345, %get3A_1346] {strides = array<i32>} : memref<3x2048xf32, #tpu.memory_space<vmem>>, vector<16xf32>,
        %mul3A_1348 = arith.constant 16 : i32
        %mul3A_1349 = arith.muli %scan3A_1339, %mul3A_1348 : i32
        %get3A_1350 = arith.constant 1 : i32
        %get3A_1351 = arith.index_cast %get3A_1350 : i32 to index
        %get3A_1352 = arith.index_cast %mul3A_1349 : i32 to index
        %get3A_1353 = tpu.vector_load %arg6[%get3A_1351, %get3A_1352] {strides = array<i32>} : memref<3x2048xf32, #tpu.memory_space<vmem>>, vector<16xf32>,
        %sub3A = arith.subf %get3A_1347, %get3A_179 : vector<16xf32>
        %sub3A_1354 = arith.subf %get3A_1353, %get3A_183 : vector<16xf32>
        %mul3A_1355 = arith.mulf %sub3A, %sub3A : vector<16xf32>
        %mul3A_1356 = arith.mulf %sub3A_1354, %sub3A_1354 : vector<16xf32>
        %add3A_1357 = arith.addf %mul3A_1355, %mul3A_1356 : vector<16xf32>
        %lt3A_1358 = arith.cmpf olt, %add3A_1357, %scan3A_1340 : vector<16xf32>
        %mul3A_1359 = arith.constant 16 : i32
        %mul3A_1360 = arith.muli %scan3A_1339, %mul3A_1359 : i32
        %add3A_1361 = vector.broadcast %mul3A_1360 : i32 to vector<16xi32>
        %add3A_1362 = arith.addi %add3A_1361, %iota3A : vector<16xi32>
        %select_n3A_1363 = arith.select %lt3A_1358, %add3A_1357, %scan3A_1340 : vector<16xi1>, vector<16xf32>
        %select_n3A_1364 = arith.select %lt3A_1358, %add3A_1362, %scan3A_1341 : vector<16xi1>, vector<16xi32>
        scf.yield %select_n3A_1363, %select_n3A_1364 : vector<16xf32>, vector<16xi32>
      }
      %scan3A_193 = arith.constant 128 : i32
      %swap3A_194 = arith.constant 0 : index
      %swap3A_195 = tpu.vector_load %arg10[%swap3A_194] {strides = array<i32>} : memref<128xf32, #tpu.memory_space<vmem>>, vector<16xf32>,
      tpu.vector_store %arg10[%swap3A_194], %scan3A_192#0 {strides = array<i32>} : memref<128xf32, #tpu.memory_space<vmem>>, vector<16xf32>,
      %swap3A_196 = arith.constant 0 : index
      %swap3A_197 = tpu.vector_load %arg11[%swap3A_196] {strides = array<i32>} : memref<128xi32, #tpu.memory_space<vmem>>, vector<16xi32>,
      tpu.vector_store %arg11[%swap3A_196], %scan3A_192#1 {strides = array<i32>} : memref<128xi32, #tpu.memory_space<vmem>>, vector<16xi32>,
      %xor3A_198 = arith.constant 8 : i32
      %xor3A_199 = vector.broadcast %xor3A_198 : i32 to vector<16xi32>
      %xor3A_200 = arith.xori %iota3A, %xor3A_199 : vector<16xi32>
      %gather3A_201 = tpu.vector_load_idx %arg10[%xor3A_200] : memref<128xf32, #tpu.memory_space<vmem>>[vector<16xi32>], vector<16xf32>,
      %gather3A_202 = tpu.vector_load_idx %arg11[%xor3A_200] : memref<128xi32, #tpu.memory_space<vmem>>[vector<16xi32>], vector<16xi32>,
      %lt3A_203 = arith.cmpf olt, %gather3A_201, %scan3A_192#0 : vector<16xf32>
      %eq3A_204 = arith.cmpf oeq, %gather3A_201, %scan3A_192#0 : vector<16xf32>
      %lt3A_205 = arith.cmpi slt, %gather3A_202, %scan3A_192#1 : vector<16xi32>
      %and3A_206 = arith.andi %eq3A_204, %lt3A_205 : vector<16xi1>
      %or3A_207 = arith.ori %lt3A_203, %and3A_206 : vector<16xi1>
      %select_n3A_208 = arith.select %or3A_207, %gather3A_201, %scan3A_192#0 : vector<16xi1>, vector<16xf32>
      %select_n3A_209 = arith.select %or3A_207, %gather3A_202, %scan3A_192#1 : vector<16xi1>, vector<16xi32>
      %swap3A_210 = arith.constant 0 : index
      %swap3A_211 = tpu.vector_load %arg10[%swap3A_210] {strides = array<i32>} : memref<128xf32, #tpu.memory_space<vmem>>, vector<16xf32>,
      tpu.vector_store %arg10[%swap3A_210], %select_n3A_208 {strides = array<i32>} : memref<128xf32, #tpu.memory_space<vmem>>, vector<16xf32>,
      %swap3A_212 = arith.constant 0 : index
      %swap3A_213 = tpu.vector_load %arg11[%swap3A_212] {strides = array<i32>} : memref<128xi32, #tpu.memory_space<vmem>>, vector<16xi32>,
      tpu.vector_store %arg11[%swap3A_212], %select_n3A_209 {strides = array<i32>} : memref<128xi32, #tpu.memory_space<vmem>>, vector<16xi32>,
      %xor3A_214 = arith.constant 4 : i32
      %xor3A_215 = vector.broadcast %xor3A_214 : i32 to vector<16xi32>
      %xor3A_216 = arith.xori %iota3A, %xor3A_215 : vector<16xi32>
      %gather3A_217 = tpu.vector_load_idx %arg10[%xor3A_216] : memref<128xf32, #tpu.memory_space<vmem>>[vector<16xi32>], vector<16xf32>,
      %gather3A_218 = tpu.vector_load_idx %arg11[%xor3A_216] : memref<128xi32, #tpu.memory_space<vmem>>[vector<16xi32>], vector<16xi32>,
      %lt3A_219 = arith.cmpf olt, %gather3A_217, %select_n3A_208 : vector<16xf32>
      %eq3A_220 = arith.cmpf oeq, %gather3A_217, %select_n3A_208 : vector<16xf32>
      %lt3A_221 = arith.cmpi slt, %gather3A_218, %select_n3A_209 : vector<16xi32>
      %and3A_222 = arith.andi %eq3A_220, %lt3A_221 : vector<16xi1>
      %or3A_223 = arith.ori %lt3A_219, %and3A_222 : vector<16xi1>
      %select_n3A_224 = arith.select %or3A_223, %gather3A_217, %select_n3A_208 : vector<16xi1>, vector<16xf32>
      %select_n3A_225 = arith.select %or3A_223, %gather3A_218, %select_n3A_209 : vector<16xi1>, vector<16xi32>
      %swap3A_226 = arith.constant 0 : index
      %swap3A_227 = tpu.vector_load %arg10[%swap3A_226] {strides = array<i32>} : memref<128xf32, #tpu.memory_space<vmem>>, vector<16xf32>,
      tpu.vector_store %arg10[%swap3A_226], %select_n3A_224 {strides = array<i32>} : memref<128xf32, #tpu.memory_space<vmem>>, vector<16xf32>,
      %swap3A_228 = arith.constant 0 : index
      %swap3A_229 = tpu.vector_load %arg11[%swap3A_228] {strides = array<i32>} : memref<128xi32, #tpu.memory_space<vmem>>, vector<16xi32>,
      tpu.vector_store %arg11[%swap3A_228], %select_n3A_225 {strides = array<i32>} : memref<128xi32, #tpu.memory_space<vmem>>, vector<16xi32>,
      %xor3A_230 = arith.constant 2 : i32
      %xor3A_231 = vector.broadcast %xor3A_230 : i32 to vector<16xi32>
      %xor3A_232 = arith.xori %iota3A, %xor3A_231 : vector<16xi32>
      %gather3A_233 = tpu.vector_load_idx %arg10[%xor3A_232] : memref<128xf32, #tpu.memory_space<vmem>>[vector<16xi32>], vector<16xf32>,
      %gather3A_234 = tpu.vector_load_idx %arg11[%xor3A_232] : memref<128xi32, #tpu.memory_space<vmem>>[vector<16xi32>], vector<16xi32>,
      %lt3A_235 = arith.cmpf olt, %gather3A_233, %select_n3A_224 : vector<16xf32>
      %eq3A_236 = arith.cmpf oeq, %gather3A_233, %select_n3A_224 : vector<16xf32>
      %lt3A_237 = arith.cmpi slt, %gather3A_234, %select_n3A_225 : vector<16xi32>
      %and3A_238 = arith.andi %eq3A_236, %lt3A_237 : vector<16xi1>
      %or3A_239 = arith.ori %lt3A_235, %and3A_238 : vector<16xi1>
      %select_n3A_240 = arith.select %or3A_239, %gather3A_233, %select_n3A_224 : vector<16xi1>, vector<16xf32>
      %select_n3A_241 = arith.select %or3A_239, %gather3A_234, %select_n3A_225 : vector<16xi1>, vector<16xi32>
      %swap3A_242 = arith.constant 0 : index
      %swap3A_243 = tpu.vector_load %arg10[%swap3A_242] {strides = array<i32>} : memref<128xf32, #tpu.memory_space<vmem>>, vector<16xf32>,
      tpu.vector_store %arg10[%swap3A_242], %select_n3A_240 {strides = array<i32>} : memref<128xf32, #tpu.memory_space<vmem>>, vector<16xf32>,
      %swap3A_244 = arith.constant 0 : index
      %swap3A_245 = tpu.vector_load %arg11[%swap3A_244] {strides = array<i32>} : memref<128xi32, #tpu.memory_space<vmem>>, vector<16xi32>,
      tpu.vector_store %arg11[%swap3A_244], %select_n3A_241 {strides = array<i32>} : memref<128xi32, #tpu.memory_space<vmem>>, vector<16xi32>,
      %xor3A_246 = arith.constant 1 : i32
      %xor3A_247 = vector.broadcast %xor3A_246 : i32 to vector<16xi32>
      %xor3A_248 = arith.xori %iota3A, %xor3A_247 : vector<16xi32>
      %gather3A_249 = tpu.vector_load_idx %arg10[%xor3A_248] : memref<128xf32, #tpu.memory_space<vmem>>[vector<16xi32>], vector<16xf32>,
      %gather3A_250 = tpu.vector_load_idx %arg11[%xor3A_248] : memref<128xi32, #tpu.memory_space<vmem>>[vector<16xi32>], vector<16xi32>,
      %lt3A_251 = arith.cmpf olt, %gather3A_249, %select_n3A_240 : vector<16xf32>
      %eq3A_252 = arith.cmpf oeq, %gather3A_249, %select_n3A_240 : vector<16xf32>
      %lt3A_253 = arith.cmpi slt, %gather3A_250, %select_n3A_241 : vector<16xi32>
      %and3A_254 = arith.andi %eq3A_252, %lt3A_253 : vector<16xi1>
      %or3A_255 = arith.ori %lt3A_251, %and3A_254 : vector<16xi1>
      %select_n3A_256 = arith.select %or3A_255, %gather3A_249, %select_n3A_240 : vector<16xi1>, vector<16xf32>
      %select_n3A_257 = arith.select %or3A_255, %gather3A_250, %select_n3A_241 : vector<16xi1>, vector<16xi32>
      %eq3A_258 = arith.constant 2 : i32
      %eq3A_259 = vector.broadcast %eq3A_258 : i32 to vector<16xi32>
      %eq3A_260 = arith.cmpi eq, %iota3A, %eq3A_259 : vector<16xi32>
      %select_n3A_261 = arith.select %eq3A_260, %select_n3A_257, %select_n3A_175 : vector<16xi1>, vector<16xi32>
      %get3A_262 = arith.constant 6 : i32
      %get3A_263 = arith.index_cast %get3A_262 : i32 to index
      %get3A_264 = arith.constant 0 : index
      %get3A_265 = tpu.vector_load %arg7[%get3A_263, %get3A_264] {strides = array<i32>} : memref<30x128xf32, #tpu.memory_space<vmem>>, vector<16xf32>,
      %get3A_266 = arith.constant 7 : i32
      %get3A_267 = arith.index_cast %get3A_266 : i32 to index
      %get3A_268 = arith.constant 0 : index
      %get3A_269 = tpu.vector_load %arg7[%get3A_267, %get3A_268] {strides = array<i32>} : memref<30x128xf32, #tpu.memory_space<vmem>>, vector<16xf32>,
      %broadcast_in_dim3A_270 = arith.constant 0x7F800000 : f32
      %broadcast_in_dim3A_271 = vector.broadcast %broadcast_in_dim3A_270 : f32 to vector<16xf32>
      %broadcast_in_dim3A_272 = arith.constant 0 : i32
      %broadcast_in_dim3A_273 = vector.broadcast %broadcast_in_dim3A_272 : i32 to vector<16xi32>
      %scan3A_274 = arith.constant 0 : i32
      %scan3A_275 = arith.constant 128 : i32
      %scan3A_276 = arith.addi %scan3A_274, %scan3A_275 : i32
      %scan3A_277 = arith.constant 1 : i32
      %scan3A_278:2 = scf.for %scan3A_1339 = %scan3A_274 to %scan3A_276 step %scan3A_277 iter_args(%scan3A_1340 = %broadcast_in_dim3A_271, %scan3A_1341 = %broadcast_in_dim3A_273) -> (vector<16xf32>, vector<16xi32>)  : i32 {
        %mul3A_1342 = arith.constant 16 : i32
        %mul3A_1343 = arith.muli %scan3A_1339, %mul3A_1342 : i32
        %get3A_1344 = arith.constant 0 : i32
        %get3A_1345 = arith.index_cast %get3A_1344 : i32 to index
        %get3A_1346 = arith.index_cast %mul3A_1343 : i32 to index
        %get3A_1347 = tpu.vector_load %arg6[%get3A_1345, %get3A_1346] {strides = array<i32>} : memref<3x2048xf32, #tpu.memory_space<vmem>>, vector<16xf32>,
        %mul3A_1348 = arith.constant 16 : i32
        %mul3A_1349 = arith.muli %scan3A_1339, %mul3A_1348 : i32
        %get3A_1350 = arith.constant 1 : i32
        %get3A_1351 = arith.index_cast %get3A_1350 : i32 to index
        %get3A_1352 = arith.index_cast %mul3A_1349 : i32 to index
        %get3A_1353 = tpu.vector_load %arg6[%get3A_1351, %get3A_1352] {strides = array<i32>} : memref<3x2048xf32, #tpu.memory_space<vmem>>, vector<16xf32>,
        %sub3A = arith.subf %get3A_1347, %get3A_265 : vector<16xf32>
        %sub3A_1354 = arith.subf %get3A_1353, %get3A_269 : vector<16xf32>
        %mul3A_1355 = arith.mulf %sub3A, %sub3A : vector<16xf32>
        %mul3A_1356 = arith.mulf %sub3A_1354, %sub3A_1354 : vector<16xf32>
        %add3A_1357 = arith.addf %mul3A_1355, %mul3A_1356 : vector<16xf32>
        %lt3A_1358 = arith.cmpf olt, %add3A_1357, %scan3A_1340 : vector<16xf32>
        %mul3A_1359 = arith.constant 16 : i32
        %mul3A_1360 = arith.muli %scan3A_1339, %mul3A_1359 : i32
        %add3A_1361 = vector.broadcast %mul3A_1360 : i32 to vector<16xi32>
        %add3A_1362 = arith.addi %add3A_1361, %iota3A : vector<16xi32>
        %select_n3A_1363 = arith.select %lt3A_1358, %add3A_1357, %scan3A_1340 : vector<16xi1>, vector<16xf32>
        %select_n3A_1364 = arith.select %lt3A_1358, %add3A_1362, %scan3A_1341 : vector<16xi1>, vector<16xi32>
        scf.yield %select_n3A_1363, %select_n3A_1364 : vector<16xf32>, vector<16xi32>
      }
      %scan3A_279 = arith.constant 128 : i32
      %swap3A_280 = arith.constant 0 : index
      %swap3A_281 = tpu.vector_load %arg10[%swap3A_280] {strides = array<i32>} : memref<128xf32, #tpu.memory_space<vmem>>, vector<16xf32>,
      tpu.vector_store %arg10[%swap3A_280], %scan3A_278#0 {strides = array<i32>} : memref<128xf32, #tpu.memory_space<vmem>>, vector<16xf32>,
      %swap3A_282 = arith.constant 0 : index
      %swap3A_283 = tpu.vector_load %arg11[%swap3A_282] {strides = array<i32>} : memref<128xi32, #tpu.memory_space<vmem>>, vector<16xi32>,
      tpu.vector_store %arg11[%swap3A_282], %scan3A_278#1 {strides = array<i32>} : memref<128xi32, #tpu.memory_space<vmem>>, vector<16xi32>,
      %xor3A_284 = arith.constant 8 : i32
      %xor3A_285 = vector.broadcast %xor3A_284 : i32 to vector<16xi32>
      %xor3A_286 = arith.xori %iota3A, %xor3A_285 : vector<16xi32>
      %gather3A_287 = tpu.vector_load_idx %arg10[%xor3A_286] : memref<128xf32, #tpu.memory_space<vmem>>[vector<16xi32>], vector<16xf32>,
      %gather3A_288 = tpu.vector_load_idx %arg11[%xor3A_286] : memref<128xi32, #tpu.memory_space<vmem>>[vector<16xi32>], vector<16xi32>,
      %lt3A_289 = arith.cmpf olt, %gather3A_287, %scan3A_278#0 : vector<16xf32>
      %eq3A_290 = arith.cmpf oeq, %gather3A_287, %scan3A_278#0 : vector<16xf32>
      %lt3A_291 = arith.cmpi slt, %gather3A_288, %scan3A_278#1 : vector<16xi32>
      %and3A_292 = arith.andi %eq3A_290, %lt3A_291 : vector<16xi1>
      %or3A_293 = arith.ori %lt3A_289, %and3A_292 : vector<16xi1>
      %select_n3A_294 = arith.select %or3A_293, %gather3A_287, %scan3A_278#0 : vector<16xi1>, vector<16xf32>
      %select_n3A_295 = arith.select %or3A_293, %gather3A_288, %scan3A_278#1 : vector<16xi1>, vector<16xi32>
      %swap3A_296 = arith.constant 0 : index
      %swap3A_297 = tpu.vector_load %arg10[%swap3A_296] {strides = array<i32>} : memref<128xf32, #tpu.memory_space<vmem>>, vector<16xf32>,
      tpu.vector_store %arg10[%swap3A_296], %select_n3A_294 {strides = array<i32>} : memref<128xf32, #tpu.memory_space<vmem>>, vector<16xf32>,
      %swap3A_298 = arith.constant 0 : index
      %swap3A_299 = tpu.vector_load %arg11[%swap3A_298] {strides = array<i32>} : memref<128xi32, #tpu.memory_space<vmem>>, vector<16xi32>,
      tpu.vector_store %arg11[%swap3A_298], %select_n3A_295 {strides = array<i32>} : memref<128xi32, #tpu.memory_space<vmem>>, vector<16xi32>,
      %xor3A_300 = arith.constant 4 : i32
      %xor3A_301 = vector.broadcast %xor3A_300 : i32 to vector<16xi32>
      %xor3A_302 = arith.xori %iota3A, %xor3A_301 : vector<16xi32>
      %gather3A_303 = tpu.vector_load_idx %arg10[%xor3A_302] : memref<128xf32, #tpu.memory_space<vmem>>[vector<16xi32>], vector<16xf32>,
      %gather3A_304 = tpu.vector_load_idx %arg11[%xor3A_302] : memref<128xi32, #tpu.memory_space<vmem>>[vector<16xi32>], vector<16xi32>,
      %lt3A_305 = arith.cmpf olt, %gather3A_303, %select_n3A_294 : vector<16xf32>
      %eq3A_306 = arith.cmpf oeq, %gather3A_303, %select_n3A_294 : vector<16xf32>
      %lt3A_307 = arith.cmpi slt, %gather3A_304, %select_n3A_295 : vector<16xi32>
      %and3A_308 = arith.andi %eq3A_306, %lt3A_307 : vector<16xi1>
      %or3A_309 = arith.ori %lt3A_305, %and3A_308 : vector<16xi1>
      %select_n3A_310 = arith.select %or3A_309, %gather3A_303, %select_n3A_294 : vector<16xi1>, vector<16xf32>
      %select_n3A_311 = arith.select %or3A_309, %gather3A_304, %select_n3A_295 : vector<16xi1>, vector<16xi32>
      %swap3A_312 = arith.constant 0 : index
      %swap3A_313 = tpu.vector_load %arg10[%swap3A_312] {strides = array<i32>} : memref<128xf32, #tpu.memory_space<vmem>>, vector<16xf32>,
      tpu.vector_store %arg10[%swap3A_312], %select_n3A_310 {strides = array<i32>} : memref<128xf32, #tpu.memory_space<vmem>>, vector<16xf32>,
      %swap3A_314 = arith.constant 0 : index
      %swap3A_315 = tpu.vector_load %arg11[%swap3A_314] {strides = array<i32>} : memref<128xi32, #tpu.memory_space<vmem>>, vector<16xi32>,
      tpu.vector_store %arg11[%swap3A_314], %select_n3A_311 {strides = array<i32>} : memref<128xi32, #tpu.memory_space<vmem>>, vector<16xi32>,
      %xor3A_316 = arith.constant 2 : i32
      %xor3A_317 = vector.broadcast %xor3A_316 : i32 to vector<16xi32>
      %xor3A_318 = arith.xori %iota3A, %xor3A_317 : vector<16xi32>
      %gather3A_319 = tpu.vector_load_idx %arg10[%xor3A_318] : memref<128xf32, #tpu.memory_space<vmem>>[vector<16xi32>], vector<16xf32>,
      %gather3A_320 = tpu.vector_load_idx %arg11[%xor3A_318] : memref<128xi32, #tpu.memory_space<vmem>>[vector<16xi32>], vector<16xi32>,
      %lt3A_321 = arith.cmpf olt, %gather3A_319, %select_n3A_310 : vector<16xf32>
      %eq3A_322 = arith.cmpf oeq, %gather3A_319, %select_n3A_310 : vector<16xf32>
      %lt3A_323 = arith.cmpi slt, %gather3A_320, %select_n3A_311 : vector<16xi32>
      %and3A_324 = arith.andi %eq3A_322, %lt3A_323 : vector<16xi1>
      %or3A_325 = arith.ori %lt3A_321, %and3A_324 : vector<16xi1>
      %select_n3A_326 = arith.select %or3A_325, %gather3A_319, %select_n3A_310 : vector<16xi1>, vector<16xf32>
      %select_n3A_327 = arith.select %or3A_325, %gather3A_320, %select_n3A_311 : vector<16xi1>, vector<16xi32>
      %swap3A_328 = arith.constant 0 : index
      %swap3A_329 = tpu.vector_load %arg10[%swap3A_328] {strides = array<i32>} : memref<128xf32, #tpu.memory_space<vmem>>, vector<16xf32>,
      tpu.vector_store %arg10[%swap3A_328], %select_n3A_326 {strides = array<i32>} : memref<128xf32, #tpu.memory_space<vmem>>, vector<16xf32>,
      %swap3A_330 = arith.constant 0 : index
      %swap3A_331 = tpu.vector_load %arg11[%swap3A_330] {strides = array<i32>} : memref<128xi32, #tpu.memory_space<vmem>>, vector<16xi32>,
      tpu.vector_store %arg11[%swap3A_330], %select_n3A_327 {strides = array<i32>} : memref<128xi32, #tpu.memory_space<vmem>>, vector<16xi32>,
      %xor3A_332 = arith.constant 1 : i32
      %xor3A_333 = vector.broadcast %xor3A_332 : i32 to vector<16xi32>
      %xor3A_334 = arith.xori %iota3A, %xor3A_333 : vector<16xi32>
      %gather3A_335 = tpu.vector_load_idx %arg10[%xor3A_334] : memref<128xf32, #tpu.memory_space<vmem>>[vector<16xi32>], vector<16xf32>,
      %gather3A_336 = tpu.vector_load_idx %arg11[%xor3A_334] : memref<128xi32, #tpu.memory_space<vmem>>[vector<16xi32>], vector<16xi32>,
      %lt3A_337 = arith.cmpf olt, %gather3A_335, %select_n3A_326 : vector<16xf32>
      %eq3A_338 = arith.cmpf oeq, %gather3A_335, %select_n3A_326 : vector<16xf32>
      %lt3A_339 = arith.cmpi slt, %gather3A_336, %select_n3A_327 : vector<16xi32>
      %and3A_340 = arith.andi %eq3A_338, %lt3A_339 : vector<16xi1>
      %or3A_341 = arith.ori %lt3A_337, %and3A_340 : vector<16xi1>
      %select_n3A_342 = arith.select %or3A_341, %gather3A_335, %select_n3A_326 : vector<16xi1>, vector<16xf32>
      %select_n3A_343 = arith.select %or3A_341, %gather3A_336, %select_n3A_327 : vector<16xi1>, vector<16xi32>
      %eq3A_344 = arith.constant 3 : i32
      %eq3A_345 = vector.broadcast %eq3A_344 : i32 to vector<16xi32>
      %eq3A_346 = arith.cmpi eq, %iota3A, %eq3A_345 : vector<16xi32>
      %select_n3A_347 = arith.select %eq3A_346, %select_n3A_343, %select_n3A_261 : vector<16xi1>, vector<16xi32>
      %get3A_348 = arith.constant 8 : i32
      %get3A_349 = arith.index_cast %get3A_348 : i32 to index
      %get3A_350 = arith.constant 0 : index
      %get3A_351 = tpu.vector_load %arg7[%get3A_349, %get3A_350] {strides = array<i32>} : memref<30x128xf32, #tpu.memory_space<vmem>>, vector<16xf32>,
      %get3A_352 = arith.constant 9 : i32
      %get3A_353 = arith.index_cast %get3A_352 : i32 to index
      %get3A_354 = arith.constant 0 : index
      %get3A_355 = tpu.vector_load %arg7[%get3A_353, %get3A_354] {strides = array<i32>} : memref<30x128xf32, #tpu.memory_space<vmem>>, vector<16xf32>,
      %broadcast_in_dim3A_356 = arith.constant 0x7F800000 : f32
      %broadcast_in_dim3A_357 = vector.broadcast %broadcast_in_dim3A_356 : f32 to vector<16xf32>
      %broadcast_in_dim3A_358 = arith.constant 0 : i32
      %broadcast_in_dim3A_359 = vector.broadcast %broadcast_in_dim3A_358 : i32 to vector<16xi32>
      %scan3A_360 = arith.constant 0 : i32
      %scan3A_361 = arith.constant 128 : i32
      %scan3A_362 = arith.addi %scan3A_360, %scan3A_361 : i32
      %scan3A_363 = arith.constant 1 : i32
      %scan3A_364:2 = scf.for %scan3A_1339 = %scan3A_360 to %scan3A_362 step %scan3A_363 iter_args(%scan3A_1340 = %broadcast_in_dim3A_357, %scan3A_1341 = %broadcast_in_dim3A_359) -> (vector<16xf32>, vector<16xi32>)  : i32 {
        %mul3A_1342 = arith.constant 16 : i32
        %mul3A_1343 = arith.muli %scan3A_1339, %mul3A_1342 : i32
        %get3A_1344 = arith.constant 0 : i32
        %get3A_1345 = arith.index_cast %get3A_1344 : i32 to index
        %get3A_1346 = arith.index_cast %mul3A_1343 : i32 to index
        %get3A_1347 = tpu.vector_load %arg6[%get3A_1345, %get3A_1346] {strides = array<i32>} : memref<3x2048xf32, #tpu.memory_space<vmem>>, vector<16xf32>,
        %mul3A_1348 = arith.constant 16 : i32
        %mul3A_1349 = arith.muli %scan3A_1339, %mul3A_1348 : i32
        %get3A_1350 = arith.constant 1 : i32
        %get3A_1351 = arith.index_cast %get3A_1350 : i32 to index
        %get3A_1352 = arith.index_cast %mul3A_1349 : i32 to index
        %get3A_1353 = tpu.vector_load %arg6[%get3A_1351, %get3A_1352] {strides = array<i32>} : memref<3x2048xf32, #tpu.memory_space<vmem>>, vector<16xf32>,
        %sub3A = arith.subf %get3A_1347, %get3A_351 : vector<16xf32>
        %sub3A_1354 = arith.subf %get3A_1353, %get3A_355 : vector<16xf32>
        %mul3A_1355 = arith.mulf %sub3A, %sub3A : vector<16xf32>
        %mul3A_1356 = arith.mulf %sub3A_1354, %sub3A_1354 : vector<16xf32>
        %add3A_1357 = arith.addf %mul3A_1355, %mul3A_1356 : vector<16xf32>
        %lt3A_1358 = arith.cmpf olt, %add3A_1357, %scan3A_1340 : vector<16xf32>
        %mul3A_1359 = arith.constant 16 : i32
        %mul3A_1360 = arith.muli %scan3A_1339, %mul3A_1359 : i32
        %add3A_1361 = vector.broadcast %mul3A_1360 : i32 to vector<16xi32>
        %add3A_1362 = arith.addi %add3A_1361, %iota3A : vector<16xi32>
        %select_n3A_1363 = arith.select %lt3A_1358, %add3A_1357, %scan3A_1340 : vector<16xi1>, vector<16xf32>
        %select_n3A_1364 = arith.select %lt3A_1358, %add3A_1362, %scan3A_1341 : vector<16xi1>, vector<16xi32>
        scf.yield %select_n3A_1363, %select_n3A_1364 : vector<16xf32>, vector<16xi32>
      }
      %scan3A_365 = arith.constant 128 : i32
      %swap3A_366 = arith.constant 0 : index
      %swap3A_367 = tpu.vector_load %arg10[%swap3A_366] {strides = array<i32>} : memref<128xf32, #tpu.memory_space<vmem>>, vector<16xf32>,
      tpu.vector_store %arg10[%swap3A_366], %scan3A_364#0 {strides = array<i32>} : memref<128xf32, #tpu.memory_space<vmem>>, vector<16xf32>,
      %swap3A_368 = arith.constant 0 : index
      %swap3A_369 = tpu.vector_load %arg11[%swap3A_368] {strides = array<i32>} : memref<128xi32, #tpu.memory_space<vmem>>, vector<16xi32>,
      tpu.vector_store %arg11[%swap3A_368], %scan3A_364#1 {strides = array<i32>} : memref<128xi32, #tpu.memory_space<vmem>>, vector<16xi32>,
      %xor3A_370 = arith.constant 8 : i32
      %xor3A_371 = vector.broadcast %xor3A_370 : i32 to vector<16xi32>
      %xor3A_372 = arith.xori %iota3A, %xor3A_371 : vector<16xi32>
      %gather3A_373 = tpu.vector_load_idx %arg10[%xor3A_372] : memref<128xf32, #tpu.memory_space<vmem>>[vector<16xi32>], vector<16xf32>,
      %gather3A_374 = tpu.vector_load_idx %arg11[%xor3A_372] : memref<128xi32, #tpu.memory_space<vmem>>[vector<16xi32>], vector<16xi32>,
      %lt3A_375 = arith.cmpf olt, %gather3A_373, %scan3A_364#0 : vector<16xf32>
      %eq3A_376 = arith.cmpf oeq, %gather3A_373, %scan3A_364#0 : vector<16xf32>
      %lt3A_377 = arith.cmpi slt, %gather3A_374, %scan3A_364#1 : vector<16xi32>
      %and3A_378 = arith.andi %eq3A_376, %lt3A_377 : vector<16xi1>
      %or3A_379 = arith.ori %lt3A_375, %and3A_378 : vector<16xi1>
      %select_n3A_380 = arith.select %or3A_379, %gather3A_373, %scan3A_364#0 : vector<16xi1>, vector<16xf32>
      %select_n3A_381 = arith.select %or3A_379, %gather3A_374, %scan3A_364#1 : vector<16xi1>, vector<16xi32>
      %swap3A_382 = arith.constant 0 : index
      %swap3A_383 = tpu.vector_load %arg10[%swap3A_382] {strides = array<i32>} : memref<128xf32, #tpu.memory_space<vmem>>, vector<16xf32>,
      tpu.vector_store %arg10[%swap3A_382], %select_n3A_380 {strides = array<i32>} : memref<128xf32, #tpu.memory_space<vmem>>, vector<16xf32>,
      %swap3A_384 = arith.constant 0 : index
      %swap3A_385 = tpu.vector_load %arg11[%swap3A_384] {strides = array<i32>} : memref<128xi32, #tpu.memory_space<vmem>>, vector<16xi32>,
      tpu.vector_store %arg11[%swap3A_384], %select_n3A_381 {strides = array<i32>} : memref<128xi32, #tpu.memory_space<vmem>>, vector<16xi32>,
      %xor3A_386 = arith.constant 4 : i32
      %xor3A_387 = vector.broadcast %xor3A_386 : i32 to vector<16xi32>
      %xor3A_388 = arith.xori %iota3A, %xor3A_387 : vector<16xi32>
      %gather3A_389 = tpu.vector_load_idx %arg10[%xor3A_388] : memref<128xf32, #tpu.memory_space<vmem>>[vector<16xi32>], vector<16xf32>,
      %gather3A_390 = tpu.vector_load_idx %arg11[%xor3A_388] : memref<128xi32, #tpu.memory_space<vmem>>[vector<16xi32>], vector<16xi32>,
      %lt3A_391 = arith.cmpf olt, %gather3A_389, %select_n3A_380 : vector<16xf32>
      %eq3A_392 = arith.cmpf oeq, %gather3A_389, %select_n3A_380 : vector<16xf32>
      %lt3A_393 = arith.cmpi slt, %gather3A_390, %select_n3A_381 : vector<16xi32>
      %and3A_394 = arith.andi %eq3A_392, %lt3A_393 : vector<16xi1>
      %or3A_395 = arith.ori %lt3A_391, %and3A_394 : vector<16xi1>
      %select_n3A_396 = arith.select %or3A_395, %gather3A_389, %select_n3A_380 : vector<16xi1>, vector<16xf32>
      %select_n3A_397 = arith.select %or3A_395, %gather3A_390, %select_n3A_381 : vector<16xi1>, vector<16xi32>
      %swap3A_398 = arith.constant 0 : index
      %swap3A_399 = tpu.vector_load %arg10[%swap3A_398] {strides = array<i32>} : memref<128xf32, #tpu.memory_space<vmem>>, vector<16xf32>,
      tpu.vector_store %arg10[%swap3A_398], %select_n3A_396 {strides = array<i32>} : memref<128xf32, #tpu.memory_space<vmem>>, vector<16xf32>,
      %swap3A_400 = arith.constant 0 : index
      %swap3A_401 = tpu.vector_load %arg11[%swap3A_400] {strides = array<i32>} : memref<128xi32, #tpu.memory_space<vmem>>, vector<16xi32>,
      tpu.vector_store %arg11[%swap3A_400], %select_n3A_397 {strides = array<i32>} : memref<128xi32, #tpu.memory_space<vmem>>, vector<16xi32>,
      %xor3A_402 = arith.constant 2 : i32
      %xor3A_403 = vector.broadcast %xor3A_402 : i32 to vector<16xi32>
      %xor3A_404 = arith.xori %iota3A, %xor3A_403 : vector<16xi32>
      %gather3A_405 = tpu.vector_load_idx %arg10[%xor3A_404] : memref<128xf32, #tpu.memory_space<vmem>>[vector<16xi32>], vector<16xf32>,
      %gather3A_406 = tpu.vector_load_idx %arg11[%xor3A_404] : memref<128xi32, #tpu.memory_space<vmem>>[vector<16xi32>], vector<16xi32>,
      %lt3A_407 = arith.cmpf olt, %gather3A_405, %select_n3A_396 : vector<16xf32>
      %eq3A_408 = arith.cmpf oeq, %gather3A_405, %select_n3A_396 : vector<16xf32>
      %lt3A_409 = arith.cmpi slt, %gather3A_406, %select_n3A_397 : vector<16xi32>
      %and3A_410 = arith.andi %eq3A_408, %lt3A_409 : vector<16xi1>
      %or3A_411 = arith.ori %lt3A_407, %and3A_410 : vector<16xi1>
      %select_n3A_412 = arith.select %or3A_411, %gather3A_405, %select_n3A_396 : vector<16xi1>, vector<16xf32>
      %select_n3A_413 = arith.select %or3A_411, %gather3A_406, %select_n3A_397 : vector<16xi1>, vector<16xi32>
      %swap3A_414 = arith.constant 0 : index
      %swap3A_415 = tpu.vector_load %arg10[%swap3A_414] {strides = array<i32>} : memref<128xf32, #tpu.memory_space<vmem>>, vector<16xf32>,
      tpu.vector_store %arg10[%swap3A_414], %select_n3A_412 {strides = array<i32>} : memref<128xf32, #tpu.memory_space<vmem>>, vector<16xf32>,
      %swap3A_416 = arith.constant 0 : index
      %swap3A_417 = tpu.vector_load %arg11[%swap3A_416] {strides = array<i32>} : memref<128xi32, #tpu.memory_space<vmem>>, vector<16xi32>,
      tpu.vector_store %arg11[%swap3A_416], %select_n3A_413 {strides = array<i32>} : memref<128xi32, #tpu.memory_space<vmem>>, vector<16xi32>,
      %xor3A_418 = arith.constant 1 : i32
      %xor3A_419 = vector.broadcast %xor3A_418 : i32 to vector<16xi32>
      %xor3A_420 = arith.xori %iota3A, %xor3A_419 : vector<16xi32>
      %gather3A_421 = tpu.vector_load_idx %arg10[%xor3A_420] : memref<128xf32, #tpu.memory_space<vmem>>[vector<16xi32>], vector<16xf32>,
      %gather3A_422 = tpu.vector_load_idx %arg11[%xor3A_420] : memref<128xi32, #tpu.memory_space<vmem>>[vector<16xi32>], vector<16xi32>,
      %lt3A_423 = arith.cmpf olt, %gather3A_421, %select_n3A_412 : vector<16xf32>
      %eq3A_424 = arith.cmpf oeq, %gather3A_421, %select_n3A_412 : vector<16xf32>
      %lt3A_425 = arith.cmpi slt, %gather3A_422, %select_n3A_413 : vector<16xi32>
      %and3A_426 = arith.andi %eq3A_424, %lt3A_425 : vector<16xi1>
      %or3A_427 = arith.ori %lt3A_423, %and3A_426 : vector<16xi1>
      %select_n3A_428 = arith.select %or3A_427, %gather3A_421, %select_n3A_412 : vector<16xi1>, vector<16xf32>
      %select_n3A_429 = arith.select %or3A_427, %gather3A_422, %select_n3A_413 : vector<16xi1>, vector<16xi32>
      %eq3A_430 = arith.constant 4 : i32
      %eq3A_431 = vector.broadcast %eq3A_430 : i32 to vector<16xi32>
      %eq3A_432 = arith.cmpi eq, %iota3A, %eq3A_431 : vector<16xi32>
      %select_n3A_433 = arith.select %eq3A_432, %select_n3A_429, %select_n3A_347 : vector<16xi1>, vector<16xi32>
      %get3A_434 = arith.constant 10 : i32
      %get3A_435 = arith.index_cast %get3A_434 : i32 to index
      %get3A_436 = arith.constant 0 : index
      %get3A_437 = tpu.vector_load %arg7[%get3A_435, %get3A_436] {strides = array<i32>} : memref<30x128xf32, #tpu.memory_space<vmem>>, vector<16xf32>,
      %get3A_438 = arith.constant 11 : i32
      %get3A_439 = arith.index_cast %get3A_438 : i32 to index
      %get3A_440 = arith.constant 0 : index
      %get3A_441 = tpu.vector_load %arg7[%get3A_439, %get3A_440] {strides = array<i32>} : memref<30x128xf32, #tpu.memory_space<vmem>>, vector<16xf32>,
      %broadcast_in_dim3A_442 = arith.constant 0x7F800000 : f32
      %broadcast_in_dim3A_443 = vector.broadcast %broadcast_in_dim3A_442 : f32 to vector<16xf32>
      %broadcast_in_dim3A_444 = arith.constant 0 : i32
      %broadcast_in_dim3A_445 = vector.broadcast %broadcast_in_dim3A_444 : i32 to vector<16xi32>
      %scan3A_446 = arith.constant 0 : i32
      %scan3A_447 = arith.constant 128 : i32
      %scan3A_448 = arith.addi %scan3A_446, %scan3A_447 : i32
      %scan3A_449 = arith.constant 1 : i32
      %scan3A_450:2 = scf.for %scan3A_1339 = %scan3A_446 to %scan3A_448 step %scan3A_449 iter_args(%scan3A_1340 = %broadcast_in_dim3A_443, %scan3A_1341 = %broadcast_in_dim3A_445) -> (vector<16xf32>, vector<16xi32>)  : i32 {
        %mul3A_1342 = arith.constant 16 : i32
        %mul3A_1343 = arith.muli %scan3A_1339, %mul3A_1342 : i32
        %get3A_1344 = arith.constant 0 : i32
        %get3A_1345 = arith.index_cast %get3A_1344 : i32 to index
        %get3A_1346 = arith.index_cast %mul3A_1343 : i32 to index
        %get3A_1347 = tpu.vector_load %arg6[%get3A_1345, %get3A_1346] {strides = array<i32>} : memref<3x2048xf32, #tpu.memory_space<vmem>>, vector<16xf32>,
        %mul3A_1348 = arith.constant 16 : i32
        %mul3A_1349 = arith.muli %scan3A_1339, %mul3A_1348 : i32
        %get3A_1350 = arith.constant 1 : i32
        %get3A_1351 = arith.index_cast %get3A_1350 : i32 to index
        %get3A_1352 = arith.index_cast %mul3A_1349 : i32 to index
        %get3A_1353 = tpu.vector_load %arg6[%get3A_1351, %get3A_1352] {strides = array<i32>} : memref<3x2048xf32, #tpu.memory_space<vmem>>, vector<16xf32>,
        %sub3A = arith.subf %get3A_1347, %get3A_437 : vector<16xf32>
        %sub3A_1354 = arith.subf %get3A_1353, %get3A_441 : vector<16xf32>
        %mul3A_1355 = arith.mulf %sub3A, %sub3A : vector<16xf32>
        %mul3A_1356 = arith.mulf %sub3A_1354, %sub3A_1354 : vector<16xf32>
        %add3A_1357 = arith.addf %mul3A_1355, %mul3A_1356 : vector<16xf32>
        %lt3A_1358 = arith.cmpf olt, %add3A_1357, %scan3A_1340 : vector<16xf32>
        %mul3A_1359 = arith.constant 16 : i32
        %mul3A_1360 = arith.muli %scan3A_1339, %mul3A_1359 : i32
        %add3A_1361 = vector.broadcast %mul3A_1360 : i32 to vector<16xi32>
        %add3A_1362 = arith.addi %add3A_1361, %iota3A : vector<16xi32>
        %select_n3A_1363 = arith.select %lt3A_1358, %add3A_1357, %scan3A_1340 : vector<16xi1>, vector<16xf32>
        %select_n3A_1364 = arith.select %lt3A_1358, %add3A_1362, %scan3A_1341 : vector<16xi1>, vector<16xi32>
        scf.yield %select_n3A_1363, %select_n3A_1364 : vector<16xf32>, vector<16xi32>
      }
      %scan3A_451 = arith.constant 128 : i32
      %swap3A_452 = arith.constant 0 : index
      %swap3A_453 = tpu.vector_load %arg10[%swap3A_452] {strides = array<i32>} : memref<128xf32, #tpu.memory_space<vmem>>, vector<16xf32>,
      tpu.vector_store %arg10[%swap3A_452], %scan3A_450#0 {strides = array<i32>} : memref<128xf32, #tpu.memory_space<vmem>>, vector<16xf32>,
      %swap3A_454 = arith.constant 0 : index
      %swap3A_455 = tpu.vector_load %arg11[%swap3A_454] {strides = array<i32>} : memref<128xi32, #tpu.memory_space<vmem>>, vector<16xi32>,
      tpu.vector_store %arg11[%swap3A_454], %scan3A_450#1 {strides = array<i32>} : memref<128xi32, #tpu.memory_space<vmem>>, vector<16xi32>,
      %xor3A_456 = arith.constant 8 : i32
      %xor3A_457 = vector.broadcast %xor3A_456 : i32 to vector<16xi32>
      %xor3A_458 = arith.xori %iota3A, %xor3A_457 : vector<16xi32>
      %gather3A_459 = tpu.vector_load_idx %arg10[%xor3A_458] : memref<128xf32, #tpu.memory_space<vmem>>[vector<16xi32>], vector<16xf32>,
      %gather3A_460 = tpu.vector_load_idx %arg11[%xor3A_458] : memref<128xi32, #tpu.memory_space<vmem>>[vector<16xi32>], vector<16xi32>,
      %lt3A_461 = arith.cmpf olt, %gather3A_459, %scan3A_450#0 : vector<16xf32>
      %eq3A_462 = arith.cmpf oeq, %gather3A_459, %scan3A_450#0 : vector<16xf32>
      %lt3A_463 = arith.cmpi slt, %gather3A_460, %scan3A_450#1 : vector<16xi32>
      %and3A_464 = arith.andi %eq3A_462, %lt3A_463 : vector<16xi1>
      %or3A_465 = arith.ori %lt3A_461, %and3A_464 : vector<16xi1>
      %select_n3A_466 = arith.select %or3A_465, %gather3A_459, %scan3A_450#0 : vector<16xi1>, vector<16xf32>
      %select_n3A_467 = arith.select %or3A_465, %gather3A_460, %scan3A_450#1 : vector<16xi1>, vector<16xi32>
      %swap3A_468 = arith.constant 0 : index
      %swap3A_469 = tpu.vector_load %arg10[%swap3A_468] {strides = array<i32>} : memref<128xf32, #tpu.memory_space<vmem>>, vector<16xf32>,
      tpu.vector_store %arg10[%swap3A_468], %select_n3A_466 {strides = array<i32>} : memref<128xf32, #tpu.memory_space<vmem>>, vector<16xf32>,
      %swap3A_470 = arith.constant 0 : index
      %swap3A_471 = tpu.vector_load %arg11[%swap3A_470] {strides = array<i32>} : memref<128xi32, #tpu.memory_space<vmem>>, vector<16xi32>,
      tpu.vector_store %arg11[%swap3A_470], %select_n3A_467 {strides = array<i32>} : memref<128xi32, #tpu.memory_space<vmem>>, vector<16xi32>,
      %xor3A_472 = arith.constant 4 : i32
      %xor3A_473 = vector.broadcast %xor3A_472 : i32 to vector<16xi32>
      %xor3A_474 = arith.xori %iota3A, %xor3A_473 : vector<16xi32>
      %gather3A_475 = tpu.vector_load_idx %arg10[%xor3A_474] : memref<128xf32, #tpu.memory_space<vmem>>[vector<16xi32>], vector<16xf32>,
      %gather3A_476 = tpu.vector_load_idx %arg11[%xor3A_474] : memref<128xi32, #tpu.memory_space<vmem>>[vector<16xi32>], vector<16xi32>,
      %lt3A_477 = arith.cmpf olt, %gather3A_475, %select_n3A_466 : vector<16xf32>
      %eq3A_478 = arith.cmpf oeq, %gather3A_475, %select_n3A_466 : vector<16xf32>
      %lt3A_479 = arith.cmpi slt, %gather3A_476, %select_n3A_467 : vector<16xi32>
      %and3A_480 = arith.andi %eq3A_478, %lt3A_479 : vector<16xi1>
      %or3A_481 = arith.ori %lt3A_477, %and3A_480 : vector<16xi1>
      %select_n3A_482 = arith.select %or3A_481, %gather3A_475, %select_n3A_466 : vector<16xi1>, vector<16xf32>
      %select_n3A_483 = arith.select %or3A_481, %gather3A_476, %select_n3A_467 : vector<16xi1>, vector<16xi32>
      %swap3A_484 = arith.constant 0 : index
      %swap3A_485 = tpu.vector_load %arg10[%swap3A_484] {strides = array<i32>} : memref<128xf32, #tpu.memory_space<vmem>>, vector<16xf32>,
      tpu.vector_store %arg10[%swap3A_484], %select_n3A_482 {strides = array<i32>} : memref<128xf32, #tpu.memory_space<vmem>>, vector<16xf32>,
      %swap3A_486 = arith.constant 0 : index
      %swap3A_487 = tpu.vector_load %arg11[%swap3A_486] {strides = array<i32>} : memref<128xi32, #tpu.memory_space<vmem>>, vector<16xi32>,
      tpu.vector_store %arg11[%swap3A_486], %select_n3A_483 {strides = array<i32>} : memref<128xi32, #tpu.memory_space<vmem>>, vector<16xi32>,
      %xor3A_488 = arith.constant 2 : i32
      %xor3A_489 = vector.broadcast %xor3A_488 : i32 to vector<16xi32>
      %xor3A_490 = arith.xori %iota3A, %xor3A_489 : vector<16xi32>
      %gather3A_491 = tpu.vector_load_idx %arg10[%xor3A_490] : memref<128xf32, #tpu.memory_space<vmem>>[vector<16xi32>], vector<16xf32>,
      %gather3A_492 = tpu.vector_load_idx %arg11[%xor3A_490] : memref<128xi32, #tpu.memory_space<vmem>>[vector<16xi32>], vector<16xi32>,
      %lt3A_493 = arith.cmpf olt, %gather3A_491, %select_n3A_482 : vector<16xf32>
      %eq3A_494 = arith.cmpf oeq, %gather3A_491, %select_n3A_482 : vector<16xf32>
      %lt3A_495 = arith.cmpi slt, %gather3A_492, %select_n3A_483 : vector<16xi32>
      %and3A_496 = arith.andi %eq3A_494, %lt3A_495 : vector<16xi1>
      %or3A_497 = arith.ori %lt3A_493, %and3A_496 : vector<16xi1>
      %select_n3A_498 = arith.select %or3A_497, %gather3A_491, %select_n3A_482 : vector<16xi1>, vector<16xf32>
      %select_n3A_499 = arith.select %or3A_497, %gather3A_492, %select_n3A_483 : vector<16xi1>, vector<16xi32>
      %swap3A_500 = arith.constant 0 : index
      %swap3A_501 = tpu.vector_load %arg10[%swap3A_500] {strides = array<i32>} : memref<128xf32, #tpu.memory_space<vmem>>, vector<16xf32>,
      tpu.vector_store %arg10[%swap3A_500], %select_n3A_498 {strides = array<i32>} : memref<128xf32, #tpu.memory_space<vmem>>, vector<16xf32>,
      %swap3A_502 = arith.constant 0 : index
      %swap3A_503 = tpu.vector_load %arg11[%swap3A_502] {strides = array<i32>} : memref<128xi32, #tpu.memory_space<vmem>>, vector<16xi32>,
      tpu.vector_store %arg11[%swap3A_502], %select_n3A_499 {strides = array<i32>} : memref<128xi32, #tpu.memory_space<vmem>>, vector<16xi32>,
      %xor3A_504 = arith.constant 1 : i32
      %xor3A_505 = vector.broadcast %xor3A_504 : i32 to vector<16xi32>
      %xor3A_506 = arith.xori %iota3A, %xor3A_505 : vector<16xi32>
      %gather3A_507 = tpu.vector_load_idx %arg10[%xor3A_506] : memref<128xf32, #tpu.memory_space<vmem>>[vector<16xi32>], vector<16xf32>,
      %gather3A_508 = tpu.vector_load_idx %arg11[%xor3A_506] : memref<128xi32, #tpu.memory_space<vmem>>[vector<16xi32>], vector<16xi32>,
      %lt3A_509 = arith.cmpf olt, %gather3A_507, %select_n3A_498 : vector<16xf32>
      %eq3A_510 = arith.cmpf oeq, %gather3A_507, %select_n3A_498 : vector<16xf32>
      %lt3A_511 = arith.cmpi slt, %gather3A_508, %select_n3A_499 : vector<16xi32>
      %and3A_512 = arith.andi %eq3A_510, %lt3A_511 : vector<16xi1>
      %or3A_513 = arith.ori %lt3A_509, %and3A_512 : vector<16xi1>
      %select_n3A_514 = arith.select %or3A_513, %gather3A_507, %select_n3A_498 : vector<16xi1>, vector<16xf32>
      %select_n3A_515 = arith.select %or3A_513, %gather3A_508, %select_n3A_499 : vector<16xi1>, vector<16xi32>
      %eq3A_516 = arith.constant 5 : i32
      %eq3A_517 = vector.broadcast %eq3A_516 : i32 to vector<16xi32>
      %eq3A_518 = arith.cmpi eq, %iota3A, %eq3A_517 : vector<16xi32>
      %select_n3A_519 = arith.select %eq3A_518, %select_n3A_515, %select_n3A_433 : vector<16xi1>, vector<16xi32>
      %get3A_520 = arith.constant 12 : i32
      %get3A_521 = arith.index_cast %get3A_520 : i32 to index
      %get3A_522 = arith.constant 0 : index
      %get3A_523 = tpu.vector_load %arg7[%get3A_521, %get3A_522] {strides = array<i32>} : memref<30x128xf32, #tpu.memory_space<vmem>>, vector<16xf32>,
      %get3A_524 = arith.constant 13 : i32
      %get3A_525 = arith.index_cast %get3A_524 : i32 to index
      %get3A_526 = arith.constant 0 : index
      %get3A_527 = tpu.vector_load %arg7[%get3A_525, %get3A_526] {strides = array<i32>} : memref<30x128xf32, #tpu.memory_space<vmem>>, vector<16xf32>,
      %broadcast_in_dim3A_528 = arith.constant 0x7F800000 : f32
      %broadcast_in_dim3A_529 = vector.broadcast %broadcast_in_dim3A_528 : f32 to vector<16xf32>
      %broadcast_in_dim3A_530 = arith.constant 0 : i32
      %broadcast_in_dim3A_531 = vector.broadcast %broadcast_in_dim3A_530 : i32 to vector<16xi32>
      %scan3A_532 = arith.constant 0 : i32
      %scan3A_533 = arith.constant 128 : i32
      %scan3A_534 = arith.addi %scan3A_532, %scan3A_533 : i32
      %scan3A_535 = arith.constant 1 : i32
      %scan3A_536:2 = scf.for %scan3A_1339 = %scan3A_532 to %scan3A_534 step %scan3A_535 iter_args(%scan3A_1340 = %broadcast_in_dim3A_529, %scan3A_1341 = %broadcast_in_dim3A_531) -> (vector<16xf32>, vector<16xi32>)  : i32 {
        %mul3A_1342 = arith.constant 16 : i32
        %mul3A_1343 = arith.muli %scan3A_1339, %mul3A_1342 : i32
        %get3A_1344 = arith.constant 0 : i32
        %get3A_1345 = arith.index_cast %get3A_1344 : i32 to index
        %get3A_1346 = arith.index_cast %mul3A_1343 : i32 to index
        %get3A_1347 = tpu.vector_load %arg6[%get3A_1345, %get3A_1346] {strides = array<i32>} : memref<3x2048xf32, #tpu.memory_space<vmem>>, vector<16xf32>,
        %mul3A_1348 = arith.constant 16 : i32
        %mul3A_1349 = arith.muli %scan3A_1339, %mul3A_1348 : i32
        %get3A_1350 = arith.constant 1 : i32
        %get3A_1351 = arith.index_cast %get3A_1350 : i32 to index
        %get3A_1352 = arith.index_cast %mul3A_1349 : i32 to index
        %get3A_1353 = tpu.vector_load %arg6[%get3A_1351, %get3A_1352] {strides = array<i32>} : memref<3x2048xf32, #tpu.memory_space<vmem>>, vector<16xf32>,
        %sub3A = arith.subf %get3A_1347, %get3A_523 : vector<16xf32>
        %sub3A_1354 = arith.subf %get3A_1353, %get3A_527 : vector<16xf32>
        %mul3A_1355 = arith.mulf %sub3A, %sub3A : vector<16xf32>
        %mul3A_1356 = arith.mulf %sub3A_1354, %sub3A_1354 : vector<16xf32>
        %add3A_1357 = arith.addf %mul3A_1355, %mul3A_1356 : vector<16xf32>
        %lt3A_1358 = arith.cmpf olt, %add3A_1357, %scan3A_1340 : vector<16xf32>
        %mul3A_1359 = arith.constant 16 : i32
        %mul3A_1360 = arith.muli %scan3A_1339, %mul3A_1359 : i32
        %add3A_1361 = vector.broadcast %mul3A_1360 : i32 to vector<16xi32>
        %add3A_1362 = arith.addi %add3A_1361, %iota3A : vector<16xi32>
        %select_n3A_1363 = arith.select %lt3A_1358, %add3A_1357, %scan3A_1340 : vector<16xi1>, vector<16xf32>
        %select_n3A_1364 = arith.select %lt3A_1358, %add3A_1362, %scan3A_1341 : vector<16xi1>, vector<16xi32>
        scf.yield %select_n3A_1363, %select_n3A_1364 : vector<16xf32>, vector<16xi32>
      }
      %scan3A_537 = arith.constant 128 : i32
      %swap3A_538 = arith.constant 0 : index
      %swap3A_539 = tpu.vector_load %arg10[%swap3A_538] {strides = array<i32>} : memref<128xf32, #tpu.memory_space<vmem>>, vector<16xf32>,
      tpu.vector_store %arg10[%swap3A_538], %scan3A_536#0 {strides = array<i32>} : memref<128xf32, #tpu.memory_space<vmem>>, vector<16xf32>,
      %swap3A_540 = arith.constant 0 : index
      %swap3A_541 = tpu.vector_load %arg11[%swap3A_540] {strides = array<i32>} : memref<128xi32, #tpu.memory_space<vmem>>, vector<16xi32>,
      tpu.vector_store %arg11[%swap3A_540], %scan3A_536#1 {strides = array<i32>} : memref<128xi32, #tpu.memory_space<vmem>>, vector<16xi32>,
      %xor3A_542 = arith.constant 8 : i32
      %xor3A_543 = vector.broadcast %xor3A_542 : i32 to vector<16xi32>
      %xor3A_544 = arith.xori %iota3A, %xor3A_543 : vector<16xi32>
      %gather3A_545 = tpu.vector_load_idx %arg10[%xor3A_544] : memref<128xf32, #tpu.memory_space<vmem>>[vector<16xi32>], vector<16xf32>,
      %gather3A_546 = tpu.vector_load_idx %arg11[%xor3A_544] : memref<128xi32, #tpu.memory_space<vmem>>[vector<16xi32>], vector<16xi32>,
      %lt3A_547 = arith.cmpf olt, %gather3A_545, %scan3A_536#0 : vector<16xf32>
      %eq3A_548 = arith.cmpf oeq, %gather3A_545, %scan3A_536#0 : vector<16xf32>
      %lt3A_549 = arith.cmpi slt, %gather3A_546, %scan3A_536#1 : vector<16xi32>
      %and3A_550 = arith.andi %eq3A_548, %lt3A_549 : vector<16xi1>
      %or3A_551 = arith.ori %lt3A_547, %and3A_550 : vector<16xi1>
      %select_n3A_552 = arith.select %or3A_551, %gather3A_545, %scan3A_536#0 : vector<16xi1>, vector<16xf32>
      %select_n3A_553 = arith.select %or3A_551, %gather3A_546, %scan3A_536#1 : vector<16xi1>, vector<16xi32>
      %swap3A_554 = arith.constant 0 : index
      %swap3A_555 = tpu.vector_load %arg10[%swap3A_554] {strides = array<i32>} : memref<128xf32, #tpu.memory_space<vmem>>, vector<16xf32>,
      tpu.vector_store %arg10[%swap3A_554], %select_n3A_552 {strides = array<i32>} : memref<128xf32, #tpu.memory_space<vmem>>, vector<16xf32>,
      %swap3A_556 = arith.constant 0 : index
      %swap3A_557 = tpu.vector_load %arg11[%swap3A_556] {strides = array<i32>} : memref<128xi32, #tpu.memory_space<vmem>>, vector<16xi32>,
      tpu.vector_store %arg11[%swap3A_556], %select_n3A_553 {strides = array<i32>} : memref<128xi32, #tpu.memory_space<vmem>>, vector<16xi32>,
      %xor3A_558 = arith.constant 4 : i32
      %xor3A_559 = vector.broadcast %xor3A_558 : i32 to vector<16xi32>
      %xor3A_560 = arith.xori %iota3A, %xor3A_559 : vector<16xi32>
      %gather3A_561 = tpu.vector_load_idx %arg10[%xor3A_560] : memref<128xf32, #tpu.memory_space<vmem>>[vector<16xi32>], vector<16xf32>,
      %gather3A_562 = tpu.vector_load_idx %arg11[%xor3A_560] : memref<128xi32, #tpu.memory_space<vmem>>[vector<16xi32>], vector<16xi32>,
      %lt3A_563 = arith.cmpf olt, %gather3A_561, %select_n3A_552 : vector<16xf32>
      %eq3A_564 = arith.cmpf oeq, %gather3A_561, %select_n3A_552 : vector<16xf32>
      %lt3A_565 = arith.cmpi slt, %gather3A_562, %select_n3A_553 : vector<16xi32>
      %and3A_566 = arith.andi %eq3A_564, %lt3A_565 : vector<16xi1>
      %or3A_567 = arith.ori %lt3A_563, %and3A_566 : vector<16xi1>
      %select_n3A_568 = arith.select %or3A_567, %gather3A_561, %select_n3A_552 : vector<16xi1>, vector<16xf32>
      %select_n3A_569 = arith.select %or3A_567, %gather3A_562, %select_n3A_553 : vector<16xi1>, vector<16xi32>
      %swap3A_570 = arith.constant 0 : index
      %swap3A_571 = tpu.vector_load %arg10[%swap3A_570] {strides = array<i32>} : memref<128xf32, #tpu.memory_space<vmem>>, vector<16xf32>,
      tpu.vector_store %arg10[%swap3A_570], %select_n3A_568 {strides = array<i32>} : memref<128xf32, #tpu.memory_space<vmem>>, vector<16xf32>,
      %swap3A_572 = arith.constant 0 : index
      %swap3A_573 = tpu.vector_load %arg11[%swap3A_572] {strides = array<i32>} : memref<128xi32, #tpu.memory_space<vmem>>, vector<16xi32>,
      tpu.vector_store %arg11[%swap3A_572], %select_n3A_569 {strides = array<i32>} : memref<128xi32, #tpu.memory_space<vmem>>, vector<16xi32>,
      %xor3A_574 = arith.constant 2 : i32
      %xor3A_575 = vector.broadcast %xor3A_574 : i32 to vector<16xi32>
      %xor3A_576 = arith.xori %iota3A, %xor3A_575 : vector<16xi32>
      %gather3A_577 = tpu.vector_load_idx %arg10[%xor3A_576] : memref<128xf32, #tpu.memory_space<vmem>>[vector<16xi32>], vector<16xf32>,
      %gather3A_578 = tpu.vector_load_idx %arg11[%xor3A_576] : memref<128xi32, #tpu.memory_space<vmem>>[vector<16xi32>], vector<16xi32>,
      %lt3A_579 = arith.cmpf olt, %gather3A_577, %select_n3A_568 : vector<16xf32>
      %eq3A_580 = arith.cmpf oeq, %gather3A_577, %select_n3A_568 : vector<16xf32>
      %lt3A_581 = arith.cmpi slt, %gather3A_578, %select_n3A_569 : vector<16xi32>
      %and3A_582 = arith.andi %eq3A_580, %lt3A_581 : vector<16xi1>
      %or3A_583 = arith.ori %lt3A_579, %and3A_582 : vector<16xi1>
      %select_n3A_584 = arith.select %or3A_583, %gather3A_577, %select_n3A_568 : vector<16xi1>, vector<16xf32>
      %select_n3A_585 = arith.select %or3A_583, %gather3A_578, %select_n3A_569 : vector<16xi1>, vector<16xi32>
      %swap3A_586 = arith.constant 0 : index
      %swap3A_587 = tpu.vector_load %arg10[%swap3A_586] {strides = array<i32>} : memref<128xf32, #tpu.memory_space<vmem>>, vector<16xf32>,
      tpu.vector_store %arg10[%swap3A_586], %select_n3A_584 {strides = array<i32>} : memref<128xf32, #tpu.memory_space<vmem>>, vector<16xf32>,
      %swap3A_588 = arith.constant 0 : index
      %swap3A_589 = tpu.vector_load %arg11[%swap3A_588] {strides = array<i32>} : memref<128xi32, #tpu.memory_space<vmem>>, vector<16xi32>,
      tpu.vector_store %arg11[%swap3A_588], %select_n3A_585 {strides = array<i32>} : memref<128xi32, #tpu.memory_space<vmem>>, vector<16xi32>,
      %xor3A_590 = arith.constant 1 : i32
      %xor3A_591 = vector.broadcast %xor3A_590 : i32 to vector<16xi32>
      %xor3A_592 = arith.xori %iota3A, %xor3A_591 : vector<16xi32>
      %gather3A_593 = tpu.vector_load_idx %arg10[%xor3A_592] : memref<128xf32, #tpu.memory_space<vmem>>[vector<16xi32>], vector<16xf32>,
      %gather3A_594 = tpu.vector_load_idx %arg11[%xor3A_592] : memref<128xi32, #tpu.memory_space<vmem>>[vector<16xi32>], vector<16xi32>,
      %lt3A_595 = arith.cmpf olt, %gather3A_593, %select_n3A_584 : vector<16xf32>
      %eq3A_596 = arith.cmpf oeq, %gather3A_593, %select_n3A_584 : vector<16xf32>
      %lt3A_597 = arith.cmpi slt, %gather3A_594, %select_n3A_585 : vector<16xi32>
      %and3A_598 = arith.andi %eq3A_596, %lt3A_597 : vector<16xi1>
      %or3A_599 = arith.ori %lt3A_595, %and3A_598 : vector<16xi1>
      %select_n3A_600 = arith.select %or3A_599, %gather3A_593, %select_n3A_584 : vector<16xi1>, vector<16xf32>
      %select_n3A_601 = arith.select %or3A_599, %gather3A_594, %select_n3A_585 : vector<16xi1>, vector<16xi32>
      %eq3A_602 = arith.constant 6 : i32
      %eq3A_603 = vector.broadcast %eq3A_602 : i32 to vector<16xi32>
      %eq3A_604 = arith.cmpi eq, %iota3A, %eq3A_603 : vector<16xi32>
      %select_n3A_605 = arith.select %eq3A_604, %select_n3A_601, %select_n3A_519 : vector<16xi1>, vector<16xi32>
      %get3A_606 = arith.constant 14 : i32
      %get3A_607 = arith.index_cast %get3A_606 : i32 to index
      %get3A_608 = arith.constant 0 : index
      %get3A_609 = tpu.vector_load %arg7[%get3A_607, %get3A_608] {strides = array<i32>} : memref<30x128xf32, #tpu.memory_space<vmem>>, vector<16xf32>,
      %get3A_610 = arith.constant 15 : i32
      %get3A_611 = arith.index_cast %get3A_610 : i32 to index
      %get3A_612 = arith.constant 0 : index
      %get3A_613 = tpu.vector_load %arg7[%get3A_611, %get3A_612] {strides = array<i32>} : memref<30x128xf32, #tpu.memory_space<vmem>>, vector<16xf32>,
      %broadcast_in_dim3A_614 = arith.constant 0x7F800000 : f32
      %broadcast_in_dim3A_615 = vector.broadcast %broadcast_in_dim3A_614 : f32 to vector<16xf32>
      %broadcast_in_dim3A_616 = arith.constant 0 : i32
      %broadcast_in_dim3A_617 = vector.broadcast %broadcast_in_dim3A_616 : i32 to vector<16xi32>
      %scan3A_618 = arith.constant 0 : i32
      %scan3A_619 = arith.constant 128 : i32
      %scan3A_620 = arith.addi %scan3A_618, %scan3A_619 : i32
      %scan3A_621 = arith.constant 1 : i32
      %scan3A_622:2 = scf.for %scan3A_1339 = %scan3A_618 to %scan3A_620 step %scan3A_621 iter_args(%scan3A_1340 = %broadcast_in_dim3A_615, %scan3A_1341 = %broadcast_in_dim3A_617) -> (vector<16xf32>, vector<16xi32>)  : i32 {
        %mul3A_1342 = arith.constant 16 : i32
        %mul3A_1343 = arith.muli %scan3A_1339, %mul3A_1342 : i32
        %get3A_1344 = arith.constant 0 : i32
        %get3A_1345 = arith.index_cast %get3A_1344 : i32 to index
        %get3A_1346 = arith.index_cast %mul3A_1343 : i32 to index
        %get3A_1347 = tpu.vector_load %arg6[%get3A_1345, %get3A_1346] {strides = array<i32>} : memref<3x2048xf32, #tpu.memory_space<vmem>>, vector<16xf32>,
        %mul3A_1348 = arith.constant 16 : i32
        %mul3A_1349 = arith.muli %scan3A_1339, %mul3A_1348 : i32
        %get3A_1350 = arith.constant 1 : i32
        %get3A_1351 = arith.index_cast %get3A_1350 : i32 to index
        %get3A_1352 = arith.index_cast %mul3A_1349 : i32 to index
        %get3A_1353 = tpu.vector_load %arg6[%get3A_1351, %get3A_1352] {strides = array<i32>} : memref<3x2048xf32, #tpu.memory_space<vmem>>, vector<16xf32>,
        %sub3A = arith.subf %get3A_1347, %get3A_609 : vector<16xf32>
        %sub3A_1354 = arith.subf %get3A_1353, %get3A_613 : vector<16xf32>
        %mul3A_1355 = arith.mulf %sub3A, %sub3A : vector<16xf32>
        %mul3A_1356 = arith.mulf %sub3A_1354, %sub3A_1354 : vector<16xf32>
        %add3A_1357 = arith.addf %mul3A_1355, %mul3A_1356 : vector<16xf32>
        %lt3A_1358 = arith.cmpf olt, %add3A_1357, %scan3A_1340 : vector<16xf32>
        %mul3A_1359 = arith.constant 16 : i32
        %mul3A_1360 = arith.muli %scan3A_1339, %mul3A_1359 : i32
        %add3A_1361 = vector.broadcast %mul3A_1360 : i32 to vector<16xi32>
        %add3A_1362 = arith.addi %add3A_1361, %iota3A : vector<16xi32>
        %select_n3A_1363 = arith.select %lt3A_1358, %add3A_1357, %scan3A_1340 : vector<16xi1>, vector<16xf32>
        %select_n3A_1364 = arith.select %lt3A_1358, %add3A_1362, %scan3A_1341 : vector<16xi1>, vector<16xi32>
        scf.yield %select_n3A_1363, %select_n3A_1364 : vector<16xf32>, vector<16xi32>
      }
      %scan3A_623 = arith.constant 128 : i32
      %swap3A_624 = arith.constant 0 : index
      %swap3A_625 = tpu.vector_load %arg10[%swap3A_624] {strides = array<i32>} : memref<128xf32, #tpu.memory_space<vmem>>, vector<16xf32>,
      tpu.vector_store %arg10[%swap3A_624], %scan3A_622#0 {strides = array<i32>} : memref<128xf32, #tpu.memory_space<vmem>>, vector<16xf32>,
      %swap3A_626 = arith.constant 0 : index
      %swap3A_627 = tpu.vector_load %arg11[%swap3A_626] {strides = array<i32>} : memref<128xi32, #tpu.memory_space<vmem>>, vector<16xi32>,
      tpu.vector_store %arg11[%swap3A_626], %scan3A_622#1 {strides = array<i32>} : memref<128xi32, #tpu.memory_space<vmem>>, vector<16xi32>,
      %xor3A_628 = arith.constant 8 : i32
      %xor3A_629 = vector.broadcast %xor3A_628 : i32 to vector<16xi32>
      %xor3A_630 = arith.xori %iota3A, %xor3A_629 : vector<16xi32>
      %gather3A_631 = tpu.vector_load_idx %arg10[%xor3A_630] : memref<128xf32, #tpu.memory_space<vmem>>[vector<16xi32>], vector<16xf32>,
      %gather3A_632 = tpu.vector_load_idx %arg11[%xor3A_630] : memref<128xi32, #tpu.memory_space<vmem>>[vector<16xi32>], vector<16xi32>,
      %lt3A_633 = arith.cmpf olt, %gather3A_631, %scan3A_622#0 : vector<16xf32>
      %eq3A_634 = arith.cmpf oeq, %gather3A_631, %scan3A_622#0 : vector<16xf32>
      %lt3A_635 = arith.cmpi slt, %gather3A_632, %scan3A_622#1 : vector<16xi32>
      %and3A_636 = arith.andi %eq3A_634, %lt3A_635 : vector<16xi1>
      %or3A_637 = arith.ori %lt3A_633, %and3A_636 : vector<16xi1>
      %select_n3A_638 = arith.select %or3A_637, %gather3A_631, %scan3A_622#0 : vector<16xi1>, vector<16xf32>
      %select_n3A_639 = arith.select %or3A_637, %gather3A_632, %scan3A_622#1 : vector<16xi1>, vector<16xi32>
      %swap3A_640 = arith.constant 0 : index
      %swap3A_641 = tpu.vector_load %arg10[%swap3A_640] {strides = array<i32>} : memref<128xf32, #tpu.memory_space<vmem>>, vector<16xf32>,
      tpu.vector_store %arg10[%swap3A_640], %select_n3A_638 {strides = array<i32>} : memref<128xf32, #tpu.memory_space<vmem>>, vector<16xf32>,
      %swap3A_642 = arith.constant 0 : index
      %swap3A_643 = tpu.vector_load %arg11[%swap3A_642] {strides = array<i32>} : memref<128xi32, #tpu.memory_space<vmem>>, vector<16xi32>,
      tpu.vector_store %arg11[%swap3A_642], %select_n3A_639 {strides = array<i32>} : memref<128xi32, #tpu.memory_space<vmem>>, vector<16xi32>,
      %xor3A_644 = arith.constant 4 : i32
      %xor3A_645 = vector.broadcast %xor3A_644 : i32 to vector<16xi32>
      %xor3A_646 = arith.xori %iota3A, %xor3A_645 : vector<16xi32>
      %gather3A_647 = tpu.vector_load_idx %arg10[%xor3A_646] : memref<128xf32, #tpu.memory_space<vmem>>[vector<16xi32>], vector<16xf32>,
      %gather3A_648 = tpu.vector_load_idx %arg11[%xor3A_646] : memref<128xi32, #tpu.memory_space<vmem>>[vector<16xi32>], vector<16xi32>,
      %lt3A_649 = arith.cmpf olt, %gather3A_647, %select_n3A_638 : vector<16xf32>
      %eq3A_650 = arith.cmpf oeq, %gather3A_647, %select_n3A_638 : vector<16xf32>
      %lt3A_651 = arith.cmpi slt, %gather3A_648, %select_n3A_639 : vector<16xi32>
      %and3A_652 = arith.andi %eq3A_650, %lt3A_651 : vector<16xi1>
      %or3A_653 = arith.ori %lt3A_649, %and3A_652 : vector<16xi1>
      %select_n3A_654 = arith.select %or3A_653, %gather3A_647, %select_n3A_638 : vector<16xi1>, vector<16xf32>
      %select_n3A_655 = arith.select %or3A_653, %gather3A_648, %select_n3A_639 : vector<16xi1>, vector<16xi32>
      %swap3A_656 = arith.constant 0 : index
      %swap3A_657 = tpu.vector_load %arg10[%swap3A_656] {strides = array<i32>} : memref<128xf32, #tpu.memory_space<vmem>>, vector<16xf32>,
      tpu.vector_store %arg10[%swap3A_656], %select_n3A_654 {strides = array<i32>} : memref<128xf32, #tpu.memory_space<vmem>>, vector<16xf32>,
      %swap3A_658 = arith.constant 0 : index
      %swap3A_659 = tpu.vector_load %arg11[%swap3A_658] {strides = array<i32>} : memref<128xi32, #tpu.memory_space<vmem>>, vector<16xi32>,
      tpu.vector_store %arg11[%swap3A_658], %select_n3A_655 {strides = array<i32>} : memref<128xi32, #tpu.memory_space<vmem>>, vector<16xi32>,
      %xor3A_660 = arith.constant 2 : i32
      %xor3A_661 = vector.broadcast %xor3A_660 : i32 to vector<16xi32>
      %xor3A_662 = arith.xori %iota3A, %xor3A_661 : vector<16xi32>
      %gather3A_663 = tpu.vector_load_idx %arg10[%xor3A_662] : memref<128xf32, #tpu.memory_space<vmem>>[vector<16xi32>], vector<16xf32>,
      %gather3A_664 = tpu.vector_load_idx %arg11[%xor3A_662] : memref<128xi32, #tpu.memory_space<vmem>>[vector<16xi32>], vector<16xi32>,
      %lt3A_665 = arith.cmpf olt, %gather3A_663, %select_n3A_654 : vector<16xf32>
      %eq3A_666 = arith.cmpf oeq, %gather3A_663, %select_n3A_654 : vector<16xf32>
      %lt3A_667 = arith.cmpi slt, %gather3A_664, %select_n3A_655 : vector<16xi32>
      %and3A_668 = arith.andi %eq3A_666, %lt3A_667 : vector<16xi1>
      %or3A_669 = arith.ori %lt3A_665, %and3A_668 : vector<16xi1>
      %select_n3A_670 = arith.select %or3A_669, %gather3A_663, %select_n3A_654 : vector<16xi1>, vector<16xf32>
      %select_n3A_671 = arith.select %or3A_669, %gather3A_664, %select_n3A_655 : vector<16xi1>, vector<16xi32>
      %swap3A_672 = arith.constant 0 : index
      %swap3A_673 = tpu.vector_load %arg10[%swap3A_672] {strides = array<i32>} : memref<128xf32, #tpu.memory_space<vmem>>, vector<16xf32>,
      tpu.vector_store %arg10[%swap3A_672], %select_n3A_670 {strides = array<i32>} : memref<128xf32, #tpu.memory_space<vmem>>, vector<16xf32>,
      %swap3A_674 = arith.constant 0 : index
      %swap3A_675 = tpu.vector_load %arg11[%swap3A_674] {strides = array<i32>} : memref<128xi32, #tpu.memory_space<vmem>>, vector<16xi32>,
      tpu.vector_store %arg11[%swap3A_674], %select_n3A_671 {strides = array<i32>} : memref<128xi32, #tpu.memory_space<vmem>>, vector<16xi32>,
      %xor3A_676 = arith.constant 1 : i32
      %xor3A_677 = vector.broadcast %xor3A_676 : i32 to vector<16xi32>
      %xor3A_678 = arith.xori %iota3A, %xor3A_677 : vector<16xi32>
      %gather3A_679 = tpu.vector_load_idx %arg10[%xor3A_678] : memref<128xf32, #tpu.memory_space<vmem>>[vector<16xi32>], vector<16xf32>,
      %gather3A_680 = tpu.vector_load_idx %arg11[%xor3A_678] : memref<128xi32, #tpu.memory_space<vmem>>[vector<16xi32>], vector<16xi32>,
      %lt3A_681 = arith.cmpf olt, %gather3A_679, %select_n3A_670 : vector<16xf32>
      %eq3A_682 = arith.cmpf oeq, %gather3A_679, %select_n3A_670 : vector<16xf32>
      %lt3A_683 = arith.cmpi slt, %gather3A_680, %select_n3A_671 : vector<16xi32>
      %and3A_684 = arith.andi %eq3A_682, %lt3A_683 : vector<16xi1>
      %or3A_685 = arith.ori %lt3A_681, %and3A_684 : vector<16xi1>
      %select_n3A_686 = arith.select %or3A_685, %gather3A_679, %select_n3A_670 : vector<16xi1>, vector<16xf32>
      %select_n3A_687 = arith.select %or3A_685, %gather3A_680, %select_n3A_671 : vector<16xi1>, vector<16xi32>
      %eq3A_688 = arith.constant 7 : i32
      %eq3A_689 = vector.broadcast %eq3A_688 : i32 to vector<16xi32>
      %eq3A_690 = arith.cmpi eq, %iota3A, %eq3A_689 : vector<16xi32>
      %select_n3A_691 = arith.select %eq3A_690, %select_n3A_687, %select_n3A_605 : vector<16xi1>, vector<16xi32>
      %get3A_692 = arith.constant 16 : i32
      %get3A_693 = arith.index_cast %get3A_692 : i32 to index
      %get3A_694 = arith.constant 0 : index
      %get3A_695 = tpu.vector_load %arg7[%get3A_693, %get3A_694] {strides = array<i32>} : memref<30x128xf32, #tpu.memory_space<vmem>>, vector<16xf32>,
      %get3A_696 = arith.constant 17 : i32
      %get3A_697 = arith.index_cast %get3A_696 : i32 to index
      %get3A_698 = arith.constant 0 : index
      %get3A_699 = tpu.vector_load %arg7[%get3A_697, %get3A_698] {strides = array<i32>} : memref<30x128xf32, #tpu.memory_space<vmem>>, vector<16xf32>,
      %broadcast_in_dim3A_700 = arith.constant 0x7F800000 : f32
      %broadcast_in_dim3A_701 = vector.broadcast %broadcast_in_dim3A_700 : f32 to vector<16xf32>
      %broadcast_in_dim3A_702 = arith.constant 0 : i32
      %broadcast_in_dim3A_703 = vector.broadcast %broadcast_in_dim3A_702 : i32 to vector<16xi32>
      %scan3A_704 = arith.constant 0 : i32
      %scan3A_705 = arith.constant 128 : i32
      %scan3A_706 = arith.addi %scan3A_704, %scan3A_705 : i32
      %scan3A_707 = arith.constant 1 : i32
      %scan3A_708:2 = scf.for %scan3A_1339 = %scan3A_704 to %scan3A_706 step %scan3A_707 iter_args(%scan3A_1340 = %broadcast_in_dim3A_701, %scan3A_1341 = %broadcast_in_dim3A_703) -> (vector<16xf32>, vector<16xi32>)  : i32 {
        %mul3A_1342 = arith.constant 16 : i32
        %mul3A_1343 = arith.muli %scan3A_1339, %mul3A_1342 : i32
        %get3A_1344 = arith.constant 0 : i32
        %get3A_1345 = arith.index_cast %get3A_1344 : i32 to index
        %get3A_1346 = arith.index_cast %mul3A_1343 : i32 to index
        %get3A_1347 = tpu.vector_load %arg6[%get3A_1345, %get3A_1346] {strides = array<i32>} : memref<3x2048xf32, #tpu.memory_space<vmem>>, vector<16xf32>,
        %mul3A_1348 = arith.constant 16 : i32
        %mul3A_1349 = arith.muli %scan3A_1339, %mul3A_1348 : i32
        %get3A_1350 = arith.constant 1 : i32
        %get3A_1351 = arith.index_cast %get3A_1350 : i32 to index
        %get3A_1352 = arith.index_cast %mul3A_1349 : i32 to index
        %get3A_1353 = tpu.vector_load %arg6[%get3A_1351, %get3A_1352] {strides = array<i32>} : memref<3x2048xf32, #tpu.memory_space<vmem>>, vector<16xf32>,
        %sub3A = arith.subf %get3A_1347, %get3A_695 : vector<16xf32>
        %sub3A_1354 = arith.subf %get3A_1353, %get3A_699 : vector<16xf32>
        %mul3A_1355 = arith.mulf %sub3A, %sub3A : vector<16xf32>
        %mul3A_1356 = arith.mulf %sub3A_1354, %sub3A_1354 : vector<16xf32>
        %add3A_1357 = arith.addf %mul3A_1355, %mul3A_1356 : vector<16xf32>
        %lt3A_1358 = arith.cmpf olt, %add3A_1357, %scan3A_1340 : vector<16xf32>
        %mul3A_1359 = arith.constant 16 : i32
        %mul3A_1360 = arith.muli %scan3A_1339, %mul3A_1359 : i32
        %add3A_1361 = vector.broadcast %mul3A_1360 : i32 to vector<16xi32>
        %add3A_1362 = arith.addi %add3A_1361, %iota3A : vector<16xi32>
        %select_n3A_1363 = arith.select %lt3A_1358, %add3A_1357, %scan3A_1340 : vector<16xi1>, vector<16xf32>
        %select_n3A_1364 = arith.select %lt3A_1358, %add3A_1362, %scan3A_1341 : vector<16xi1>, vector<16xi32>
        scf.yield %select_n3A_1363, %select_n3A_1364 : vector<16xf32>, vector<16xi32>
      }
      %scan3A_709 = arith.constant 128 : i32
      %swap3A_710 = arith.constant 0 : index
      %swap3A_711 = tpu.vector_load %arg10[%swap3A_710] {strides = array<i32>} : memref<128xf32, #tpu.memory_space<vmem>>, vector<16xf32>,
      tpu.vector_store %arg10[%swap3A_710], %scan3A_708#0 {strides = array<i32>} : memref<128xf32, #tpu.memory_space<vmem>>, vector<16xf32>,
      %swap3A_712 = arith.constant 0 : index
      %swap3A_713 = tpu.vector_load %arg11[%swap3A_712] {strides = array<i32>} : memref<128xi32, #tpu.memory_space<vmem>>, vector<16xi32>,
      tpu.vector_store %arg11[%swap3A_712], %scan3A_708#1 {strides = array<i32>} : memref<128xi32, #tpu.memory_space<vmem>>, vector<16xi32>,
      %xor3A_714 = arith.constant 8 : i32
      %xor3A_715 = vector.broadcast %xor3A_714 : i32 to vector<16xi32>
      %xor3A_716 = arith.xori %iota3A, %xor3A_715 : vector<16xi32>
      %gather3A_717 = tpu.vector_load_idx %arg10[%xor3A_716] : memref<128xf32, #tpu.memory_space<vmem>>[vector<16xi32>], vector<16xf32>,
      %gather3A_718 = tpu.vector_load_idx %arg11[%xor3A_716] : memref<128xi32, #tpu.memory_space<vmem>>[vector<16xi32>], vector<16xi32>,
      %lt3A_719 = arith.cmpf olt, %gather3A_717, %scan3A_708#0 : vector<16xf32>
      %eq3A_720 = arith.cmpf oeq, %gather3A_717, %scan3A_708#0 : vector<16xf32>
      %lt3A_721 = arith.cmpi slt, %gather3A_718, %scan3A_708#1 : vector<16xi32>
      %and3A_722 = arith.andi %eq3A_720, %lt3A_721 : vector<16xi1>
      %or3A_723 = arith.ori %lt3A_719, %and3A_722 : vector<16xi1>
      %select_n3A_724 = arith.select %or3A_723, %gather3A_717, %scan3A_708#0 : vector<16xi1>, vector<16xf32>
      %select_n3A_725 = arith.select %or3A_723, %gather3A_718, %scan3A_708#1 : vector<16xi1>, vector<16xi32>
      %swap3A_726 = arith.constant 0 : index
      %swap3A_727 = tpu.vector_load %arg10[%swap3A_726] {strides = array<i32>} : memref<128xf32, #tpu.memory_space<vmem>>, vector<16xf32>,
      tpu.vector_store %arg10[%swap3A_726], %select_n3A_724 {strides = array<i32>} : memref<128xf32, #tpu.memory_space<vmem>>, vector<16xf32>,
      %swap3A_728 = arith.constant 0 : index
      %swap3A_729 = tpu.vector_load %arg11[%swap3A_728] {strides = array<i32>} : memref<128xi32, #tpu.memory_space<vmem>>, vector<16xi32>,
      tpu.vector_store %arg11[%swap3A_728], %select_n3A_725 {strides = array<i32>} : memref<128xi32, #tpu.memory_space<vmem>>, vector<16xi32>,
      %xor3A_730 = arith.constant 4 : i32
      %xor3A_731 = vector.broadcast %xor3A_730 : i32 to vector<16xi32>
      %xor3A_732 = arith.xori %iota3A, %xor3A_731 : vector<16xi32>
      %gather3A_733 = tpu.vector_load_idx %arg10[%xor3A_732] : memref<128xf32, #tpu.memory_space<vmem>>[vector<16xi32>], vector<16xf32>,
      %gather3A_734 = tpu.vector_load_idx %arg11[%xor3A_732] : memref<128xi32, #tpu.memory_space<vmem>>[vector<16xi32>], vector<16xi32>,
      %lt3A_735 = arith.cmpf olt, %gather3A_733, %select_n3A_724 : vector<16xf32>
      %eq3A_736 = arith.cmpf oeq, %gather3A_733, %select_n3A_724 : vector<16xf32>
      %lt3A_737 = arith.cmpi slt, %gather3A_734, %select_n3A_725 : vector<16xi32>
      %and3A_738 = arith.andi %eq3A_736, %lt3A_737 : vector<16xi1>
      %or3A_739 = arith.ori %lt3A_735, %and3A_738 : vector<16xi1>
      %select_n3A_740 = arith.select %or3A_739, %gather3A_733, %select_n3A_724 : vector<16xi1>, vector<16xf32>
      %select_n3A_741 = arith.select %or3A_739, %gather3A_734, %select_n3A_725 : vector<16xi1>, vector<16xi32>
      %swap3A_742 = arith.constant 0 : index
      %swap3A_743 = tpu.vector_load %arg10[%swap3A_742] {strides = array<i32>} : memref<128xf32, #tpu.memory_space<vmem>>, vector<16xf32>,
      tpu.vector_store %arg10[%swap3A_742], %select_n3A_740 {strides = array<i32>} : memref<128xf32, #tpu.memory_space<vmem>>, vector<16xf32>,
      %swap3A_744 = arith.constant 0 : index
      %swap3A_745 = tpu.vector_load %arg11[%swap3A_744] {strides = array<i32>} : memref<128xi32, #tpu.memory_space<vmem>>, vector<16xi32>,
      tpu.vector_store %arg11[%swap3A_744], %select_n3A_741 {strides = array<i32>} : memref<128xi32, #tpu.memory_space<vmem>>, vector<16xi32>,
      %xor3A_746 = arith.constant 2 : i32
      %xor3A_747 = vector.broadcast %xor3A_746 : i32 to vector<16xi32>
      %xor3A_748 = arith.xori %iota3A, %xor3A_747 : vector<16xi32>
      %gather3A_749 = tpu.vector_load_idx %arg10[%xor3A_748] : memref<128xf32, #tpu.memory_space<vmem>>[vector<16xi32>], vector<16xf32>,
      %gather3A_750 = tpu.vector_load_idx %arg11[%xor3A_748] : memref<128xi32, #tpu.memory_space<vmem>>[vector<16xi32>], vector<16xi32>,
      %lt3A_751 = arith.cmpf olt, %gather3A_749, %select_n3A_740 : vector<16xf32>
      %eq3A_752 = arith.cmpf oeq, %gather3A_749, %select_n3A_740 : vector<16xf32>
      %lt3A_753 = arith.cmpi slt, %gather3A_750, %select_n3A_741 : vector<16xi32>
      %and3A_754 = arith.andi %eq3A_752, %lt3A_753 : vector<16xi1>
      %or3A_755 = arith.ori %lt3A_751, %and3A_754 : vector<16xi1>
      %select_n3A_756 = arith.select %or3A_755, %gather3A_749, %select_n3A_740 : vector<16xi1>, vector<16xf32>
      %select_n3A_757 = arith.select %or3A_755, %gather3A_750, %select_n3A_741 : vector<16xi1>, vector<16xi32>
      %swap3A_758 = arith.constant 0 : index
      %swap3A_759 = tpu.vector_load %arg10[%swap3A_758] {strides = array<i32>} : memref<128xf32, #tpu.memory_space<vmem>>, vector<16xf32>,
      tpu.vector_store %arg10[%swap3A_758], %select_n3A_756 {strides = array<i32>} : memref<128xf32, #tpu.memory_space<vmem>>, vector<16xf32>,
      %swap3A_760 = arith.constant 0 : index
      %swap3A_761 = tpu.vector_load %arg11[%swap3A_760] {strides = array<i32>} : memref<128xi32, #tpu.memory_space<vmem>>, vector<16xi32>,
      tpu.vector_store %arg11[%swap3A_760], %select_n3A_757 {strides = array<i32>} : memref<128xi32, #tpu.memory_space<vmem>>, vector<16xi32>,
      %xor3A_762 = arith.constant 1 : i32
      %xor3A_763 = vector.broadcast %xor3A_762 : i32 to vector<16xi32>
      %xor3A_764 = arith.xori %iota3A, %xor3A_763 : vector<16xi32>
      %gather3A_765 = tpu.vector_load_idx %arg10[%xor3A_764] : memref<128xf32, #tpu.memory_space<vmem>>[vector<16xi32>], vector<16xf32>,
      %gather3A_766 = tpu.vector_load_idx %arg11[%xor3A_764] : memref<128xi32, #tpu.memory_space<vmem>>[vector<16xi32>], vector<16xi32>,
      %lt3A_767 = arith.cmpf olt, %gather3A_765, %select_n3A_756 : vector<16xf32>
      %eq3A_768 = arith.cmpf oeq, %gather3A_765, %select_n3A_756 : vector<16xf32>
      %lt3A_769 = arith.cmpi slt, %gather3A_766, %select_n3A_757 : vector<16xi32>
      %and3A_770 = arith.andi %eq3A_768, %lt3A_769 : vector<16xi1>
      %or3A_771 = arith.ori %lt3A_767, %and3A_770 : vector<16xi1>
      %select_n3A_772 = arith.select %or3A_771, %gather3A_765, %select_n3A_756 : vector<16xi1>, vector<16xf32>
      %select_n3A_773 = arith.select %or3A_771, %gather3A_766, %select_n3A_757 : vector<16xi1>, vector<16xi32>
      %eq3A_774 = arith.constant 8 : i32
      %eq3A_775 = vector.broadcast %eq3A_774 : i32 to vector<16xi32>
      %eq3A_776 = arith.cmpi eq, %iota3A, %eq3A_775 : vector<16xi32>
      %select_n3A_777 = arith.select %eq3A_776, %select_n3A_773, %select_n3A_691 : vector<16xi1>, vector<16xi32>
      %get3A_778 = arith.constant 18 : i32
      %get3A_779 = arith.index_cast %get3A_778 : i32 to index
      %get3A_780 = arith.constant 0 : index
      %get3A_781 = tpu.vector_load %arg7[%get3A_779, %get3A_780] {strides = array<i32>} : memref<30x128xf32, #tpu.memory_space<vmem>>, vector<16xf32>,
      %get3A_782 = arith.constant 19 : i32
      %get3A_783 = arith.index_cast %get3A_782 : i32 to index
      %get3A_784 = arith.constant 0 : index
      %get3A_785 = tpu.vector_load %arg7[%get3A_783, %get3A_784] {strides = array<i32>} : memref<30x128xf32, #tpu.memory_space<vmem>>, vector<16xf32>,
      %broadcast_in_dim3A_786 = arith.constant 0x7F800000 : f32
      %broadcast_in_dim3A_787 = vector.broadcast %broadcast_in_dim3A_786 : f32 to vector<16xf32>
      %broadcast_in_dim3A_788 = arith.constant 0 : i32
      %broadcast_in_dim3A_789 = vector.broadcast %broadcast_in_dim3A_788 : i32 to vector<16xi32>
      %scan3A_790 = arith.constant 0 : i32
      %scan3A_791 = arith.constant 128 : i32
      %scan3A_792 = arith.addi %scan3A_790, %scan3A_791 : i32
      %scan3A_793 = arith.constant 1 : i32
      %scan3A_794:2 = scf.for %scan3A_1339 = %scan3A_790 to %scan3A_792 step %scan3A_793 iter_args(%scan3A_1340 = %broadcast_in_dim3A_787, %scan3A_1341 = %broadcast_in_dim3A_789) -> (vector<16xf32>, vector<16xi32>)  : i32 {
        %mul3A_1342 = arith.constant 16 : i32
        %mul3A_1343 = arith.muli %scan3A_1339, %mul3A_1342 : i32
        %get3A_1344 = arith.constant 0 : i32
        %get3A_1345 = arith.index_cast %get3A_1344 : i32 to index
        %get3A_1346 = arith.index_cast %mul3A_1343 : i32 to index
        %get3A_1347 = tpu.vector_load %arg6[%get3A_1345, %get3A_1346] {strides = array<i32>} : memref<3x2048xf32, #tpu.memory_space<vmem>>, vector<16xf32>,
        %mul3A_1348 = arith.constant 16 : i32
        %mul3A_1349 = arith.muli %scan3A_1339, %mul3A_1348 : i32
        %get3A_1350 = arith.constant 1 : i32
        %get3A_1351 = arith.index_cast %get3A_1350 : i32 to index
        %get3A_1352 = arith.index_cast %mul3A_1349 : i32 to index
        %get3A_1353 = tpu.vector_load %arg6[%get3A_1351, %get3A_1352] {strides = array<i32>} : memref<3x2048xf32, #tpu.memory_space<vmem>>, vector<16xf32>,
        %sub3A = arith.subf %get3A_1347, %get3A_781 : vector<16xf32>
        %sub3A_1354 = arith.subf %get3A_1353, %get3A_785 : vector<16xf32>
        %mul3A_1355 = arith.mulf %sub3A, %sub3A : vector<16xf32>
        %mul3A_1356 = arith.mulf %sub3A_1354, %sub3A_1354 : vector<16xf32>
        %add3A_1357 = arith.addf %mul3A_1355, %mul3A_1356 : vector<16xf32>
        %lt3A_1358 = arith.cmpf olt, %add3A_1357, %scan3A_1340 : vector<16xf32>
        %mul3A_1359 = arith.constant 16 : i32
        %mul3A_1360 = arith.muli %scan3A_1339, %mul3A_1359 : i32
        %add3A_1361 = vector.broadcast %mul3A_1360 : i32 to vector<16xi32>
        %add3A_1362 = arith.addi %add3A_1361, %iota3A : vector<16xi32>
        %select_n3A_1363 = arith.select %lt3A_1358, %add3A_1357, %scan3A_1340 : vector<16xi1>, vector<16xf32>
        %select_n3A_1364 = arith.select %lt3A_1358, %add3A_1362, %scan3A_1341 : vector<16xi1>, vector<16xi32>
        scf.yield %select_n3A_1363, %select_n3A_1364 : vector<16xf32>, vector<16xi32>
      }
      %scan3A_795 = arith.constant 128 : i32
      %swap3A_796 = arith.constant 0 : index
      %swap3A_797 = tpu.vector_load %arg10[%swap3A_796] {strides = array<i32>} : memref<128xf32, #tpu.memory_space<vmem>>, vector<16xf32>,
      tpu.vector_store %arg10[%swap3A_796], %scan3A_794#0 {strides = array<i32>} : memref<128xf32, #tpu.memory_space<vmem>>, vector<16xf32>,
      %swap3A_798 = arith.constant 0 : index
      %swap3A_799 = tpu.vector_load %arg11[%swap3A_798] {strides = array<i32>} : memref<128xi32, #tpu.memory_space<vmem>>, vector<16xi32>,
      tpu.vector_store %arg11[%swap3A_798], %scan3A_794#1 {strides = array<i32>} : memref<128xi32, #tpu.memory_space<vmem>>, vector<16xi32>,
      %xor3A_800 = arith.constant 8 : i32
      %xor3A_801 = vector.broadcast %xor3A_800 : i32 to vector<16xi32>
      %xor3A_802 = arith.xori %iota3A, %xor3A_801 : vector<16xi32>
      %gather3A_803 = tpu.vector_load_idx %arg10[%xor3A_802] : memref<128xf32, #tpu.memory_space<vmem>>[vector<16xi32>], vector<16xf32>,
      %gather3A_804 = tpu.vector_load_idx %arg11[%xor3A_802] : memref<128xi32, #tpu.memory_space<vmem>>[vector<16xi32>], vector<16xi32>,
      %lt3A_805 = arith.cmpf olt, %gather3A_803, %scan3A_794#0 : vector<16xf32>
      %eq3A_806 = arith.cmpf oeq, %gather3A_803, %scan3A_794#0 : vector<16xf32>
      %lt3A_807 = arith.cmpi slt, %gather3A_804, %scan3A_794#1 : vector<16xi32>
      %and3A_808 = arith.andi %eq3A_806, %lt3A_807 : vector<16xi1>
      %or3A_809 = arith.ori %lt3A_805, %and3A_808 : vector<16xi1>
      %select_n3A_810 = arith.select %or3A_809, %gather3A_803, %scan3A_794#0 : vector<16xi1>, vector<16xf32>
      %select_n3A_811 = arith.select %or3A_809, %gather3A_804, %scan3A_794#1 : vector<16xi1>, vector<16xi32>
      %swap3A_812 = arith.constant 0 : index
      %swap3A_813 = tpu.vector_load %arg10[%swap3A_812] {strides = array<i32>} : memref<128xf32, #tpu.memory_space<vmem>>, vector<16xf32>,
      tpu.vector_store %arg10[%swap3A_812], %select_n3A_810 {strides = array<i32>} : memref<128xf32, #tpu.memory_space<vmem>>, vector<16xf32>,
      %swap3A_814 = arith.constant 0 : index
      %swap3A_815 = tpu.vector_load %arg11[%swap3A_814] {strides = array<i32>} : memref<128xi32, #tpu.memory_space<vmem>>, vector<16xi32>,
      tpu.vector_store %arg11[%swap3A_814], %select_n3A_811 {strides = array<i32>} : memref<128xi32, #tpu.memory_space<vmem>>, vector<16xi32>,
      %xor3A_816 = arith.constant 4 : i32
      %xor3A_817 = vector.broadcast %xor3A_816 : i32 to vector<16xi32>
      %xor3A_818 = arith.xori %iota3A, %xor3A_817 : vector<16xi32>
      %gather3A_819 = tpu.vector_load_idx %arg10[%xor3A_818] : memref<128xf32, #tpu.memory_space<vmem>>[vector<16xi32>], vector<16xf32>,
      %gather3A_820 = tpu.vector_load_idx %arg11[%xor3A_818] : memref<128xi32, #tpu.memory_space<vmem>>[vector<16xi32>], vector<16xi32>,
      %lt3A_821 = arith.cmpf olt, %gather3A_819, %select_n3A_810 : vector<16xf32>
      %eq3A_822 = arith.cmpf oeq, %gather3A_819, %select_n3A_810 : vector<16xf32>
      %lt3A_823 = arith.cmpi slt, %gather3A_820, %select_n3A_811 : vector<16xi32>
      %and3A_824 = arith.andi %eq3A_822, %lt3A_823 : vector<16xi1>
      %or3A_825 = arith.ori %lt3A_821, %and3A_824 : vector<16xi1>
      %select_n3A_826 = arith.select %or3A_825, %gather3A_819, %select_n3A_810 : vector<16xi1>, vector<16xf32>
      %select_n3A_827 = arith.select %or3A_825, %gather3A_820, %select_n3A_811 : vector<16xi1>, vector<16xi32>
      %swap3A_828 = arith.constant 0 : index
      %swap3A_829 = tpu.vector_load %arg10[%swap3A_828] {strides = array<i32>} : memref<128xf32, #tpu.memory_space<vmem>>, vector<16xf32>,
      tpu.vector_store %arg10[%swap3A_828], %select_n3A_826 {strides = array<i32>} : memref<128xf32, #tpu.memory_space<vmem>>, vector<16xf32>,
      %swap3A_830 = arith.constant 0 : index
      %swap3A_831 = tpu.vector_load %arg11[%swap3A_830] {strides = array<i32>} : memref<128xi32, #tpu.memory_space<vmem>>, vector<16xi32>,
      tpu.vector_store %arg11[%swap3A_830], %select_n3A_827 {strides = array<i32>} : memref<128xi32, #tpu.memory_space<vmem>>, vector<16xi32>,
      %xor3A_832 = arith.constant 2 : i32
      %xor3A_833 = vector.broadcast %xor3A_832 : i32 to vector<16xi32>
      %xor3A_834 = arith.xori %iota3A, %xor3A_833 : vector<16xi32>
      %gather3A_835 = tpu.vector_load_idx %arg10[%xor3A_834] : memref<128xf32, #tpu.memory_space<vmem>>[vector<16xi32>], vector<16xf32>,
      %gather3A_836 = tpu.vector_load_idx %arg11[%xor3A_834] : memref<128xi32, #tpu.memory_space<vmem>>[vector<16xi32>], vector<16xi32>,
      %lt3A_837 = arith.cmpf olt, %gather3A_835, %select_n3A_826 : vector<16xf32>
      %eq3A_838 = arith.cmpf oeq, %gather3A_835, %select_n3A_826 : vector<16xf32>
      %lt3A_839 = arith.cmpi slt, %gather3A_836, %select_n3A_827 : vector<16xi32>
      %and3A_840 = arith.andi %eq3A_838, %lt3A_839 : vector<16xi1>
      %or3A_841 = arith.ori %lt3A_837, %and3A_840 : vector<16xi1>
      %select_n3A_842 = arith.select %or3A_841, %gather3A_835, %select_n3A_826 : vector<16xi1>, vector<16xf32>
      %select_n3A_843 = arith.select %or3A_841, %gather3A_836, %select_n3A_827 : vector<16xi1>, vector<16xi32>
      %swap3A_844 = arith.constant 0 : index
      %swap3A_845 = tpu.vector_load %arg10[%swap3A_844] {strides = array<i32>} : memref<128xf32, #tpu.memory_space<vmem>>, vector<16xf32>,
      tpu.vector_store %arg10[%swap3A_844], %select_n3A_842 {strides = array<i32>} : memref<128xf32, #tpu.memory_space<vmem>>, vector<16xf32>,
      %swap3A_846 = arith.constant 0 : index
      %swap3A_847 = tpu.vector_load %arg11[%swap3A_846] {strides = array<i32>} : memref<128xi32, #tpu.memory_space<vmem>>, vector<16xi32>,
      tpu.vector_store %arg11[%swap3A_846], %select_n3A_843 {strides = array<i32>} : memref<128xi32, #tpu.memory_space<vmem>>, vector<16xi32>,
      %xor3A_848 = arith.constant 1 : i32
      %xor3A_849 = vector.broadcast %xor3A_848 : i32 to vector<16xi32>
      %xor3A_850 = arith.xori %iota3A, %xor3A_849 : vector<16xi32>
      %gather3A_851 = tpu.vector_load_idx %arg10[%xor3A_850] : memref<128xf32, #tpu.memory_space<vmem>>[vector<16xi32>], vector<16xf32>,
      %gather3A_852 = tpu.vector_load_idx %arg11[%xor3A_850] : memref<128xi32, #tpu.memory_space<vmem>>[vector<16xi32>], vector<16xi32>,
      %lt3A_853 = arith.cmpf olt, %gather3A_851, %select_n3A_842 : vector<16xf32>
      %eq3A_854 = arith.cmpf oeq, %gather3A_851, %select_n3A_842 : vector<16xf32>
      %lt3A_855 = arith.cmpi slt, %gather3A_852, %select_n3A_843 : vector<16xi32>
      %and3A_856 = arith.andi %eq3A_854, %lt3A_855 : vector<16xi1>
      %or3A_857 = arith.ori %lt3A_853, %and3A_856 : vector<16xi1>
      %select_n3A_858 = arith.select %or3A_857, %gather3A_851, %select_n3A_842 : vector<16xi1>, vector<16xf32>
      %select_n3A_859 = arith.select %or3A_857, %gather3A_852, %select_n3A_843 : vector<16xi1>, vector<16xi32>
      %eq3A_860 = arith.constant 9 : i32
      %eq3A_861 = vector.broadcast %eq3A_860 : i32 to vector<16xi32>
      %eq3A_862 = arith.cmpi eq, %iota3A, %eq3A_861 : vector<16xi32>
      %select_n3A_863 = arith.select %eq3A_862, %select_n3A_859, %select_n3A_777 : vector<16xi1>, vector<16xi32>
      %get3A_864 = arith.constant 20 : i32
      %get3A_865 = arith.index_cast %get3A_864 : i32 to index
      %get3A_866 = arith.constant 0 : index
      %get3A_867 = tpu.vector_load %arg7[%get3A_865, %get3A_866] {strides = array<i32>} : memref<30x128xf32, #tpu.memory_space<vmem>>, vector<16xf32>,
      %get3A_868 = arith.constant 21 : i32
      %get3A_869 = arith.index_cast %get3A_868 : i32 to index
      %get3A_870 = arith.constant 0 : index
      %get3A_871 = tpu.vector_load %arg7[%get3A_869, %get3A_870] {strides = array<i32>} : memref<30x128xf32, #tpu.memory_space<vmem>>, vector<16xf32>,
      %broadcast_in_dim3A_872 = arith.constant 0x7F800000 : f32
      %broadcast_in_dim3A_873 = vector.broadcast %broadcast_in_dim3A_872 : f32 to vector<16xf32>
      %broadcast_in_dim3A_874 = arith.constant 0 : i32
      %broadcast_in_dim3A_875 = vector.broadcast %broadcast_in_dim3A_874 : i32 to vector<16xi32>
      %scan3A_876 = arith.constant 0 : i32
      %scan3A_877 = arith.constant 128 : i32
      %scan3A_878 = arith.addi %scan3A_876, %scan3A_877 : i32
      %scan3A_879 = arith.constant 1 : i32
      %scan3A_880:2 = scf.for %scan3A_1339 = %scan3A_876 to %scan3A_878 step %scan3A_879 iter_args(%scan3A_1340 = %broadcast_in_dim3A_873, %scan3A_1341 = %broadcast_in_dim3A_875) -> (vector<16xf32>, vector<16xi32>)  : i32 {
        %mul3A_1342 = arith.constant 16 : i32
        %mul3A_1343 = arith.muli %scan3A_1339, %mul3A_1342 : i32
        %get3A_1344 = arith.constant 0 : i32
        %get3A_1345 = arith.index_cast %get3A_1344 : i32 to index
        %get3A_1346 = arith.index_cast %mul3A_1343 : i32 to index
        %get3A_1347 = tpu.vector_load %arg6[%get3A_1345, %get3A_1346] {strides = array<i32>} : memref<3x2048xf32, #tpu.memory_space<vmem>>, vector<16xf32>,
        %mul3A_1348 = arith.constant 16 : i32
        %mul3A_1349 = arith.muli %scan3A_1339, %mul3A_1348 : i32
        %get3A_1350 = arith.constant 1 : i32
        %get3A_1351 = arith.index_cast %get3A_1350 : i32 to index
        %get3A_1352 = arith.index_cast %mul3A_1349 : i32 to index
        %get3A_1353 = tpu.vector_load %arg6[%get3A_1351, %get3A_1352] {strides = array<i32>} : memref<3x2048xf32, #tpu.memory_space<vmem>>, vector<16xf32>,
        %sub3A = arith.subf %get3A_1347, %get3A_867 : vector<16xf32>
        %sub3A_1354 = arith.subf %get3A_1353, %get3A_871 : vector<16xf32>
        %mul3A_1355 = arith.mulf %sub3A, %sub3A : vector<16xf32>
        %mul3A_1356 = arith.mulf %sub3A_1354, %sub3A_1354 : vector<16xf32>
        %add3A_1357 = arith.addf %mul3A_1355, %mul3A_1356 : vector<16xf32>
        %lt3A_1358 = arith.cmpf olt, %add3A_1357, %scan3A_1340 : vector<16xf32>
        %mul3A_1359 = arith.constant 16 : i32
        %mul3A_1360 = arith.muli %scan3A_1339, %mul3A_1359 : i32
        %add3A_1361 = vector.broadcast %mul3A_1360 : i32 to vector<16xi32>
        %add3A_1362 = arith.addi %add3A_1361, %iota3A : vector<16xi32>
        %select_n3A_1363 = arith.select %lt3A_1358, %add3A_1357, %scan3A_1340 : vector<16xi1>, vector<16xf32>
        %select_n3A_1364 = arith.select %lt3A_1358, %add3A_1362, %scan3A_1341 : vector<16xi1>, vector<16xi32>
        scf.yield %select_n3A_1363, %select_n3A_1364 : vector<16xf32>, vector<16xi32>
      }
      %scan3A_881 = arith.constant 128 : i32
      %swap3A_882 = arith.constant 0 : index
      %swap3A_883 = tpu.vector_load %arg10[%swap3A_882] {strides = array<i32>} : memref<128xf32, #tpu.memory_space<vmem>>, vector<16xf32>,
      tpu.vector_store %arg10[%swap3A_882], %scan3A_880#0 {strides = array<i32>} : memref<128xf32, #tpu.memory_space<vmem>>, vector<16xf32>,
      %swap3A_884 = arith.constant 0 : index
      %swap3A_885 = tpu.vector_load %arg11[%swap3A_884] {strides = array<i32>} : memref<128xi32, #tpu.memory_space<vmem>>, vector<16xi32>,
      tpu.vector_store %arg11[%swap3A_884], %scan3A_880#1 {strides = array<i32>} : memref<128xi32, #tpu.memory_space<vmem>>, vector<16xi32>,
      %xor3A_886 = arith.constant 8 : i32
      %xor3A_887 = vector.broadcast %xor3A_886 : i32 to vector<16xi32>
      %xor3A_888 = arith.xori %iota3A, %xor3A_887 : vector<16xi32>
      %gather3A_889 = tpu.vector_load_idx %arg10[%xor3A_888] : memref<128xf32, #tpu.memory_space<vmem>>[vector<16xi32>], vector<16xf32>,
      %gather3A_890 = tpu.vector_load_idx %arg11[%xor3A_888] : memref<128xi32, #tpu.memory_space<vmem>>[vector<16xi32>], vector<16xi32>,
      %lt3A_891 = arith.cmpf olt, %gather3A_889, %scan3A_880#0 : vector<16xf32>
      %eq3A_892 = arith.cmpf oeq, %gather3A_889, %scan3A_880#0 : vector<16xf32>
      %lt3A_893 = arith.cmpi slt, %gather3A_890, %scan3A_880#1 : vector<16xi32>
      %and3A_894 = arith.andi %eq3A_892, %lt3A_893 : vector<16xi1>
      %or3A_895 = arith.ori %lt3A_891, %and3A_894 : vector<16xi1>
      %select_n3A_896 = arith.select %or3A_895, %gather3A_889, %scan3A_880#0 : vector<16xi1>, vector<16xf32>
      %select_n3A_897 = arith.select %or3A_895, %gather3A_890, %scan3A_880#1 : vector<16xi1>, vector<16xi32>
      %swap3A_898 = arith.constant 0 : index
      %swap3A_899 = tpu.vector_load %arg10[%swap3A_898] {strides = array<i32>} : memref<128xf32, #tpu.memory_space<vmem>>, vector<16xf32>,
      tpu.vector_store %arg10[%swap3A_898], %select_n3A_896 {strides = array<i32>} : memref<128xf32, #tpu.memory_space<vmem>>, vector<16xf32>,
      %swap3A_900 = arith.constant 0 : index
      %swap3A_901 = tpu.vector_load %arg11[%swap3A_900] {strides = array<i32>} : memref<128xi32, #tpu.memory_space<vmem>>, vector<16xi32>,
      tpu.vector_store %arg11[%swap3A_900], %select_n3A_897 {strides = array<i32>} : memref<128xi32, #tpu.memory_space<vmem>>, vector<16xi32>,
      %xor3A_902 = arith.constant 4 : i32
      %xor3A_903 = vector.broadcast %xor3A_902 : i32 to vector<16xi32>
      %xor3A_904 = arith.xori %iota3A, %xor3A_903 : vector<16xi32>
      %gather3A_905 = tpu.vector_load_idx %arg10[%xor3A_904] : memref<128xf32, #tpu.memory_space<vmem>>[vector<16xi32>], vector<16xf32>,
      %gather3A_906 = tpu.vector_load_idx %arg11[%xor3A_904] : memref<128xi32, #tpu.memory_space<vmem>>[vector<16xi32>], vector<16xi32>,
      %lt3A_907 = arith.cmpf olt, %gather3A_905, %select_n3A_896 : vector<16xf32>
      %eq3A_908 = arith.cmpf oeq, %gather3A_905, %select_n3A_896 : vector<16xf32>
      %lt3A_909 = arith.cmpi slt, %gather3A_906, %select_n3A_897 : vector<16xi32>
      %and3A_910 = arith.andi %eq3A_908, %lt3A_909 : vector<16xi1>
      %or3A_911 = arith.ori %lt3A_907, %and3A_910 : vector<16xi1>
      %select_n3A_912 = arith.select %or3A_911, %gather3A_905, %select_n3A_896 : vector<16xi1>, vector<16xf32>
      %select_n3A_913 = arith.select %or3A_911, %gather3A_906, %select_n3A_897 : vector<16xi1>, vector<16xi32>
      %swap3A_914 = arith.constant 0 : index
      %swap3A_915 = tpu.vector_load %arg10[%swap3A_914] {strides = array<i32>} : memref<128xf32, #tpu.memory_space<vmem>>, vector<16xf32>,
      tpu.vector_store %arg10[%swap3A_914], %select_n3A_912 {strides = array<i32>} : memref<128xf32, #tpu.memory_space<vmem>>, vector<16xf32>,
      %swap3A_916 = arith.constant 0 : index
      %swap3A_917 = tpu.vector_load %arg11[%swap3A_916] {strides = array<i32>} : memref<128xi32, #tpu.memory_space<vmem>>, vector<16xi32>,
      tpu.vector_store %arg11[%swap3A_916], %select_n3A_913 {strides = array<i32>} : memref<128xi32, #tpu.memory_space<vmem>>, vector<16xi32>,
      %xor3A_918 = arith.constant 2 : i32
      %xor3A_919 = vector.broadcast %xor3A_918 : i32 to vector<16xi32>
      %xor3A_920 = arith.xori %iota3A, %xor3A_919 : vector<16xi32>
      %gather3A_921 = tpu.vector_load_idx %arg10[%xor3A_920] : memref<128xf32, #tpu.memory_space<vmem>>[vector<16xi32>], vector<16xf32>,
      %gather3A_922 = tpu.vector_load_idx %arg11[%xor3A_920] : memref<128xi32, #tpu.memory_space<vmem>>[vector<16xi32>], vector<16xi32>,
      %lt3A_923 = arith.cmpf olt, %gather3A_921, %select_n3A_912 : vector<16xf32>
      %eq3A_924 = arith.cmpf oeq, %gather3A_921, %select_n3A_912 : vector<16xf32>
      %lt3A_925 = arith.cmpi slt, %gather3A_922, %select_n3A_913 : vector<16xi32>
      %and3A_926 = arith.andi %eq3A_924, %lt3A_925 : vector<16xi1>
      %or3A_927 = arith.ori %lt3A_923, %and3A_926 : vector<16xi1>
      %select_n3A_928 = arith.select %or3A_927, %gather3A_921, %select_n3A_912 : vector<16xi1>, vector<16xf32>
      %select_n3A_929 = arith.select %or3A_927, %gather3A_922, %select_n3A_913 : vector<16xi1>, vector<16xi32>
      %swap3A_930 = arith.constant 0 : index
      %swap3A_931 = tpu.vector_load %arg10[%swap3A_930] {strides = array<i32>} : memref<128xf32, #tpu.memory_space<vmem>>, vector<16xf32>,
      tpu.vector_store %arg10[%swap3A_930], %select_n3A_928 {strides = array<i32>} : memref<128xf32, #tpu.memory_space<vmem>>, vector<16xf32>,
      %swap3A_932 = arith.constant 0 : index
      %swap3A_933 = tpu.vector_load %arg11[%swap3A_932] {strides = array<i32>} : memref<128xi32, #tpu.memory_space<vmem>>, vector<16xi32>,
      tpu.vector_store %arg11[%swap3A_932], %select_n3A_929 {strides = array<i32>} : memref<128xi32, #tpu.memory_space<vmem>>, vector<16xi32>,
      %xor3A_934 = arith.constant 1 : i32
      %xor3A_935 = vector.broadcast %xor3A_934 : i32 to vector<16xi32>
      %xor3A_936 = arith.xori %iota3A, %xor3A_935 : vector<16xi32>
      %gather3A_937 = tpu.vector_load_idx %arg10[%xor3A_936] : memref<128xf32, #tpu.memory_space<vmem>>[vector<16xi32>], vector<16xf32>,
      %gather3A_938 = tpu.vector_load_idx %arg11[%xor3A_936] : memref<128xi32, #tpu.memory_space<vmem>>[vector<16xi32>], vector<16xi32>,
      %lt3A_939 = arith.cmpf olt, %gather3A_937, %select_n3A_928 : vector<16xf32>
      %eq3A_940 = arith.cmpf oeq, %gather3A_937, %select_n3A_928 : vector<16xf32>
      %lt3A_941 = arith.cmpi slt, %gather3A_938, %select_n3A_929 : vector<16xi32>
      %and3A_942 = arith.andi %eq3A_940, %lt3A_941 : vector<16xi1>
      %or3A_943 = arith.ori %lt3A_939, %and3A_942 : vector<16xi1>
      %select_n3A_944 = arith.select %or3A_943, %gather3A_937, %select_n3A_928 : vector<16xi1>, vector<16xf32>
      %select_n3A_945 = arith.select %or3A_943, %gather3A_938, %select_n3A_929 : vector<16xi1>, vector<16xi32>
      %eq3A_946 = arith.constant 10 : i32
      %eq3A_947 = vector.broadcast %eq3A_946 : i32 to vector<16xi32>
      %eq3A_948 = arith.cmpi eq, %iota3A, %eq3A_947 : vector<16xi32>
      %select_n3A_949 = arith.select %eq3A_948, %select_n3A_945, %select_n3A_863 : vector<16xi1>, vector<16xi32>
      %get3A_950 = arith.constant 22 : i32
      %get3A_951 = arith.index_cast %get3A_950 : i32 to index
      %get3A_952 = arith.constant 0 : index
      %get3A_953 = tpu.vector_load %arg7[%get3A_951, %get3A_952] {strides = array<i32>} : memref<30x128xf32, #tpu.memory_space<vmem>>, vector<16xf32>,
      %get3A_954 = arith.constant 23 : i32
      %get3A_955 = arith.index_cast %get3A_954 : i32 to index
      %get3A_956 = arith.constant 0 : index
      %get3A_957 = tpu.vector_load %arg7[%get3A_955, %get3A_956] {strides = array<i32>} : memref<30x128xf32, #tpu.memory_space<vmem>>, vector<16xf32>,
      %broadcast_in_dim3A_958 = arith.constant 0x7F800000 : f32
      %broadcast_in_dim3A_959 = vector.broadcast %broadcast_in_dim3A_958 : f32 to vector<16xf32>
      %broadcast_in_dim3A_960 = arith.constant 0 : i32
      %broadcast_in_dim3A_961 = vector.broadcast %broadcast_in_dim3A_960 : i32 to vector<16xi32>
      %scan3A_962 = arith.constant 0 : i32
      %scan3A_963 = arith.constant 128 : i32
      %scan3A_964 = arith.addi %scan3A_962, %scan3A_963 : i32
      %scan3A_965 = arith.constant 1 : i32
      %scan3A_966:2 = scf.for %scan3A_1339 = %scan3A_962 to %scan3A_964 step %scan3A_965 iter_args(%scan3A_1340 = %broadcast_in_dim3A_959, %scan3A_1341 = %broadcast_in_dim3A_961) -> (vector<16xf32>, vector<16xi32>)  : i32 {
        %mul3A_1342 = arith.constant 16 : i32
        %mul3A_1343 = arith.muli %scan3A_1339, %mul3A_1342 : i32
        %get3A_1344 = arith.constant 0 : i32
        %get3A_1345 = arith.index_cast %get3A_1344 : i32 to index
        %get3A_1346 = arith.index_cast %mul3A_1343 : i32 to index
        %get3A_1347 = tpu.vector_load %arg6[%get3A_1345, %get3A_1346] {strides = array<i32>} : memref<3x2048xf32, #tpu.memory_space<vmem>>, vector<16xf32>,
        %mul3A_1348 = arith.constant 16 : i32
        %mul3A_1349 = arith.muli %scan3A_1339, %mul3A_1348 : i32
        %get3A_1350 = arith.constant 1 : i32
        %get3A_1351 = arith.index_cast %get3A_1350 : i32 to index
        %get3A_1352 = arith.index_cast %mul3A_1349 : i32 to index
        %get3A_1353 = tpu.vector_load %arg6[%get3A_1351, %get3A_1352] {strides = array<i32>} : memref<3x2048xf32, #tpu.memory_space<vmem>>, vector<16xf32>,
        %sub3A = arith.subf %get3A_1347, %get3A_953 : vector<16xf32>
        %sub3A_1354 = arith.subf %get3A_1353, %get3A_957 : vector<16xf32>
        %mul3A_1355 = arith.mulf %sub3A, %sub3A : vector<16xf32>
        %mul3A_1356 = arith.mulf %sub3A_1354, %sub3A_1354 : vector<16xf32>
        %add3A_1357 = arith.addf %mul3A_1355, %mul3A_1356 : vector<16xf32>
        %lt3A_1358 = arith.cmpf olt, %add3A_1357, %scan3A_1340 : vector<16xf32>
        %mul3A_1359 = arith.constant 16 : i32
        %mul3A_1360 = arith.muli %scan3A_1339, %mul3A_1359 : i32
        %add3A_1361 = vector.broadcast %mul3A_1360 : i32 to vector<16xi32>
        %add3A_1362 = arith.addi %add3A_1361, %iota3A : vector<16xi32>
        %select_n3A_1363 = arith.select %lt3A_1358, %add3A_1357, %scan3A_1340 : vector<16xi1>, vector<16xf32>
        %select_n3A_1364 = arith.select %lt3A_1358, %add3A_1362, %scan3A_1341 : vector<16xi1>, vector<16xi32>
        scf.yield %select_n3A_1363, %select_n3A_1364 : vector<16xf32>, vector<16xi32>
      }
      %scan3A_967 = arith.constant 128 : i32
      %swap3A_968 = arith.constant 0 : index
      %swap3A_969 = tpu.vector_load %arg10[%swap3A_968] {strides = array<i32>} : memref<128xf32, #tpu.memory_space<vmem>>, vector<16xf32>,
      tpu.vector_store %arg10[%swap3A_968], %scan3A_966#0 {strides = array<i32>} : memref<128xf32, #tpu.memory_space<vmem>>, vector<16xf32>,
      %swap3A_970 = arith.constant 0 : index
      %swap3A_971 = tpu.vector_load %arg11[%swap3A_970] {strides = array<i32>} : memref<128xi32, #tpu.memory_space<vmem>>, vector<16xi32>,
      tpu.vector_store %arg11[%swap3A_970], %scan3A_966#1 {strides = array<i32>} : memref<128xi32, #tpu.memory_space<vmem>>, vector<16xi32>,
      %xor3A_972 = arith.constant 8 : i32
      %xor3A_973 = vector.broadcast %xor3A_972 : i32 to vector<16xi32>
      %xor3A_974 = arith.xori %iota3A, %xor3A_973 : vector<16xi32>
      %gather3A_975 = tpu.vector_load_idx %arg10[%xor3A_974] : memref<128xf32, #tpu.memory_space<vmem>>[vector<16xi32>], vector<16xf32>,
      %gather3A_976 = tpu.vector_load_idx %arg11[%xor3A_974] : memref<128xi32, #tpu.memory_space<vmem>>[vector<16xi32>], vector<16xi32>,
      %lt3A_977 = arith.cmpf olt, %gather3A_975, %scan3A_966#0 : vector<16xf32>
      %eq3A_978 = arith.cmpf oeq, %gather3A_975, %scan3A_966#0 : vector<16xf32>
      %lt3A_979 = arith.cmpi slt, %gather3A_976, %scan3A_966#1 : vector<16xi32>
      %and3A_980 = arith.andi %eq3A_978, %lt3A_979 : vector<16xi1>
      %or3A_981 = arith.ori %lt3A_977, %and3A_980 : vector<16xi1>
      %select_n3A_982 = arith.select %or3A_981, %gather3A_975, %scan3A_966#0 : vector<16xi1>, vector<16xf32>
      %select_n3A_983 = arith.select %or3A_981, %gather3A_976, %scan3A_966#1 : vector<16xi1>, vector<16xi32>
      %swap3A_984 = arith.constant 0 : index
      %swap3A_985 = tpu.vector_load %arg10[%swap3A_984] {strides = array<i32>} : memref<128xf32, #tpu.memory_space<vmem>>, vector<16xf32>,
      tpu.vector_store %arg10[%swap3A_984], %select_n3A_982 {strides = array<i32>} : memref<128xf32, #tpu.memory_space<vmem>>, vector<16xf32>,
      %swap3A_986 = arith.constant 0 : index
      %swap3A_987 = tpu.vector_load %arg11[%swap3A_986] {strides = array<i32>} : memref<128xi32, #tpu.memory_space<vmem>>, vector<16xi32>,
      tpu.vector_store %arg11[%swap3A_986], %select_n3A_983 {strides = array<i32>} : memref<128xi32, #tpu.memory_space<vmem>>, vector<16xi32>,
      %xor3A_988 = arith.constant 4 : i32
      %xor3A_989 = vector.broadcast %xor3A_988 : i32 to vector<16xi32>
      %xor3A_990 = arith.xori %iota3A, %xor3A_989 : vector<16xi32>
      %gather3A_991 = tpu.vector_load_idx %arg10[%xor3A_990] : memref<128xf32, #tpu.memory_space<vmem>>[vector<16xi32>], vector<16xf32>,
      %gather3A_992 = tpu.vector_load_idx %arg11[%xor3A_990] : memref<128xi32, #tpu.memory_space<vmem>>[vector<16xi32>], vector<16xi32>,
      %lt3A_993 = arith.cmpf olt, %gather3A_991, %select_n3A_982 : vector<16xf32>
      %eq3A_994 = arith.cmpf oeq, %gather3A_991, %select_n3A_982 : vector<16xf32>
      %lt3A_995 = arith.cmpi slt, %gather3A_992, %select_n3A_983 : vector<16xi32>
      %and3A_996 = arith.andi %eq3A_994, %lt3A_995 : vector<16xi1>
      %or3A_997 = arith.ori %lt3A_993, %and3A_996 : vector<16xi1>
      %select_n3A_998 = arith.select %or3A_997, %gather3A_991, %select_n3A_982 : vector<16xi1>, vector<16xf32>
      %select_n3A_999 = arith.select %or3A_997, %gather3A_992, %select_n3A_983 : vector<16xi1>, vector<16xi32>
      %swap3A_1000 = arith.constant 0 : index
      %swap3A_1001 = tpu.vector_load %arg10[%swap3A_1000] {strides = array<i32>} : memref<128xf32, #tpu.memory_space<vmem>>, vector<16xf32>,
      tpu.vector_store %arg10[%swap3A_1000], %select_n3A_998 {strides = array<i32>} : memref<128xf32, #tpu.memory_space<vmem>>, vector<16xf32>,
      %swap3A_1002 = arith.constant 0 : index
      %swap3A_1003 = tpu.vector_load %arg11[%swap3A_1002] {strides = array<i32>} : memref<128xi32, #tpu.memory_space<vmem>>, vector<16xi32>,
      tpu.vector_store %arg11[%swap3A_1002], %select_n3A_999 {strides = array<i32>} : memref<128xi32, #tpu.memory_space<vmem>>, vector<16xi32>,
      %xor3A_1004 = arith.constant 2 : i32
      %xor3A_1005 = vector.broadcast %xor3A_1004 : i32 to vector<16xi32>
      %xor3A_1006 = arith.xori %iota3A, %xor3A_1005 : vector<16xi32>
      %gather3A_1007 = tpu.vector_load_idx %arg10[%xor3A_1006] : memref<128xf32, #tpu.memory_space<vmem>>[vector<16xi32>], vector<16xf32>,
      %gather3A_1008 = tpu.vector_load_idx %arg11[%xor3A_1006] : memref<128xi32, #tpu.memory_space<vmem>>[vector<16xi32>], vector<16xi32>,
      %lt3A_1009 = arith.cmpf olt, %gather3A_1007, %select_n3A_998 : vector<16xf32>
      %eq3A_1010 = arith.cmpf oeq, %gather3A_1007, %select_n3A_998 : vector<16xf32>
      %lt3A_1011 = arith.cmpi slt, %gather3A_1008, %select_n3A_999 : vector<16xi32>
      %and3A_1012 = arith.andi %eq3A_1010, %lt3A_1011 : vector<16xi1>
      %or3A_1013 = arith.ori %lt3A_1009, %and3A_1012 : vector<16xi1>
      %select_n3A_1014 = arith.select %or3A_1013, %gather3A_1007, %select_n3A_998 : vector<16xi1>, vector<16xf32>
      %select_n3A_1015 = arith.select %or3A_1013, %gather3A_1008, %select_n3A_999 : vector<16xi1>, vector<16xi32>
      %swap3A_1016 = arith.constant 0 : index
      %swap3A_1017 = tpu.vector_load %arg10[%swap3A_1016] {strides = array<i32>} : memref<128xf32, #tpu.memory_space<vmem>>, vector<16xf32>,
      tpu.vector_store %arg10[%swap3A_1016], %select_n3A_1014 {strides = array<i32>} : memref<128xf32, #tpu.memory_space<vmem>>, vector<16xf32>,
      %swap3A_1018 = arith.constant 0 : index
      %swap3A_1019 = tpu.vector_load %arg11[%swap3A_1018] {strides = array<i32>} : memref<128xi32, #tpu.memory_space<vmem>>, vector<16xi32>,
      tpu.vector_store %arg11[%swap3A_1018], %select_n3A_1015 {strides = array<i32>} : memref<128xi32, #tpu.memory_space<vmem>>, vector<16xi32>,
      %xor3A_1020 = arith.constant 1 : i32
      %xor3A_1021 = vector.broadcast %xor3A_1020 : i32 to vector<16xi32>
      %xor3A_1022 = arith.xori %iota3A, %xor3A_1021 : vector<16xi32>
      %gather3A_1023 = tpu.vector_load_idx %arg10[%xor3A_1022] : memref<128xf32, #tpu.memory_space<vmem>>[vector<16xi32>], vector<16xf32>,
      %gather3A_1024 = tpu.vector_load_idx %arg11[%xor3A_1022] : memref<128xi32, #tpu.memory_space<vmem>>[vector<16xi32>], vector<16xi32>,
      %lt3A_1025 = arith.cmpf olt, %gather3A_1023, %select_n3A_1014 : vector<16xf32>
      %eq3A_1026 = arith.cmpf oeq, %gather3A_1023, %select_n3A_1014 : vector<16xf32>
      %lt3A_1027 = arith.cmpi slt, %gather3A_1024, %select_n3A_1015 : vector<16xi32>
      %and3A_1028 = arith.andi %eq3A_1026, %lt3A_1027 : vector<16xi1>
      %or3A_1029 = arith.ori %lt3A_1025, %and3A_1028 : vector<16xi1>
      %select_n3A_1030 = arith.select %or3A_1029, %gather3A_1023, %select_n3A_1014 : vector<16xi1>, vector<16xf32>
      %select_n3A_1031 = arith.select %or3A_1029, %gather3A_1024, %select_n3A_1015 : vector<16xi1>, vector<16xi32>
      %eq3A_1032 = arith.constant 11 : i32
      %eq3A_1033 = vector.broadcast %eq3A_1032 : i32 to vector<16xi32>
      %eq3A_1034 = arith.cmpi eq, %iota3A, %eq3A_1033 : vector<16xi32>
      %select_n3A_1035 = arith.select %eq3A_1034, %select_n3A_1031, %select_n3A_949 : vector<16xi1>, vector<16xi32>
      %get3A_1036 = arith.constant 24 : i32
      %get3A_1037 = arith.index_cast %get3A_1036 : i32 to index
      %get3A_1038 = arith.constant 0 : index
      %get3A_1039 = tpu.vector_load %arg7[%get3A_1037, %get3A_1038] {strides = array<i32>} : memref<30x128xf32, #tpu.memory_space<vmem>>, vector<16xf32>,
      %get3A_1040 = arith.constant 25 : i32
      %get3A_1041 = arith.index_cast %get3A_1040 : i32 to index
      %get3A_1042 = arith.constant 0 : index
      %get3A_1043 = tpu.vector_load %arg7[%get3A_1041, %get3A_1042] {strides = array<i32>} : memref<30x128xf32, #tpu.memory_space<vmem>>, vector<16xf32>,
      %broadcast_in_dim3A_1044 = arith.constant 0x7F800000 : f32
      %broadcast_in_dim3A_1045 = vector.broadcast %broadcast_in_dim3A_1044 : f32 to vector<16xf32>
      %broadcast_in_dim3A_1046 = arith.constant 0 : i32
      %broadcast_in_dim3A_1047 = vector.broadcast %broadcast_in_dim3A_1046 : i32 to vector<16xi32>
      %scan3A_1048 = arith.constant 0 : i32
      %scan3A_1049 = arith.constant 128 : i32
      %scan3A_1050 = arith.addi %scan3A_1048, %scan3A_1049 : i32
      %scan3A_1051 = arith.constant 1 : i32
      %scan3A_1052:2 = scf.for %scan3A_1339 = %scan3A_1048 to %scan3A_1050 step %scan3A_1051 iter_args(%scan3A_1340 = %broadcast_in_dim3A_1045, %scan3A_1341 = %broadcast_in_dim3A_1047) -> (vector<16xf32>, vector<16xi32>)  : i32 {
        %mul3A_1342 = arith.constant 16 : i32
        %mul3A_1343 = arith.muli %scan3A_1339, %mul3A_1342 : i32
        %get3A_1344 = arith.constant 0 : i32
        %get3A_1345 = arith.index_cast %get3A_1344 : i32 to index
        %get3A_1346 = arith.index_cast %mul3A_1343 : i32 to index
        %get3A_1347 = tpu.vector_load %arg6[%get3A_1345, %get3A_1346] {strides = array<i32>} : memref<3x2048xf32, #tpu.memory_space<vmem>>, vector<16xf32>,
        %mul3A_1348 = arith.constant 16 : i32
        %mul3A_1349 = arith.muli %scan3A_1339, %mul3A_1348 : i32
        %get3A_1350 = arith.constant 1 : i32
        %get3A_1351 = arith.index_cast %get3A_1350 : i32 to index
        %get3A_1352 = arith.index_cast %mul3A_1349 : i32 to index
        %get3A_1353 = tpu.vector_load %arg6[%get3A_1351, %get3A_1352] {strides = array<i32>} : memref<3x2048xf32, #tpu.memory_space<vmem>>, vector<16xf32>,
        %sub3A = arith.subf %get3A_1347, %get3A_1039 : vector<16xf32>
        %sub3A_1354 = arith.subf %get3A_1353, %get3A_1043 : vector<16xf32>
        %mul3A_1355 = arith.mulf %sub3A, %sub3A : vector<16xf32>
        %mul3A_1356 = arith.mulf %sub3A_1354, %sub3A_1354 : vector<16xf32>
        %add3A_1357 = arith.addf %mul3A_1355, %mul3A_1356 : vector<16xf32>
        %lt3A_1358 = arith.cmpf olt, %add3A_1357, %scan3A_1340 : vector<16xf32>
        %mul3A_1359 = arith.constant 16 : i32
        %mul3A_1360 = arith.muli %scan3A_1339, %mul3A_1359 : i32
        %add3A_1361 = vector.broadcast %mul3A_1360 : i32 to vector<16xi32>
        %add3A_1362 = arith.addi %add3A_1361, %iota3A : vector<16xi32>
        %select_n3A_1363 = arith.select %lt3A_1358, %add3A_1357, %scan3A_1340 : vector<16xi1>, vector<16xf32>
        %select_n3A_1364 = arith.select %lt3A_1358, %add3A_1362, %scan3A_1341 : vector<16xi1>, vector<16xi32>
        scf.yield %select_n3A_1363, %select_n3A_1364 : vector<16xf32>, vector<16xi32>
      }
      %scan3A_1053 = arith.constant 128 : i32
      %swap3A_1054 = arith.constant 0 : index
      %swap3A_1055 = tpu.vector_load %arg10[%swap3A_1054] {strides = array<i32>} : memref<128xf32, #tpu.memory_space<vmem>>, vector<16xf32>,
      tpu.vector_store %arg10[%swap3A_1054], %scan3A_1052#0 {strides = array<i32>} : memref<128xf32, #tpu.memory_space<vmem>>, vector<16xf32>,
      %swap3A_1056 = arith.constant 0 : index
      %swap3A_1057 = tpu.vector_load %arg11[%swap3A_1056] {strides = array<i32>} : memref<128xi32, #tpu.memory_space<vmem>>, vector<16xi32>,
      tpu.vector_store %arg11[%swap3A_1056], %scan3A_1052#1 {strides = array<i32>} : memref<128xi32, #tpu.memory_space<vmem>>, vector<16xi32>,
      %xor3A_1058 = arith.constant 8 : i32
      %xor3A_1059 = vector.broadcast %xor3A_1058 : i32 to vector<16xi32>
      %xor3A_1060 = arith.xori %iota3A, %xor3A_1059 : vector<16xi32>
      %gather3A_1061 = tpu.vector_load_idx %arg10[%xor3A_1060] : memref<128xf32, #tpu.memory_space<vmem>>[vector<16xi32>], vector<16xf32>,
      %gather3A_1062 = tpu.vector_load_idx %arg11[%xor3A_1060] : memref<128xi32, #tpu.memory_space<vmem>>[vector<16xi32>], vector<16xi32>,
      %lt3A_1063 = arith.cmpf olt, %gather3A_1061, %scan3A_1052#0 : vector<16xf32>
      %eq3A_1064 = arith.cmpf oeq, %gather3A_1061, %scan3A_1052#0 : vector<16xf32>
      %lt3A_1065 = arith.cmpi slt, %gather3A_1062, %scan3A_1052#1 : vector<16xi32>
      %and3A_1066 = arith.andi %eq3A_1064, %lt3A_1065 : vector<16xi1>
      %or3A_1067 = arith.ori %lt3A_1063, %and3A_1066 : vector<16xi1>
      %select_n3A_1068 = arith.select %or3A_1067, %gather3A_1061, %scan3A_1052#0 : vector<16xi1>, vector<16xf32>
      %select_n3A_1069 = arith.select %or3A_1067, %gather3A_1062, %scan3A_1052#1 : vector<16xi1>, vector<16xi32>
      %swap3A_1070 = arith.constant 0 : index
      %swap3A_1071 = tpu.vector_load %arg10[%swap3A_1070] {strides = array<i32>} : memref<128xf32, #tpu.memory_space<vmem>>, vector<16xf32>,
      tpu.vector_store %arg10[%swap3A_1070], %select_n3A_1068 {strides = array<i32>} : memref<128xf32, #tpu.memory_space<vmem>>, vector<16xf32>,
      %swap3A_1072 = arith.constant 0 : index
      %swap3A_1073 = tpu.vector_load %arg11[%swap3A_1072] {strides = array<i32>} : memref<128xi32, #tpu.memory_space<vmem>>, vector<16xi32>,
      tpu.vector_store %arg11[%swap3A_1072], %select_n3A_1069 {strides = array<i32>} : memref<128xi32, #tpu.memory_space<vmem>>, vector<16xi32>,
      %xor3A_1074 = arith.constant 4 : i32
      %xor3A_1075 = vector.broadcast %xor3A_1074 : i32 to vector<16xi32>
      %xor3A_1076 = arith.xori %iota3A, %xor3A_1075 : vector<16xi32>
      %gather3A_1077 = tpu.vector_load_idx %arg10[%xor3A_1076] : memref<128xf32, #tpu.memory_space<vmem>>[vector<16xi32>], vector<16xf32>,
      %gather3A_1078 = tpu.vector_load_idx %arg11[%xor3A_1076] : memref<128xi32, #tpu.memory_space<vmem>>[vector<16xi32>], vector<16xi32>,
      %lt3A_1079 = arith.cmpf olt, %gather3A_1077, %select_n3A_1068 : vector<16xf32>
      %eq3A_1080 = arith.cmpf oeq, %gather3A_1077, %select_n3A_1068 : vector<16xf32>
      %lt3A_1081 = arith.cmpi slt, %gather3A_1078, %select_n3A_1069 : vector<16xi32>
      %and3A_1082 = arith.andi %eq3A_1080, %lt3A_1081 : vector<16xi1>
      %or3A_1083 = arith.ori %lt3A_1079, %and3A_1082 : vector<16xi1>
      %select_n3A_1084 = arith.select %or3A_1083, %gather3A_1077, %select_n3A_1068 : vector<16xi1>, vector<16xf32>
      %select_n3A_1085 = arith.select %or3A_1083, %gather3A_1078, %select_n3A_1069 : vector<16xi1>, vector<16xi32>
      %swap3A_1086 = arith.constant 0 : index
      %swap3A_1087 = tpu.vector_load %arg10[%swap3A_1086] {strides = array<i32>} : memref<128xf32, #tpu.memory_space<vmem>>, vector<16xf32>,
      tpu.vector_store %arg10[%swap3A_1086], %select_n3A_1084 {strides = array<i32>} : memref<128xf32, #tpu.memory_space<vmem>>, vector<16xf32>,
      %swap3A_1088 = arith.constant 0 : index
      %swap3A_1089 = tpu.vector_load %arg11[%swap3A_1088] {strides = array<i32>} : memref<128xi32, #tpu.memory_space<vmem>>, vector<16xi32>,
      tpu.vector_store %arg11[%swap3A_1088], %select_n3A_1085 {strides = array<i32>} : memref<128xi32, #tpu.memory_space<vmem>>, vector<16xi32>,
      %xor3A_1090 = arith.constant 2 : i32
      %xor3A_1091 = vector.broadcast %xor3A_1090 : i32 to vector<16xi32>
      %xor3A_1092 = arith.xori %iota3A, %xor3A_1091 : vector<16xi32>
      %gather3A_1093 = tpu.vector_load_idx %arg10[%xor3A_1092] : memref<128xf32, #tpu.memory_space<vmem>>[vector<16xi32>], vector<16xf32>,
      %gather3A_1094 = tpu.vector_load_idx %arg11[%xor3A_1092] : memref<128xi32, #tpu.memory_space<vmem>>[vector<16xi32>], vector<16xi32>,
      %lt3A_1095 = arith.cmpf olt, %gather3A_1093, %select_n3A_1084 : vector<16xf32>
      %eq3A_1096 = arith.cmpf oeq, %gather3A_1093, %select_n3A_1084 : vector<16xf32>
      %lt3A_1097 = arith.cmpi slt, %gather3A_1094, %select_n3A_1085 : vector<16xi32>
      %and3A_1098 = arith.andi %eq3A_1096, %lt3A_1097 : vector<16xi1>
      %or3A_1099 = arith.ori %lt3A_1095, %and3A_1098 : vector<16xi1>
      %select_n3A_1100 = arith.select %or3A_1099, %gather3A_1093, %select_n3A_1084 : vector<16xi1>, vector<16xf32>
      %select_n3A_1101 = arith.select %or3A_1099, %gather3A_1094, %select_n3A_1085 : vector<16xi1>, vector<16xi32>
      %swap3A_1102 = arith.constant 0 : index
      %swap3A_1103 = tpu.vector_load %arg10[%swap3A_1102] {strides = array<i32>} : memref<128xf32, #tpu.memory_space<vmem>>, vector<16xf32>,
      tpu.vector_store %arg10[%swap3A_1102], %select_n3A_1100 {strides = array<i32>} : memref<128xf32, #tpu.memory_space<vmem>>, vector<16xf32>,
      %swap3A_1104 = arith.constant 0 : index
      %swap3A_1105 = tpu.vector_load %arg11[%swap3A_1104] {strides = array<i32>} : memref<128xi32, #tpu.memory_space<vmem>>, vector<16xi32>,
      tpu.vector_store %arg11[%swap3A_1104], %select_n3A_1101 {strides = array<i32>} : memref<128xi32, #tpu.memory_space<vmem>>, vector<16xi32>,
      %xor3A_1106 = arith.constant 1 : i32
      %xor3A_1107 = vector.broadcast %xor3A_1106 : i32 to vector<16xi32>
      %xor3A_1108 = arith.xori %iota3A, %xor3A_1107 : vector<16xi32>
      %gather3A_1109 = tpu.vector_load_idx %arg10[%xor3A_1108] : memref<128xf32, #tpu.memory_space<vmem>>[vector<16xi32>], vector<16xf32>,
      %gather3A_1110 = tpu.vector_load_idx %arg11[%xor3A_1108] : memref<128xi32, #tpu.memory_space<vmem>>[vector<16xi32>], vector<16xi32>,
      %lt3A_1111 = arith.cmpf olt, %gather3A_1109, %select_n3A_1100 : vector<16xf32>
      %eq3A_1112 = arith.cmpf oeq, %gather3A_1109, %select_n3A_1100 : vector<16xf32>
      %lt3A_1113 = arith.cmpi slt, %gather3A_1110, %select_n3A_1101 : vector<16xi32>
      %and3A_1114 = arith.andi %eq3A_1112, %lt3A_1113 : vector<16xi1>
      %or3A_1115 = arith.ori %lt3A_1111, %and3A_1114 : vector<16xi1>
      %select_n3A_1116 = arith.select %or3A_1115, %gather3A_1109, %select_n3A_1100 : vector<16xi1>, vector<16xf32>
      %select_n3A_1117 = arith.select %or3A_1115, %gather3A_1110, %select_n3A_1101 : vector<16xi1>, vector<16xi32>
      %eq3A_1118 = arith.constant 12 : i32
      %eq3A_1119 = vector.broadcast %eq3A_1118 : i32 to vector<16xi32>
      %eq3A_1120 = arith.cmpi eq, %iota3A, %eq3A_1119 : vector<16xi32>
      %select_n3A_1121 = arith.select %eq3A_1120, %select_n3A_1117, %select_n3A_1035 : vector<16xi1>, vector<16xi32>
      %get3A_1122 = arith.constant 26 : i32
      %get3A_1123 = arith.index_cast %get3A_1122 : i32 to index
      %get3A_1124 = arith.constant 0 : index
      %get3A_1125 = tpu.vector_load %arg7[%get3A_1123, %get3A_1124] {strides = array<i32>} : memref<30x128xf32, #tpu.memory_space<vmem>>, vector<16xf32>,
      %get3A_1126 = arith.constant 27 : i32
      %get3A_1127 = arith.index_cast %get3A_1126 : i32 to index
      %get3A_1128 = arith.constant 0 : index
      %get3A_1129 = tpu.vector_load %arg7[%get3A_1127, %get3A_1128] {strides = array<i32>} : memref<30x128xf32, #tpu.memory_space<vmem>>, vector<16xf32>,
      %broadcast_in_dim3A_1130 = arith.constant 0x7F800000 : f32
      %broadcast_in_dim3A_1131 = vector.broadcast %broadcast_in_dim3A_1130 : f32 to vector<16xf32>
      %broadcast_in_dim3A_1132 = arith.constant 0 : i32
      %broadcast_in_dim3A_1133 = vector.broadcast %broadcast_in_dim3A_1132 : i32 to vector<16xi32>
      %scan3A_1134 = arith.constant 0 : i32
      %scan3A_1135 = arith.constant 128 : i32
      %scan3A_1136 = arith.addi %scan3A_1134, %scan3A_1135 : i32
      %scan3A_1137 = arith.constant 1 : i32
      %scan3A_1138:2 = scf.for %scan3A_1339 = %scan3A_1134 to %scan3A_1136 step %scan3A_1137 iter_args(%scan3A_1340 = %broadcast_in_dim3A_1131, %scan3A_1341 = %broadcast_in_dim3A_1133) -> (vector<16xf32>, vector<16xi32>)  : i32 {
        %mul3A_1342 = arith.constant 16 : i32
        %mul3A_1343 = arith.muli %scan3A_1339, %mul3A_1342 : i32
        %get3A_1344 = arith.constant 0 : i32
        %get3A_1345 = arith.index_cast %get3A_1344 : i32 to index
        %get3A_1346 = arith.index_cast %mul3A_1343 : i32 to index
        %get3A_1347 = tpu.vector_load %arg6[%get3A_1345, %get3A_1346] {strides = array<i32>} : memref<3x2048xf32, #tpu.memory_space<vmem>>, vector<16xf32>,
        %mul3A_1348 = arith.constant 16 : i32
        %mul3A_1349 = arith.muli %scan3A_1339, %mul3A_1348 : i32
        %get3A_1350 = arith.constant 1 : i32
        %get3A_1351 = arith.index_cast %get3A_1350 : i32 to index
        %get3A_1352 = arith.index_cast %mul3A_1349 : i32 to index
        %get3A_1353 = tpu.vector_load %arg6[%get3A_1351, %get3A_1352] {strides = array<i32>} : memref<3x2048xf32, #tpu.memory_space<vmem>>, vector<16xf32>,
        %sub3A = arith.subf %get3A_1347, %get3A_1125 : vector<16xf32>
        %sub3A_1354 = arith.subf %get3A_1353, %get3A_1129 : vector<16xf32>
        %mul3A_1355 = arith.mulf %sub3A, %sub3A : vector<16xf32>
        %mul3A_1356 = arith.mulf %sub3A_1354, %sub3A_1354 : vector<16xf32>
        %add3A_1357 = arith.addf %mul3A_1355, %mul3A_1356 : vector<16xf32>
        %lt3A_1358 = arith.cmpf olt, %add3A_1357, %scan3A_1340 : vector<16xf32>
        %mul3A_1359 = arith.constant 16 : i32
        %mul3A_1360 = arith.muli %scan3A_1339, %mul3A_1359 : i32
        %add3A_1361 = vector.broadcast %mul3A_1360 : i32 to vector<16xi32>
        %add3A_1362 = arith.addi %add3A_1361, %iota3A : vector<16xi32>
        %select_n3A_1363 = arith.select %lt3A_1358, %add3A_1357, %scan3A_1340 : vector<16xi1>, vector<16xf32>
        %select_n3A_1364 = arith.select %lt3A_1358, %add3A_1362, %scan3A_1341 : vector<16xi1>, vector<16xi32>
        scf.yield %select_n3A_1363, %select_n3A_1364 : vector<16xf32>, vector<16xi32>
      }
      %scan3A_1139 = arith.constant 128 : i32
      %swap3A_1140 = arith.constant 0 : index
      %swap3A_1141 = tpu.vector_load %arg10[%swap3A_1140] {strides = array<i32>} : memref<128xf32, #tpu.memory_space<vmem>>, vector<16xf32>,
      tpu.vector_store %arg10[%swap3A_1140], %scan3A_1138#0 {strides = array<i32>} : memref<128xf32, #tpu.memory_space<vmem>>, vector<16xf32>,
      %swap3A_1142 = arith.constant 0 : index
      %swap3A_1143 = tpu.vector_load %arg11[%swap3A_1142] {strides = array<i32>} : memref<128xi32, #tpu.memory_space<vmem>>, vector<16xi32>,
      tpu.vector_store %arg11[%swap3A_1142], %scan3A_1138#1 {strides = array<i32>} : memref<128xi32, #tpu.memory_space<vmem>>, vector<16xi32>,
      %xor3A_1144 = arith.constant 8 : i32
      %xor3A_1145 = vector.broadcast %xor3A_1144 : i32 to vector<16xi32>
      %xor3A_1146 = arith.xori %iota3A, %xor3A_1145 : vector<16xi32>
      %gather3A_1147 = tpu.vector_load_idx %arg10[%xor3A_1146] : memref<128xf32, #tpu.memory_space<vmem>>[vector<16xi32>], vector<16xf32>,
      %gather3A_1148 = tpu.vector_load_idx %arg11[%xor3A_1146] : memref<128xi32, #tpu.memory_space<vmem>>[vector<16xi32>], vector<16xi32>,
      %lt3A_1149 = arith.cmpf olt, %gather3A_1147, %scan3A_1138#0 : vector<16xf32>
      %eq3A_1150 = arith.cmpf oeq, %gather3A_1147, %scan3A_1138#0 : vector<16xf32>
      %lt3A_1151 = arith.cmpi slt, %gather3A_1148, %scan3A_1138#1 : vector<16xi32>
      %and3A_1152 = arith.andi %eq3A_1150, %lt3A_1151 : vector<16xi1>
      %or3A_1153 = arith.ori %lt3A_1149, %and3A_1152 : vector<16xi1>
      %select_n3A_1154 = arith.select %or3A_1153, %gather3A_1147, %scan3A_1138#0 : vector<16xi1>, vector<16xf32>
      %select_n3A_1155 = arith.select %or3A_1153, %gather3A_1148, %scan3A_1138#1 : vector<16xi1>, vector<16xi32>
      %swap3A_1156 = arith.constant 0 : index
      %swap3A_1157 = tpu.vector_load %arg10[%swap3A_1156] {strides = array<i32>} : memref<128xf32, #tpu.memory_space<vmem>>, vector<16xf32>,
      tpu.vector_store %arg10[%swap3A_1156], %select_n3A_1154 {strides = array<i32>} : memref<128xf32, #tpu.memory_space<vmem>>, vector<16xf32>,
      %swap3A_1158 = arith.constant 0 : index
      %swap3A_1159 = tpu.vector_load %arg11[%swap3A_1158] {strides = array<i32>} : memref<128xi32, #tpu.memory_space<vmem>>, vector<16xi32>,
      tpu.vector_store %arg11[%swap3A_1158], %select_n3A_1155 {strides = array<i32>} : memref<128xi32, #tpu.memory_space<vmem>>, vector<16xi32>,
      %xor3A_1160 = arith.constant 4 : i32
      %xor3A_1161 = vector.broadcast %xor3A_1160 : i32 to vector<16xi32>
      %xor3A_1162 = arith.xori %iota3A, %xor3A_1161 : vector<16xi32>
      %gather3A_1163 = tpu.vector_load_idx %arg10[%xor3A_1162] : memref<128xf32, #tpu.memory_space<vmem>>[vector<16xi32>], vector<16xf32>,
      %gather3A_1164 = tpu.vector_load_idx %arg11[%xor3A_1162] : memref<128xi32, #tpu.memory_space<vmem>>[vector<16xi32>], vector<16xi32>,
      %lt3A_1165 = arith.cmpf olt, %gather3A_1163, %select_n3A_1154 : vector<16xf32>
      %eq3A_1166 = arith.cmpf oeq, %gather3A_1163, %select_n3A_1154 : vector<16xf32>
      %lt3A_1167 = arith.cmpi slt, %gather3A_1164, %select_n3A_1155 : vector<16xi32>
      %and3A_1168 = arith.andi %eq3A_1166, %lt3A_1167 : vector<16xi1>
      %or3A_1169 = arith.ori %lt3A_1165, %and3A_1168 : vector<16xi1>
      %select_n3A_1170 = arith.select %or3A_1169, %gather3A_1163, %select_n3A_1154 : vector<16xi1>, vector<16xf32>
      %select_n3A_1171 = arith.select %or3A_1169, %gather3A_1164, %select_n3A_1155 : vector<16xi1>, vector<16xi32>
      %swap3A_1172 = arith.constant 0 : index
      %swap3A_1173 = tpu.vector_load %arg10[%swap3A_1172] {strides = array<i32>} : memref<128xf32, #tpu.memory_space<vmem>>, vector<16xf32>,
      tpu.vector_store %arg10[%swap3A_1172], %select_n3A_1170 {strides = array<i32>} : memref<128xf32, #tpu.memory_space<vmem>>, vector<16xf32>,
      %swap3A_1174 = arith.constant 0 : index
      %swap3A_1175 = tpu.vector_load %arg11[%swap3A_1174] {strides = array<i32>} : memref<128xi32, #tpu.memory_space<vmem>>, vector<16xi32>,
      tpu.vector_store %arg11[%swap3A_1174], %select_n3A_1171 {strides = array<i32>} : memref<128xi32, #tpu.memory_space<vmem>>, vector<16xi32>,
      %xor3A_1176 = arith.constant 2 : i32
      %xor3A_1177 = vector.broadcast %xor3A_1176 : i32 to vector<16xi32>
      %xor3A_1178 = arith.xori %iota3A, %xor3A_1177 : vector<16xi32>
      %gather3A_1179 = tpu.vector_load_idx %arg10[%xor3A_1178] : memref<128xf32, #tpu.memory_space<vmem>>[vector<16xi32>], vector<16xf32>,
      %gather3A_1180 = tpu.vector_load_idx %arg11[%xor3A_1178] : memref<128xi32, #tpu.memory_space<vmem>>[vector<16xi32>], vector<16xi32>,
      %lt3A_1181 = arith.cmpf olt, %gather3A_1179, %select_n3A_1170 : vector<16xf32>
      %eq3A_1182 = arith.cmpf oeq, %gather3A_1179, %select_n3A_1170 : vector<16xf32>
      %lt3A_1183 = arith.cmpi slt, %gather3A_1180, %select_n3A_1171 : vector<16xi32>
      %and3A_1184 = arith.andi %eq3A_1182, %lt3A_1183 : vector<16xi1>
      %or3A_1185 = arith.ori %lt3A_1181, %and3A_1184 : vector<16xi1>
      %select_n3A_1186 = arith.select %or3A_1185, %gather3A_1179, %select_n3A_1170 : vector<16xi1>, vector<16xf32>
      %select_n3A_1187 = arith.select %or3A_1185, %gather3A_1180, %select_n3A_1171 : vector<16xi1>, vector<16xi32>
      %swap3A_1188 = arith.constant 0 : index
      %swap3A_1189 = tpu.vector_load %arg10[%swap3A_1188] {strides = array<i32>} : memref<128xf32, #tpu.memory_space<vmem>>, vector<16xf32>,
      tpu.vector_store %arg10[%swap3A_1188], %select_n3A_1186 {strides = array<i32>} : memref<128xf32, #tpu.memory_space<vmem>>, vector<16xf32>,
      %swap3A_1190 = arith.constant 0 : index
      %swap3A_1191 = tpu.vector_load %arg11[%swap3A_1190] {strides = array<i32>} : memref<128xi32, #tpu.memory_space<vmem>>, vector<16xi32>,
      tpu.vector_store %arg11[%swap3A_1190], %select_n3A_1187 {strides = array<i32>} : memref<128xi32, #tpu.memory_space<vmem>>, vector<16xi32>,
      %xor3A_1192 = arith.constant 1 : i32
      %xor3A_1193 = vector.broadcast %xor3A_1192 : i32 to vector<16xi32>
      %xor3A_1194 = arith.xori %iota3A, %xor3A_1193 : vector<16xi32>
      %gather3A_1195 = tpu.vector_load_idx %arg10[%xor3A_1194] : memref<128xf32, #tpu.memory_space<vmem>>[vector<16xi32>], vector<16xf32>,
      %gather3A_1196 = tpu.vector_load_idx %arg11[%xor3A_1194] : memref<128xi32, #tpu.memory_space<vmem>>[vector<16xi32>], vector<16xi32>,
      %lt3A_1197 = arith.cmpf olt, %gather3A_1195, %select_n3A_1186 : vector<16xf32>
      %eq3A_1198 = arith.cmpf oeq, %gather3A_1195, %select_n3A_1186 : vector<16xf32>
      %lt3A_1199 = arith.cmpi slt, %gather3A_1196, %select_n3A_1187 : vector<16xi32>
      %and3A_1200 = arith.andi %eq3A_1198, %lt3A_1199 : vector<16xi1>
      %or3A_1201 = arith.ori %lt3A_1197, %and3A_1200 : vector<16xi1>
      %select_n3A_1202 = arith.select %or3A_1201, %gather3A_1195, %select_n3A_1186 : vector<16xi1>, vector<16xf32>
      %select_n3A_1203 = arith.select %or3A_1201, %gather3A_1196, %select_n3A_1187 : vector<16xi1>, vector<16xi32>
      %eq3A_1204 = arith.constant 13 : i32
      %eq3A_1205 = vector.broadcast %eq3A_1204 : i32 to vector<16xi32>
      %eq3A_1206 = arith.cmpi eq, %iota3A, %eq3A_1205 : vector<16xi32>
      %select_n3A_1207 = arith.select %eq3A_1206, %select_n3A_1203, %select_n3A_1121 : vector<16xi1>, vector<16xi32>
      %get3A_1208 = arith.constant 28 : i32
      %get3A_1209 = arith.index_cast %get3A_1208 : i32 to index
      %get3A_1210 = arith.constant 0 : index
      %get3A_1211 = tpu.vector_load %arg7[%get3A_1209, %get3A_1210] {strides = array<i32>} : memref<30x128xf32, #tpu.memory_space<vmem>>, vector<16xf32>,
      %get3A_1212 = arith.constant 29 : i32
      %get3A_1213 = arith.index_cast %get3A_1212 : i32 to index
      %get3A_1214 = arith.constant 0 : index
      %get3A_1215 = tpu.vector_load %arg7[%get3A_1213, %get3A_1214] {strides = array<i32>} : memref<30x128xf32, #tpu.memory_space<vmem>>, vector<16xf32>,
      %broadcast_in_dim3A_1216 = arith.constant 0x7F800000 : f32
      %broadcast_in_dim3A_1217 = vector.broadcast %broadcast_in_dim3A_1216 : f32 to vector<16xf32>
      %broadcast_in_dim3A_1218 = arith.constant 0 : i32
      %broadcast_in_dim3A_1219 = vector.broadcast %broadcast_in_dim3A_1218 : i32 to vector<16xi32>
      %scan3A_1220 = arith.constant 0 : i32
      %scan3A_1221 = arith.constant 128 : i32
      %scan3A_1222 = arith.addi %scan3A_1220, %scan3A_1221 : i32
      %scan3A_1223 = arith.constant 1 : i32
      %scan3A_1224:2 = scf.for %scan3A_1339 = %scan3A_1220 to %scan3A_1222 step %scan3A_1223 iter_args(%scan3A_1340 = %broadcast_in_dim3A_1217, %scan3A_1341 = %broadcast_in_dim3A_1219) -> (vector<16xf32>, vector<16xi32>)  : i32 {
        %mul3A_1342 = arith.constant 16 : i32
        %mul3A_1343 = arith.muli %scan3A_1339, %mul3A_1342 : i32
        %get3A_1344 = arith.constant 0 : i32
        %get3A_1345 = arith.index_cast %get3A_1344 : i32 to index
        %get3A_1346 = arith.index_cast %mul3A_1343 : i32 to index
        %get3A_1347 = tpu.vector_load %arg6[%get3A_1345, %get3A_1346] {strides = array<i32>} : memref<3x2048xf32, #tpu.memory_space<vmem>>, vector<16xf32>,
        %mul3A_1348 = arith.constant 16 : i32
        %mul3A_1349 = arith.muli %scan3A_1339, %mul3A_1348 : i32
        %get3A_1350 = arith.constant 1 : i32
        %get3A_1351 = arith.index_cast %get3A_1350 : i32 to index
        %get3A_1352 = arith.index_cast %mul3A_1349 : i32 to index
        %get3A_1353 = tpu.vector_load %arg6[%get3A_1351, %get3A_1352] {strides = array<i32>} : memref<3x2048xf32, #tpu.memory_space<vmem>>, vector<16xf32>,
        %sub3A = arith.subf %get3A_1347, %get3A_1211 : vector<16xf32>
        %sub3A_1354 = arith.subf %get3A_1353, %get3A_1215 : vector<16xf32>
        %mul3A_1355 = arith.mulf %sub3A, %sub3A : vector<16xf32>
        %mul3A_1356 = arith.mulf %sub3A_1354, %sub3A_1354 : vector<16xf32>
        %add3A_1357 = arith.addf %mul3A_1355, %mul3A_1356 : vector<16xf32>
        %lt3A_1358 = arith.cmpf olt, %add3A_1357, %scan3A_1340 : vector<16xf32>
        %mul3A_1359 = arith.constant 16 : i32
        %mul3A_1360 = arith.muli %scan3A_1339, %mul3A_1359 : i32
        %add3A_1361 = vector.broadcast %mul3A_1360 : i32 to vector<16xi32>
        %add3A_1362 = arith.addi %add3A_1361, %iota3A : vector<16xi32>
        %select_n3A_1363 = arith.select %lt3A_1358, %add3A_1357, %scan3A_1340 : vector<16xi1>, vector<16xf32>
        %select_n3A_1364 = arith.select %lt3A_1358, %add3A_1362, %scan3A_1341 : vector<16xi1>, vector<16xi32>
        scf.yield %select_n3A_1363, %select_n3A_1364 : vector<16xf32>, vector<16xi32>
      }
      %scan3A_1225 = arith.constant 128 : i32
      %swap3A_1226 = arith.constant 0 : index
      %swap3A_1227 = tpu.vector_load %arg10[%swap3A_1226] {strides = array<i32>} : memref<128xf32, #tpu.memory_space<vmem>>, vector<16xf32>,
      tpu.vector_store %arg10[%swap3A_1226], %scan3A_1224#0 {strides = array<i32>} : memref<128xf32, #tpu.memory_space<vmem>>, vector<16xf32>,
      %swap3A_1228 = arith.constant 0 : index
      %swap3A_1229 = tpu.vector_load %arg11[%swap3A_1228] {strides = array<i32>} : memref<128xi32, #tpu.memory_space<vmem>>, vector<16xi32>,
      tpu.vector_store %arg11[%swap3A_1228], %scan3A_1224#1 {strides = array<i32>} : memref<128xi32, #tpu.memory_space<vmem>>, vector<16xi32>,
      %xor3A_1230 = arith.constant 8 : i32
      %xor3A_1231 = vector.broadcast %xor3A_1230 : i32 to vector<16xi32>
      %xor3A_1232 = arith.xori %iota3A, %xor3A_1231 : vector<16xi32>
      %gather3A_1233 = tpu.vector_load_idx %arg10[%xor3A_1232] : memref<128xf32, #tpu.memory_space<vmem>>[vector<16xi32>], vector<16xf32>,
      %gather3A_1234 = tpu.vector_load_idx %arg11[%xor3A_1232] : memref<128xi32, #tpu.memory_space<vmem>>[vector<16xi32>], vector<16xi32>,
      %lt3A_1235 = arith.cmpf olt, %gather3A_1233, %scan3A_1224#0 : vector<16xf32>
      %eq3A_1236 = arith.cmpf oeq, %gather3A_1233, %scan3A_1224#0 : vector<16xf32>
      %lt3A_1237 = arith.cmpi slt, %gather3A_1234, %scan3A_1224#1 : vector<16xi32>
      %and3A_1238 = arith.andi %eq3A_1236, %lt3A_1237 : vector<16xi1>
      %or3A_1239 = arith.ori %lt3A_1235, %and3A_1238 : vector<16xi1>
      %select_n3A_1240 = arith.select %or3A_1239, %gather3A_1233, %scan3A_1224#0 : vector<16xi1>, vector<16xf32>
      %select_n3A_1241 = arith.select %or3A_1239, %gather3A_1234, %scan3A_1224#1 : vector<16xi1>, vector<16xi32>
      %swap3A_1242 = arith.constant 0 : index
      %swap3A_1243 = tpu.vector_load %arg10[%swap3A_1242] {strides = array<i32>} : memref<128xf32, #tpu.memory_space<vmem>>, vector<16xf32>,
      tpu.vector_store %arg10[%swap3A_1242], %select_n3A_1240 {strides = array<i32>} : memref<128xf32, #tpu.memory_space<vmem>>, vector<16xf32>,
      %swap3A_1244 = arith.constant 0 : index
      %swap3A_1245 = tpu.vector_load %arg11[%swap3A_1244] {strides = array<i32>} : memref<128xi32, #tpu.memory_space<vmem>>, vector<16xi32>,
      tpu.vector_store %arg11[%swap3A_1244], %select_n3A_1241 {strides = array<i32>} : memref<128xi32, #tpu.memory_space<vmem>>, vector<16xi32>,
      %xor3A_1246 = arith.constant 4 : i32
      %xor3A_1247 = vector.broadcast %xor3A_1246 : i32 to vector<16xi32>
      %xor3A_1248 = arith.xori %iota3A, %xor3A_1247 : vector<16xi32>
      %gather3A_1249 = tpu.vector_load_idx %arg10[%xor3A_1248] : memref<128xf32, #tpu.memory_space<vmem>>[vector<16xi32>], vector<16xf32>,
      %gather3A_1250 = tpu.vector_load_idx %arg11[%xor3A_1248] : memref<128xi32, #tpu.memory_space<vmem>>[vector<16xi32>], vector<16xi32>,
      %lt3A_1251 = arith.cmpf olt, %gather3A_1249, %select_n3A_1240 : vector<16xf32>
      %eq3A_1252 = arith.cmpf oeq, %gather3A_1249, %select_n3A_1240 : vector<16xf32>
      %lt3A_1253 = arith.cmpi slt, %gather3A_1250, %select_n3A_1241 : vector<16xi32>
      %and3A_1254 = arith.andi %eq3A_1252, %lt3A_1253 : vector<16xi1>
      %or3A_1255 = arith.ori %lt3A_1251, %and3A_1254 : vector<16xi1>
      %select_n3A_1256 = arith.select %or3A_1255, %gather3A_1249, %select_n3A_1240 : vector<16xi1>, vector<16xf32>
      %select_n3A_1257 = arith.select %or3A_1255, %gather3A_1250, %select_n3A_1241 : vector<16xi1>, vector<16xi32>
      %swap3A_1258 = arith.constant 0 : index
      %swap3A_1259 = tpu.vector_load %arg10[%swap3A_1258] {strides = array<i32>} : memref<128xf32, #tpu.memory_space<vmem>>, vector<16xf32>,
      tpu.vector_store %arg10[%swap3A_1258], %select_n3A_1256 {strides = array<i32>} : memref<128xf32, #tpu.memory_space<vmem>>, vector<16xf32>,
      %swap3A_1260 = arith.constant 0 : index
      %swap3A_1261 = tpu.vector_load %arg11[%swap3A_1260] {strides = array<i32>} : memref<128xi32, #tpu.memory_space<vmem>>, vector<16xi32>,
      tpu.vector_store %arg11[%swap3A_1260], %select_n3A_1257 {strides = array<i32>} : memref<128xi32, #tpu.memory_space<vmem>>, vector<16xi32>,
      %xor3A_1262 = arith.constant 2 : i32
      %xor3A_1263 = vector.broadcast %xor3A_1262 : i32 to vector<16xi32>
      %xor3A_1264 = arith.xori %iota3A, %xor3A_1263 : vector<16xi32>
      %gather3A_1265 = tpu.vector_load_idx %arg10[%xor3A_1264] : memref<128xf32, #tpu.memory_space<vmem>>[vector<16xi32>], vector<16xf32>,
      %gather3A_1266 = tpu.vector_load_idx %arg11[%xor3A_1264] : memref<128xi32, #tpu.memory_space<vmem>>[vector<16xi32>], vector<16xi32>,
      %lt3A_1267 = arith.cmpf olt, %gather3A_1265, %select_n3A_1256 : vector<16xf32>
      %eq3A_1268 = arith.cmpf oeq, %gather3A_1265, %select_n3A_1256 : vector<16xf32>
      %lt3A_1269 = arith.cmpi slt, %gather3A_1266, %select_n3A_1257 : vector<16xi32>
      %and3A_1270 = arith.andi %eq3A_1268, %lt3A_1269 : vector<16xi1>
      %or3A_1271 = arith.ori %lt3A_1267, %and3A_1270 : vector<16xi1>
      %select_n3A_1272 = arith.select %or3A_1271, %gather3A_1265, %select_n3A_1256 : vector<16xi1>, vector<16xf32>
      %select_n3A_1273 = arith.select %or3A_1271, %gather3A_1266, %select_n3A_1257 : vector<16xi1>, vector<16xi32>
      %swap3A_1274 = arith.constant 0 : index
      %swap3A_1275 = tpu.vector_load %arg10[%swap3A_1274] {strides = array<i32>} : memref<128xf32, #tpu.memory_space<vmem>>, vector<16xf32>,
      tpu.vector_store %arg10[%swap3A_1274], %select_n3A_1272 {strides = array<i32>} : memref<128xf32, #tpu.memory_space<vmem>>, vector<16xf32>,
      %swap3A_1276 = arith.constant 0 : index
      %swap3A_1277 = tpu.vector_load %arg11[%swap3A_1276] {strides = array<i32>} : memref<128xi32, #tpu.memory_space<vmem>>, vector<16xi32>,
      tpu.vector_store %arg11[%swap3A_1276], %select_n3A_1273 {strides = array<i32>} : memref<128xi32, #tpu.memory_space<vmem>>, vector<16xi32>,
      %xor3A_1278 = arith.constant 1 : i32
      %xor3A_1279 = vector.broadcast %xor3A_1278 : i32 to vector<16xi32>
      %xor3A_1280 = arith.xori %iota3A, %xor3A_1279 : vector<16xi32>
      %gather3A_1281 = tpu.vector_load_idx %arg10[%xor3A_1280] : memref<128xf32, #tpu.memory_space<vmem>>[vector<16xi32>], vector<16xf32>,
      %gather3A_1282 = tpu.vector_load_idx %arg11[%xor3A_1280] : memref<128xi32, #tpu.memory_space<vmem>>[vector<16xi32>], vector<16xi32>,
      %lt3A_1283 = arith.cmpf olt, %gather3A_1281, %select_n3A_1272 : vector<16xf32>
      %eq3A_1284 = arith.cmpf oeq, %gather3A_1281, %select_n3A_1272 : vector<16xf32>
      %lt3A_1285 = arith.cmpi slt, %gather3A_1282, %select_n3A_1273 : vector<16xi32>
      %and3A_1286 = arith.andi %eq3A_1284, %lt3A_1285 : vector<16xi1>
      %or3A_1287 = arith.ori %lt3A_1283, %and3A_1286 : vector<16xi1>
      %select_n3A_1288 = arith.select %or3A_1287, %gather3A_1281, %select_n3A_1272 : vector<16xi1>, vector<16xf32>
      %select_n3A_1289 = arith.select %or3A_1287, %gather3A_1282, %select_n3A_1273 : vector<16xi1>, vector<16xi32>
      %eq3A_1290 = arith.constant 14 : i32
      %eq3A_1291 = vector.broadcast %eq3A_1290 : i32 to vector<16xi32>
      %eq3A_1292 = arith.cmpi eq, %iota3A, %eq3A_1291 : vector<16xi32>
      %select_n3A_1293 = arith.select %eq3A_1292, %select_n3A_1289, %select_n3A_1207 : vector<16xi1>, vector<16xi32>
      %broadcast_in_dim3A_1294 = arith.constant 0 : i32
      %broadcast_in_dim3A_1295 = vector.broadcast %broadcast_in_dim3A_1294 : i32 to vector<16xi32>
      %gather3A_1296 = tpu.vector_load_idx %arg6[%broadcast_in_dim3A_1295, %select_n3A_1293] : memref<3x2048xf32, #tpu.memory_space<vmem>>[vector<16xi32>, vector<16xi32>], vector<16xf32>,
      %add3A_1297 = arith.constant 1 : i32
      %add3A_1298 = vector.broadcast %add3A_1297 : i32 to vector<16xi32>
      %add3A_1299 = arith.addi %broadcast_in_dim3A_1295, %add3A_1298 : vector<16xi32>
      %gather3A_1300 = tpu.vector_load_idx %arg6[%add3A_1299, %select_n3A_1293] : memref<3x2048xf32, #tpu.memory_space<vmem>>[vector<16xi32>, vector<16xi32>], vector<16xf32>,
      %add3A_1301 = arith.constant 2 : i32
      %add3A_1302 = vector.broadcast %add3A_1301 : i32 to vector<16xi32>
      %add3A_1303 = arith.addi %broadcast_in_dim3A_1295, %add3A_1302 : vector<16xi32>
      %gather3A_1304 = tpu.vector_load_idx %arg6[%add3A_1303, %select_n3A_1293] : memref<3x2048xf32, #tpu.memory_space<vmem>>[vector<16xi32>, vector<16xi32>], vector<16xf32>,
      %get3A_1305 = arith.constant 3 : i32
      %get3A_1306 = arith.index_cast %get3A_1305 : i32 to index
      %get3A_1307 = arith.constant 0 : index
      %get3A_1308 = tpu.vector_load %arg8[%get3A_1306, %get3A_1307] {strides = array<i32>} : memref<4x128xf32, #tpu.memory_space<vmem>>, vector<16xf32>,
      %ne3A = arith.constant 0.000000e+00 : f32
      %ne3A_1309 = vector.broadcast %ne3A : f32 to vector<16xf32>
      %ne3A_1310 = arith.cmpf one, %get3A_1308, %ne3A_1309 : vector<16xf32>
      %get3A_1311 = arith.constant 0 : i32
      %get3A_1312 = arith.index_cast %get3A_1311 : i32 to index
      %get3A_1313 = arith.constant 0 : index
      %get3A_1314 = tpu.vector_load %arg8[%get3A_1312, %get3A_1313] {strides = array<i32>} : memref<4x128xf32, #tpu.memory_space<vmem>>, vector<16xf32>,
      %select_n3A_1315 = arith.select %ne3A_1310, %gather3A_1296, %get3A_1314 : vector<16xi1>, vector<16xf32>
      %swap3A_1316 = arith.constant 0 : i32
      %swap3A_1317 = arith.index_cast %swap3A_1316 : i32 to index
      %swap3A_1318 = arith.constant 0 : index
      %swap3A_1319 = tpu.vector_load %arg9[%swap3A_1317, %swap3A_1318] {strides = array<i32>} : memref<3x128xf32, #tpu.memory_space<vmem>>, vector<16xf32>,
      tpu.vector_store %arg9[%swap3A_1317, %swap3A_1318], %select_n3A_1315 {strides = array<i32>} : memref<3x128xf32, #tpu.memory_space<vmem>>, vector<16xf32>,
      %get3A_1320 = arith.constant 1 : i32
      %get3A_1321 = arith.index_cast %get3A_1320 : i32 to index
      %get3A_1322 = arith.constant 0 : index
      %get3A_1323 = tpu.vector_load %arg8[%get3A_1321, %get3A_1322] {strides = array<i32>} : memref<4x128xf32, #tpu.memory_space<vmem>>, vector<16xf32>,
      %select_n3A_1324 = arith.select %ne3A_1310, %gather3A_1300, %get3A_1323 : vector<16xi1>, vector<16xf32>
      %swap3A_1325 = arith.constant 1 : i32
      %swap3A_1326 = arith.index_cast %swap3A_1325 : i32 to index
      %swap3A_1327 = arith.constant 0 : index
      %swap3A_1328 = tpu.vector_load %arg9[%swap3A_1326, %swap3A_1327] {strides = array<i32>} : memref<3x128xf32, #tpu.memory_space<vmem>>, vector<16xf32>,
      tpu.vector_store %arg9[%swap3A_1326, %swap3A_1327], %select_n3A_1324 {strides = array<i32>} : memref<3x128xf32, #tpu.memory_space<vmem>>, vector<16xf32>,
      %get3A_1329 = arith.constant 2 : i32
      %get3A_1330 = arith.index_cast %get3A_1329 : i32 to index
      %get3A_1331 = arith.constant 0 : index
      %get3A_1332 = tpu.vector_load %arg8[%get3A_1330, %get3A_1331] {strides = array<i32>} : memref<4x128xf32, #tpu.memory_space<vmem>>, vector<16xf32>,
      %select_n3A_1333 = arith.select %ne3A_1310, %gather3A_1304, %get3A_1332 : vector<16xi1>, vector<16xf32>
      %swap3A_1334 = arith.constant 2 : i32
      %swap3A_1335 = arith.index_cast %swap3A_1334 : i32 to index
      %swap3A_1336 = arith.constant 0 : index
      %swap3A_1337 = tpu.vector_load %arg9[%swap3A_1335, %swap3A_1336] {strides = array<i32>} : memref<3x128xf32, #tpu.memory_space<vmem>>, vector<16xf32>,
      tpu.vector_store %arg9[%swap3A_1335, %swap3A_1336], %select_n3A_1333 {strides = array<i32>} : memref<3x128xf32, #tpu.memory_space<vmem>>, vector<16xf32>,
      "tpu.region"() ({
        %run_scoped3A = tpu.sem_alloc : memref<!tpu.dma_semaphore, #tpu.memory_space<semaphore_mem>>
        %dma_start3A = arith.constant 0 : i32
        %dma_start3A_1339 = arith.constant 0 : i32
        %dma_start3A_1340 = tpu.memref_slice %arg5[%add3A_11, %dma_start3A, %dma_start3A_1339] : memref<1024x3x128xf32, #tpu.memory_space<hbm>> -> memref<1x3x128xf32, #tpu.memory_space<hbm>>
        %dma_start3A_1341 = tpu.memref_squeeze %dma_start3A_1340 : memref<1x3x128xf32, #tpu.memory_space<hbm>> -> memref<3x128xf32, #tpu.memory_space<hbm>>
        %dma_start3A_1342 = arith.constant 0 : i32
        %dma_start3A_1343 = arith.constant 0 : i32
        %dma_start3A_1344 = tpu.memref_slice %arg5[%add3A_11, %dma_start3A_1342, %dma_start3A_1343] : memref<1024x3x128xf32, #tpu.memory_space<hbm>> -> memref<1x3x128xf32, #tpu.memory_space<hbm>>
        %dma_start3A_1345 = tpu.memref_squeeze %dma_start3A_1344 : memref<1x3x128xf32, #tpu.memory_space<hbm>> -> memref<3x128xf32, #tpu.memory_space<hbm>>
        tpu.enqueue_dma source(%arg9 : memref<3x128xf32, #tpu.memory_space<vmem>>) target(%dma_start3A_1345 : memref<3x128xf32, #tpu.memory_space<hbm>>) target_semaphore(%run_scoped3A : memref<!tpu.dma_semaphore, #tpu.memory_space<semaphore_mem>>)
        %dma_wait3A = arith.constant 0 : i32
        %dma_wait3A_1346 = arith.constant 0 : i32
        %dma_wait3A_1347 = tpu.memref_slice %arg5[%add3A_11, %dma_wait3A, %dma_wait3A_1346] : memref<1024x3x128xf32, #tpu.memory_space<hbm>> -> memref<1x3x128xf32, #tpu.memory_space<hbm>>
        %dma_wait3A_1348 = tpu.memref_squeeze %dma_wait3A_1347 : memref<1x3x128xf32, #tpu.memory_space<hbm>> -> memref<3x128xf32, #tpu.memory_space<hbm>>
        %dma_wait3A_1349 = arith.constant 0 : i32
        %dma_wait3A_1350 = arith.constant 0 : i32
        %dma_wait3A_1351 = tpu.memref_slice %arg5[%add3A_11, %dma_wait3A_1349, %dma_wait3A_1350] : memref<1024x3x128xf32, #tpu.memory_space<hbm>> -> memref<1x3x128xf32, #tpu.memory_space<hbm>>
        %dma_wait3A_1352 = tpu.memref_squeeze %dma_wait3A_1351 : memref<1x3x128xf32, #tpu.memory_space<hbm>> -> memref<3x128xf32, #tpu.memory_space<hbm>>
        tpu.wait_dma2 semaphore(%run_scoped3A : memref<!tpu.dma_semaphore, #tpu.memory_space<semaphore_mem>>) src(%arg9 : memref<3x128xf32, #tpu.memory_space<vmem>>) dst(%dma_wait3A_1352 : memref<3x128xf32, #tpu.memory_space<hbm>>)
        tpu.yield
      }) : () -> ()
      %scan3A_1338 = arith.constant 0 : i32
      scf.yield %scan3A_1338 : i32
    }
    %scan3A_6 = arith.constant 32 : i32
    return
  }
}

</mosaic_0001>

<sc_bundles>
// kernel: kernel.3.cloned.1.call-start
scs
__scs_entry_jumppad:
0x0: {  	(pc) =	sbr.rel $0x88, $3  }
0x1: {  	(tag) =	ssettag $0x0;
	lr =	simm.s32 $0x1  }
0x2: {  	[smem:$0x3F9D] =	sst lr;
	_ =	strace $0xD0000000  }
0x3: {  	_ = 	snop  }
0x4: {  	_ = 	snop  }
0x5: {  	_ = 	snop  }
0x6: {  	_ = 	snop  }
0x7: {  	_ = 	snop  }
__scs_overlays_trampoline_lowered:
0x8: {  	[smem:$0x3FAC] =	sst s0  }
0x9: {  	[smem:$0x3FAD] =	sst s1  }
0xa: {  	[smem:$0x3FAE] =	sst s2  }
0xb: {  	[smem:$0x3FAF] =	sst s3  }
0xc: {  	[smem:$0x3FB0] =	sst s4  }
0xd: {  	[smem:$0x3FB1] =	sst s5  }
0xe: {  	[smem:$0x3FB2] =	sst s6  }
0xf: {  	[smem:$0x3FB3] =	sst s7  }
0x10: {  	[smem:$0x3FB4] =	sst s8  }
0x11: {  	[smem:$0x3FB5] =	sst s9;
	s0 =	simm.s32 @!p0 $0x0  }
0x12: {  	s1 =	sld [smem:$0x3F9B];
	s0 =	simm.s32 @p0 $0x1  }
0x13: {  	[smem:$0x3FB6] =	sst s0;
	s0 =	simm.s32 @!p1 $0x0  }
0x14: {  	s2 =	sld [smem:$0x3F9A];
	s0 =	simm.s32 @p1 $0x1  }
0x15: {  	[smem:$0x3FB7] =	sst s0;
	s0 =	simm.s32 @!p2 $0x0  }
0x16: {  	s3 =	sld [smem:$0x3FDB];
	s0 =	simm.s32 @p2 $0x1  }
0x17: {  	s4 =	simm.s32 $0x1BF5;
	[smem:$0x3FB9] =	sst s0  }
0x18: {  	s0 =	sld [smem:$0x3F9C];
	_ =	swait.ge [sflag:s4], $0x0  }
0x19: {  	s7 =	sld [smem:$0x3F9D]  }
0x1a: {  	s8 =	sadd.s32 $0xFFFFE003, lr  }
0x1b: {  	s9 =	sadd.s32 $0xFFFFFEF7, lr;
	s5 =	simm.s32 $0xFFFFFFFF;
	p2 =	slt.u32 s8, $0xFFFFF086  }
0x1c: {  	p1 =	slt.u32 s9, $0xF7A;
	s5 =	simm.s32 @!p2 $0x0  }
0x1d: {  	s5 =	simm.s32 @p1 $0x1;
	p0 =	seq.s32 s7, s2  }
0x1e: {  	s7 =	smul.u32 @!p0 $0xF7A, s2;
	p2 =	seq.s32 @!p0 s5, $0x0  }
0x1f: {  	s9 =	smul.u32 $0xF7A, s1;
	s8 =	simm.s32 @!p0 $0x1BF5;
	p2 =	por !p2, p0  }
0x20: {  	[sflag:s8] =	ssyncset.s32 @!p0 $0xFFFFF086;
	s6 =	sadd.s32 @!p0 s3, s7;
	s7 =	simm.s32 @!p0 $0x108  }
0x21: {  	s3 =	sadd.s32 s3, s9;
	s6 =	sadd.s32 @!p0 $0x88, s6;
	s7 =	simm.s32 @p2 $0x1082  }
0x22: {  	[simem:s7], [sflag:s8] =	dma.local @!p0 [hbm:s6], $0xF7A  }
0x23: {  	s9 =	sor.u32 $0xD0000000, s2;
	s6 =	simm.s32 $0x108;
	_ =	swait.ge @!p0 [sflag:s8], $0x0  }
0x24: {  	s3 =	sadd.s32 $0x88, s3;
	s6 =	simm.s32 @!p1 $0x1082;
	[sflag:s4] =	ssyncset.s32 $0xFFFFF086  }
0x25: {  	[simem:s6], [sflag:s4] =	dma.local [hbm:s3], $0xF7A  }
0x26: {  	[smem:$0x3F9D] =	sst s1;
	(tag) =	ssettag s2;
	_ =	strace s9  }
0x27: {  	s1 =	sld [smem:$0x3FAD]  }
0x28: {  	s2 =	sld [smem:$0x3FAE]  }
0x29: {  	s4 =	sld [smem:$0x3FB0]  }
0x2a: {  	p0 =	seq.s32 s5, $0x0;
	s5 =	sld [smem:$0x3FB1]  }
0x2b: {  	s6 =	sld [smem:$0x3FB2]  }
0x2c: {  	s7 =	sld [smem:$0x3FB3]  }
0x2d: {  	s3 =	simm.s32 $0x108;
	s8 =	sld [smem:$0x3FB4]  }
0x2e: {  	s3 =	simm.s32 @!p0 $0x1082;
	s9 =	sld [smem:$0x3FB5]  }
0x2f: {  	lr =	sadd.s32 s0, s3;
	s0 =	sld [smem:$0x3FAC]  }
0x30: {  	s3 =	sld [smem:$0x3FAF]  }
0x31: {  	[smem:$0x3FB8] =	sst s10  }
0x32: {  	s10 =	sld [smem:$0x3FB6];
	_ =	sdelay $0x3  }
0x33: {  	p0 =	seq.s32 s10, $0x1;
	s10 =	sld [smem:$0x3FB8];
	_ =	sdelay $0x3  }
0x34: {  	[smem:$0x3FB8] =	sst s10  }
0x35: {  	s10 =	sld [smem:$0x3FB7];
	_ =	sdelay $0x3  }
0x36: {  	p1 =	seq.s32 s10, $0x1;
	s10 =	sld [smem:$0x3FB8];
	_ =	sdelay $0x3  }
0x37: {  	[smem:$0x3FB8] =	sst s10  }
0x38: {  	s10 =	sld [smem:$0x3FB9]  }
0x39: {  	_ = 	snop;
	(pc) =	sbr.ind lr, $3  }
0x3a: {  	_ = 	snop  }
0x3b: {  	_ = 	snop  }
0x3c: {  	p2 =	seq.s32 s10, $0x1;
	s10 =	sld [smem:$0x3FB8]  }
0x3d: {  	_ =	shalt  }
0x3e: {  	_ =	shalt  }
0x3f: {  	_ =	shalt  }
0x40: {  	_ =	shalt  }
0x41: {  	_ =	shalt  }
0x42: {  	_ =	shalt  }
0x43: {  	_ =	shalt  }
0x44: {  	_ =	shalt  }
0x45: {  	_ =	shalt  }
0x46: {  	_ =	shalt  }
0x47: {  	_ =	shalt  }
0x48: {  	_ =	shalt  }
0x49: {  	_ =	shalt  }
0x4a: {  	_ =	shalt  }
0x4b: {  	_ =	shalt  }
0x4c: {  	_ =	shalt  }
0x4d: {  	_ =	shalt  }
0x4e: {  	_ =	shalt  }
0x4f: {  	_ =	shalt  }
0x50: {  	_ =	shalt  }
0x51: {  	_ =	shalt  }
0x52: {  	_ =	shalt  }
0x53: {  	_ =	shalt  }
0x54: {  	_ =	shalt  }
0x55: {  	_ =	shalt  }
0x56: {  	_ =	shalt  }
0x57: {  	_ =	shalt  }
0x58: {  	_ =	shalt  }
0x59: {  	_ =	shalt  }
0x5a: {  	_ =	shalt  }
0x5b: {  	_ =	shalt  }
0x5c: {  	_ =	shalt  }
0x5d: {  	_ =	shalt  }
0x5e: {  	_ =	shalt  }
0x5f: {  	_ =	shalt  }
0x60: {  	_ =	shalt  }
0x61: {  	_ =	shalt  }
0x62: {  	_ =	shalt  }
0x63: {  	_ =	shalt  }
0x64: {  	_ =	shalt  }
0x65: {  	_ =	shalt  }
0x66: {  	_ =	shalt  }
0x67: {  	_ =	shalt  }
0x68: {  	_ =	shalt  }
0x69: {  	_ =	shalt  }
0x6a: {  	_ =	shalt  }
0x6b: {  	_ =	shalt  }
0x6c: {  	_ =	shalt  }
0x6d: {  	_ =	shalt  }
0x6e: {  	_ =	shalt  }
0x6f: {  	_ =	shalt  }
0x70: {  	_ =	shalt  }
0x71: {  	_ =	shalt  }
0x72: {  	_ =	shalt  }
0x73: {  	_ =	shalt  }
0x74: {  	_ =	shalt  }
0x75: {  	_ =	shalt  }
0x76: {  	_ =	shalt  }
0x77: {  	_ =	shalt  }
0x78: {  	_ =	shalt  }
0x79: {  	_ =	shalt  }
0x7a: {  	_ =	shalt  }
0x7b: {  	_ =	shalt  }
0x7c: {  	_ =	shalt  }
0x7d: {  	_ =	shalt  }
0x7e: {  	_ =	shalt  }
0x7f: {  	_ =	shalt  }
0x80: {  	_ =	shalt  }
0x81: {  	_ =	shalt  }
0x82: {  	_ =	shalt  }
0x83: {  	_ =	shalt  }
0x84: {  	_ =	shalt  }
0x85: {  	_ =	shalt  }
0x86: {  	_ =	shalt  }
0x87: {  	_ =	shalt  }
.Lfunc_end0:
.L_simem_size_0:
called_computation_lowered:
.L_overlay_start_0:
0x88: {  	s2 =	sld [smem:$0x3FD9]  }
0x89: {  	s3 =	sld [smem:$0x3FFE];
	_ =	sdelay $0x1  }
0x8a: {  	s1 =	srdreg.scid  }
0x8b: {  	s0 =	sand.u32 $0x1, s1  }
0x8c: {  	s16 =	sshll.u32 s0, $0xA;
	s2 =	sadd.s32 s3, s2  }
0x8d: {  	s2 =	sadd.s32 s2, s16  }
0x8e: {  	[smem:$0x3FC4] =	sst s2  }
0x8f: {  	_ = 	snop  }
0x90: {  	(tm) =	ssettm $0x1  }
0x91: {  	s17 =	sld [smem:$0x3FFB];
	_ =	sdelay $0x3  }
0x92: {  	_ =	strace s17  }
0x93: {  	s2 =	sld [smem:$0x3FFC];
	_ =	sdelay $0x3  }
0x94: {  	_ =	strace s2  }
0x95: {  	s2 =	sld [smem:$0x3FFD];
	_ =	sdelay $0x3  }
0x96: {  	_ =	strace s2  }
0x97: {  	_ =	strace $0x8FFFFFFF  }
0x98: {  	s18 =	sld [smem:$0x3FDB];
	_ =	sdelay $0x1  }
0x99: {  	s19 =	simm.s32 $_scs_section_size  }
0x9a: {  	s4 =	simm.s32 $_size__tile_overlayer_lowered;
	s5 =	simm.s32 $_tile_overlayer_lowered  }
0x9b: {  	s22 =	simm.s32 $0x1BFF;
	s21 =	sshll.u32 s5, $0x1;
	s2 =	sadd.s32 s19, s18  }
0x9c: {  	s6 =	simm.s32 $0x0;
	s20 =	sshll.u32 s4, $0x1;
	s4 =	sadd.s32 s21, s2  }
0x9d: {  	[timem:s6], [sflag:s22] =	dma.local [hbm:s4], s20  }
0x9e: {  	_ =	swait.ge [sflag:s22], s20  }
0x9f: {  	s3 =	ssub.s32 $0x0, s20;
	[sflag:s22] =	ssyncset.done $0x0  }
0xa0: {  	[sflag:s22] =	ssyncadd.s32 s3;
	_ =	sdelay $0x1  }
0xa1: {  	s23 =	simm.s32 $0x1B8B  }
0xa2: {  	_ =	swait.ge [sflag:s23], $0x1  }
0xa3: {  	[sflag:s23] =	ssyncset.done $0x0  }
0xa4: {  	s25 =	simm.s32 $0x1B8E;
	s24 =	sld [smem:$0x3FFE];
	[sflag:s23] =	ssyncadd.s32 $0xFFFFFFFF  }
0xa5: {  	s26 =	simm.s32 $execute0_lowered;
	[smem:$0x3FD2] =	sst s25  }
0xa6: {  	s4 =	sshll.u32 s26, $0x1;
	_ =	strace $0x80000046;
	[dreg:$0x1] =	wrdreg $0xFFFFFFFF  }
0xa7: {  	s28 =	simm.s32 $_size_execute0_lowered;
	s2 =	sadd.s32 s2, s4;
	[dreg:$0x0] =	wrdreg $0x0  }
0xa8: {  	s4 =	sshll.u32 s28, $0x1;
	[dreg:$0x2] =	wrdreg s2  }
0xa9: {  	[dreg:$0x3] =	wrdreg s4  }
0xaa: {  	[dreg:$0x4] =	wrdreg $0xC0  }
0xab: {  	_ =	task [dreg:s6], $0x5FFFF  }
0xac: {  	[dreg:$0x1] =	wrdreg $0xFFFFFFFF  }
0xad: {  	[dreg:$0x0] =	wrdreg $0x60  }
0xae: {  	[dreg:$0x2] =	wrdreg s24  }
0xaf: {  	[dreg:$0x3] =	wrdreg $0x9  }
0xb0: {  	_ =	task.clear_ibuf [dreg:s6], $0x4FFFF;
	_ =	strace $0x90000046  }
0xb1: {  	s29 =	simm.s32 $0x9;
	_ =	strace $0x80000048  }
0xb2: {  	_ =	swait.ge [sflag:s29], $0x1  }
0xb3: {  	[sflag:s29] =	ssyncadd.s32 $0xFFFFFFFF  }
0xb4: {  	_ =	strace $0x90000048  }
0xb5: {  	_ =	sfence  }
0xb6: {  	s30 =	sld [smem:$0x0];
	_ =	sdelay $0x2  }
0xb7: {  	s31 =	sshll.u32 s1, $0xD;
	s1 =	sshrl.u32 s1, $0x2  }
0xb8: {  	s3 =	sand.u32 $0x4000, s31;
	s1 =	sadd.s32 s1, s30  }
0xb9: {  	s0 =	sor.u32 s3, s0;
	s1 =	sshll.u32 s1, $0x11  }
0xba: {  	s0 =	sor.u32 s1, s0  }
0xbb: {  	s0 =	sadd.s32 $0x8F2B, s0  }
0xbc: {  	[sflag:s0] =	ssyncadd.remote.s32 $0x1  }
0xbd: {  	_ =	sfence.sel $0xFFFF  }
0xbe: {  	[dreg:$0x0] =	wrdreg $0xFFFFFFFF;
	(pc) =	sbr.abs _section_cstart, $3  }
0xbf: {  	[dreg:$0x1] =	wrdreg $0xFFFFFFFF  }
0xc0: {  	_ =	task.clear_ibuf [dreg:s6], $0x2FFFF;
	_ =	strace $0x9FFFFFFF  }
0xc1: {  	(tm) =	ssettm $0x7FFFFFFF  }
tec
execute0_lowered:
.L_overlay_start_1:
0x0: {  	(tag) =	ssettag $0x1  }
0x1: {  	v0 =	vimm.s32 $0x76543210  }
0x2: {  	v1 =	vimm.s32 $0xFEDCBA98;
	v2 =	vimm.s32 $0xBA98FEDC;
	v3 =	vimm.s32 $0x32107654  }
0x3: {  	v4 =	vimm.s32 $0xDCFE98BA;
	v5 =	vimm.s32 $0x54761032;
	v6 =	vimm.s32 $0xEFCDAB89  }
0x4: {  	v7 =	vimm.s32 $0x67452301;
	vm4 =	vcmask $0x133C;
	vm5 =	vcmask $0x173C  }
0x5: {  	vm6 =	vcmask $0x1B3C;
	vm7 =	vcmask $0x1F3C;
	vm8 =	vcmask $0x233C  }
0x6: {  	s5 =	rddreg [dreg:$0x0];
	vm9 =	vcmask $0x273C;
	vm10 =	vcmask $0x2B3C;
	vm11 =	vcmask $0x2F3C  }
0x7: {  	s0 =	rddreg [dreg:$0x1];
	v0 =	vunpack.c.l.s4.s8 v0;
	v1 =	vunpack.c.l.s4.s8 v1;
	v2 =	vunpack.c.l.s4.s8 v2  }
0x8: {  	s1 =	simm.s32 $0x0;
	s3 =	srdreg.scid;
	s10 =	simm.s32 $0x2000;
	v3 =	vunpack.c.l.s4.s8 v3;
	v4 =	vunpack.c.l.s4.s8 v4;
	v5 =	vunpack.c.l.s4.s8 v5  }
0x9: {  	s11 =	simm.s32 $0x3000;
	s12 =	simm.s32 $0x3400;
	s13 =	simm.s32 $0x3480;
	v6 =	vunpack.c.l.s4.s8 v6;
	v7 =	vunpack.c.l.s4.s8 v7;
	v2 =	vunpack.c.0.s8.s32 v2  }
0xa: {  	s14 =	simm.s32 $0x3200;
	s15 =	simm.s32 $0x0;
	[smem:$0x7FF] =	sst s1;
	v3 =	vunpack.c.0.s8.s32 v3;
	v4 =	vunpack.c.0.s8.s32 v4;
	v5 =	vunpack.c.0.s8.s32 v5  }
0xb: {  	s2 =	sadd.s32 $0xC00, s5;
	s7 =	sand.u32 $0x1, s3;
	s3 =	sadd.s32 $0x110C00, s5;
	v1 =	vunpack.c.0.s8.s32 v1;
	v6 =	vunpack.c.0.s8.s32 v6;
	v7 =	vunpack.c.0.s8.s32 v7  }
0xc: {  	s4 =	sadd.s32 $0x100C00, s5;
	s6 =	sadd.s32 $0x190C00, s5;
	s8 =	ssub.s32 $0x2, s7;
	v2 =	vcombine.low v3, v2;
	v3 =	vcombine.low v5, v4;
	v4 =	vunpack.c.0.s8.s32 v0  }
0xd: {  	vm12 =	vcmask $0x333C;
	s5 =	stileid.u32;
	_ =	strace $0x80000047;
	s9 =	sshrl.u32 s8, $0x1;
	v5 =	vcombine.low v7, v6;
	v1 =	vand.u32 $0xF, v1  }
0xe: {  	vm13 =	vcmask $0x373C;
	s31 =	sshll.u32 s5, $0x6;
	s7 =	sshll.u32 s7, $0x5;
	s8 =	ssub.s32 s8, s9;
	v0 =	vlaneseq.u32;
	v1 =	vcombine.low v1, v4  }
0xf: {  	s7 =	sor.u32 s7, s31;
	s9 =	simm.s32 $0x1;
	s8 =	smax.u32 s8, $0x1;
	v2 =	vand.u32 $0xF, v2;
	v3 =	vand.u32 $0xF, v3;
	v4 =	vand.u32 $0xF, v5  }
.LBB2_1:
0x10: {  	s16 =	simm.s32 $0x0  }
.LBB2_2:
0x11: {  	s17 =	sadd.s32 s7, s16  }
0x12: {  	s18 =	sshll.u32 s17, $0xA  }
0x13: {  	s19 =	sadd.s32 s2, s18;
	s18 =	simm.s32 $0x0  }
0x14: {  	[tilespmem:s18], [sflag:$0x1] =	stream.linear.gather [hbm4b:s19+s18], $0x2000, $0x38;
	[tilespmem:$0x3500] =	vst v63  }
0x15: {  	_ =	swait.ge [sflag:s9], $0x2000  }
0x16: {  	s28 =	sshll.u32 s17, $0x9;
	[sflag:s9] =	ssyncset.done $0x0  }
0x17: {  	s19 =	sadd.s32 s3, s28;
	[sflag:s9] =	ssyncadd.s32 $0xFFFFE000  }
0x18: {  	[tilespmem:s10], [sflag:$0x1] =	stream.linear.gather [hbm4b:s19+s18], $0xF00, $0x38;
	[tilespmem:$0x3500] =	vst v63  }
0x19: {  	_ =	swait.ge [sflag:s9], $0xF00  }
0x1a: {  	s17 =	sshll.u32 s17, $0x6;
	[sflag:s9] =	ssyncset.done $0x0  }
0x1b: {  	s29 =	sadd.s32 s4, s17;
	[sflag:s9] =	ssyncadd.s32 $0xFFFFF100  }
0x1c: {  	[tilespmem:s11], [sflag:$0x1] =	stream.linear.gather [hbm4b:s29+s18], $0x200, $0x38;
	[tilespmem:$0x3500] =	vst v63  }
0x1d: {  	_ =	swait.ge [sflag:s9], $0x200  }
0x1e: {  	[sflag:s9] =	ssyncset.done $0x0  }
0x1f: {  	[sflag:s9] =	ssyncadd.s32 $0xFFFFFE00  }
0x20: {  	s30 =	sand.u32 $0x70, s18;
	s20 =	sand.u32 $0x1E00, s18;
	v5 =	vld [tilespmem:$0x2000]  }
0x21: {  	s19 =	sor.u32 s30, s20;
	v6 =	vld [tilespmem:$0x2080]  }
0x22: {  	v7 =	vld [tilespmem:s19+$0x0]  }
0x23: {  	v8 =	vld [tilespmem:s19+$0x80];
	_ =	sdelay $0x1  }
0x24: {  	s31 =	simm.s32 $0x40;
	s19 =	simm.s32 $0x10  }
0x25: {  	s20 =	sand.u32 $0x1E00, s31;
	s21 =	sand.u32 $0x70, s19  }
0x26: {  	s21 =	sor.u32 s21, s20  }
0x27: {  	v9 =	vld [tilespmem:s21+$0x0];
	v11 =	vsub.f32 v7, v5;
	v12 =	vsub.f32 v8, v6  }
0x28: {  	v10 =	vld [tilespmem:s21+$0x80];
	v8 =	vimm.f32 $+Inf  }
0x29: {  	s20 =	simm.s32 $0x20;
	s21 =	simm.s32 $0x80;
	v7 =	vimm.s32 $0x0;
	v11 =	vmul.f32 v11, v11;
	v12 =	vmul.f32 v12, v12  }
.LBB2_3:
0x2a: {  	s22 =	sand.u32 $0x70, s20  }
0x2b: {  	s23 =	sand.u32 $0x1E00, s21;
	v11 =	vadd.f32 v12, v11;
	s24 =	smov.u32 s20;
	p0 =	sne.s32 s20, $0x7F0  }
.Ltmp0:
0x2c: {  	s20 =	sadd.s32 $0x10, s20;
	v12 =	vor.u32 s18, v0;
	s22 =	sor.u32 s22, s23;
	(pc) =	sbr.rel @p0 .LBB2_3-.Ltmp0, $4  }
0x2d: {  	s18 =	smov.u32 s19;
	v13 =	vsub.f32 v9, v5;
	s19 =	smov.u32 s24;
	v9 =	vld [tilespmem:s22+$0x0];
	v14 =	vsub.f32 v10, v6;
	vm14 =	vlt.f32 v11, v8  }
0x2e: {  	v10 =	vld [tilespmem:s22+$0x80];
	v8 =	vsel vm14, v11, v8;
	v7 =	vsel vm14, v12, v7  }
0x2f: {  	v11 =	vmul.f32 v13, v13;
	v12 =	vmul.f32 v14, v14  }
0x30: {  	s21 =	sadd.s32 $0x40, s21  }
0x31: {  	_ =	sdelay $0x1  }
0x32: {  	v5 =	vsub.f32 v9, v5;
	v6 =	vsub.f32 v10, v6;
	_ =	sdelay $0x1  }
0x33: {  	v9 =	vadd.f32 v12, v11;
	v5 =	vmul.f32 v5, v5;
	v6 =	vmul.f32 v6, v6;
	_ =	sdelay $0x1  }
0x34: {  	vm14 =	vlt.f32 v9, v8;
	v5 =	vadd.f32 v6, v5  }
0x35: {  	v6 =	vsel vm14, v9, v8  }
0x36: {  	v8 =	vor.u32 s18, v0;
	vm15 =	vlt.f32 v5, v6  }
0x37: {  	v7 =	vsel vm14, v8, v7;
	v8 =	vor.u32 s19, v0;
	v5 =	vsel vm15, v5, v6  }
0x38: {  	v6 =	vsel vm15, v8, v7;
	[tilespmem:$0x3400] =	vst v5  }
0x39: {  	[tilespmem:$0x3480] =	vst v6  }
0x3a: {  	v7 =	vld.idx.msk [tilespmem:v1+s12+$0x0], $0xffff  }
0x3b: {  	v8 =	vld.idx.msk [tilespmem:v1+s13+$0x0], $0xffff;
	_ =	sdelay $0x4  }
0x3c: {  	vm14 =	veq.f32 v7, v5;
	vm15 =	vlt.s32 v8, v6  }
0x3d: {  	vm0 =	vlt.f32 v7, v5;
	vm14 =	vmand vm14, vm15  }
0x3e: {  	vm0 =	vmor vm0, vm14  }
0x3f: {  	v5 =	vsel vm0, v7, v5  }
0x40: {  	v6 =	vsel vm0, v8, v6;
	[tilespmem:$0x3400] =	vst v5  }
0x41: {  	[tilespmem:$0x3480] =	vst v6  }
0x42: {  	v7 =	vld.idx.msk [tilespmem:v2+s12+$0x0], $0xffff  }
0x43: {  	v8 =	vld.idx.msk [tilespmem:v2+s13+$0x0], $0xffff;
	_ =	sdelay $0x4  }
0x44: {  	vm0 =	veq.f32 v7, v5;
	vm14 =	vlt.s32 v8, v6  }
0x45: {  	vm15 =	vlt.f32 v7, v5;
	vm0 =	vmand vm0, vm14  }
0x46: {  	vm0 =	vmor vm15, vm0  }
0x47: {  	v5 =	vsel vm0, v7, v5  }
0x48: {  	v7 =	vsel vm0, v8, v6;
	[tilespmem:$0x3400] =	vst v5  }
0x49: {  	[tilespmem:$0x3480] =	vst v7  }
0x4a: {  	v6 =	vld.idx.msk [tilespmem:v3+s12+$0x0], $0xffff  }
0x4b: {  	v8 =	vld.idx.msk [tilespmem:v3+s13+$0x0], $0xffff;
	_ =	sdelay $0x4  }
0x4c: {  	vm0 =	veq.f32 v6, v5;
	vm14 =	vlt.s32 v8, v7  }
0x4d: {  	vm15 =	vlt.f32 v6, v5;
	vm0 =	vmand vm0, vm14  }
0x4e: {  	vm0 =	vmor vm15, vm0  }
0x4f: {  	v6 =	vsel vm0, v6, v5  }
0x50: {  	v5 =	vsel vm0, v8, v7;
	[tilespmem:$0x3400] =	vst v6  }
0x51: {  	v10 =	vld [tilespmem:$0x2180];
	s18 =	simm.s32 $0x0;
	[tilespmem:$0x3480] =	vst v5  }
0x52: {  	s30 =	sand.u32 $0x70, s18;
	s20 =	sand.u32 $0x1E00, s18;
	v11 =	vld.idx.msk [tilespmem:v4+s12+$0x0], $0xffff  }
0x53: {  	v9 =	vld [tilespmem:$0x2100];
	s19 =	sor.u32 s30, s20  }
0x54: {  	v7 =	vld [tilespmem:s19+$0x0]  }
0x55: {  	v8 =	vld [tilespmem:s19+$0x80];
	_ =	sdelay $0x1  }
0x56: {  	s31 =	simm.s32 $0x40;
	s19 =	simm.s32 $0x10;
	[tilespmem:$0x1FFE0] =	vst v11;
	v11 =	vld.idx.msk [tilespmem:v4+s13+$0x0], $0xffff  }
0x57: {  	s20 =	sand.u32 $0x1E00, s31;
	s21 =	sand.u32 $0x70, s19  }
0x58: {  	s21 =	sor.u32 s21, s20  }
0x59: {  	v13 =	vsub.f32 v7, v9;
	v14 =	vsub.f32 v8, v10;
	v7 =	vld [tilespmem:s21+$0x0]  }
0x5a: {  	v12 =	vimm.f32 $+Inf;
	v8 =	vld [tilespmem:s21+$0x80]  }
0x5b: {  	s20 =	simm.s32 $0x20;
	s21 =	simm.s32 $0x80;
	v13 =	vmul.f32 v13, v13;
	v14 =	vmul.f32 v14, v14;
	[tilespmem:$0x1FFF0] =	vst v11;
	v11 =	vimm.s32 $0x0  }
.LBB2_5:
0x5c: {  	s22 =	sand.u32 $0x70, s20  }
0x5d: {  	s23 =	sand.u32 $0x1E00, s21;
	v13 =	vadd.f32 v14, v13;
	s24 =	smov.u32 s20;
	p0 =	sne.s32 s20, $0x7F0  }
.Ltmp1:
0x5e: {  	s20 =	sadd.s32 $0x10, s20;
	v14 =	vor.u32 s18, v0;
	s22 =	sor.u32 s22, s23;
	(pc) =	sbr.rel @p0 .LBB2_5-.Ltmp1, $4  }
0x5f: {  	s18 =	smov.u32 s19;
	v15 =	vsub.f32 v7, v9;
	s19 =	smov.u32 s24;
	v7 =	vld [tilespmem:s22+$0x0];
	v16 =	vsub.f32 v8, v10;
	vm0 =	vlt.f32 v13, v12  }
0x60: {  	v8 =	vld [tilespmem:s22+$0x80];
	v12 =	vsel vm0, v13, v12;
	v11 =	vsel vm0, v14, v11  }
0x61: {  	v13 =	vmul.f32 v15, v15;
	v14 =	vmul.f32 v16, v16  }
0x62: {  	s21 =	sadd.s32 $0x40, s21  }
0x63: {  	_ =	sdelay $0x1  }
0x64: {  	v7 =	vsub.f32 v7, v9;
	v8 =	vsub.f32 v8, v10;
	_ =	sdelay $0x1  }
0x65: {  	v9 =	vadd.f32 v14, v13;
	v7 =	vmul.f32 v7, v7;
	v8 =	vmul.f32 v8, v8;
	_ =	sdelay $0x1  }
0x66: {  	vm0 =	vlt.f32 v9, v12;
	v7 =	vadd.f32 v8, v7  }
0x67: {  	v8 =	vsel vm0, v9, v12  }
0x68: {  	v9 =	vor.u32 s18, v0;
	vm14 =	vlt.f32 v7, v8  }
0x69: {  	v10 =	vor.u32 s19, v0;
	v9 =	vsel vm0, v9, v11;
	v7 =	vsel vm14, v7, v8  }
0x6a: {  	v8 =	vsel vm14, v10, v9;
	[tilespmem:$0x3400] =	vst v7  }
0x6b: {  	[tilespmem:$0x3480] =	vst v8  }
0x6c: {  	v9 =	vld.idx.msk [tilespmem:v1+s12+$0x0], $0xffff  }
0x6d: {  	v10 =	vld.idx.msk [tilespmem:v1+s13+$0x0], $0xffff;
	_ =	sdelay $0x4  }
0x6e: {  	vm0 =	veq.f32 v9, v7;
	vm14 =	vlt.s32 v10, v8  }
0x6f: {  	vm15 =	vlt.f32 v9, v7;
	vm0 =	vmand vm0, vm14  }
0x70: {  	vm0 =	vmor vm15, vm0  }
0x71: {  	v7 =	vsel vm0, v9, v7  }
0x72: {  	v8 =	vsel vm0, v10, v8;
	[tilespmem:$0x3400] =	vst v7  }
0x73: {  	[tilespmem:$0x3480] =	vst v8  }
0x74: {  	v9 =	vld.idx.msk [tilespmem:v2+s12+$0x0], $0xffff  }
0x75: {  	v10 =	vld.idx.msk [tilespmem:v2+s13+$0x0], $0xffff;
	_ =	sdelay $0x4  }
0x76: {  	vm0 =	veq.f32 v9, v7;
	vm14 =	vlt.s32 v10, v8  }
0x77: {  	vm15 =	vlt.f32 v9, v7;
	vm0 =	vmand vm0, vm14  }
0x78: {  	vm0 =	vmor vm15, vm0  }
0x79: {  	v7 =	vsel vm0, v9, v7  }
0x7a: {  	v8 =	vsel vm0, v10, v8;
	[tilespmem:$0x3400] =	vst v7  }
0x7b: {  	[tilespmem:$0x3480] =	vst v8  }
0x7c: {  	v9 =	vld.idx.msk [tilespmem:v3+s12+$0x0], $0xffff  }
0x7d: {  	v11 =	vld.idx.msk [tilespmem:v3+s13+$0x0], $0xffff;
	_ =	sdelay $0x4  }
0x7e: {  	vm0 =	veq.f32 v9, v7;
	vm14 =	vlt.s32 v11, v8  }
0x7f: {  	vm15 =	vlt.f32 v9, v7;
	vm0 =	vmand vm0, vm14  }
0x80: {  	vm0 =	vmor vm15, vm0  }
0x81: {  	v10 =	vsel vm0, v9, v7  }
0x82: {  	v9 =	vsel vm0, v11, v8;
	[tilespmem:$0x3400] =	vst v10  }
0x83: {  	[tilespmem:$0x3480] =	vst v9  }
0x84: {  	s18 =	simm.s32 $0x0;
	v11 =	vld.idx.msk [tilespmem:v4+s12+$0x0], $0xffff  }
0x85: {  	v13 =	vld [tilespmem:$0x2200];
	s30 =	sand.u32 $0x70, s18;
	s20 =	sand.u32 $0x1E00, s18  }
0x86: {  	v14 =	vld [tilespmem:$0x2280];
	s19 =	sor.u32 s30, s20  }
0x87: {  	v7 =	vld [tilespmem:s19+$0x0]  }
0x88: {  	v8 =	vld [tilespmem:s19+$0x80]  }
0x89: {  	[tilespmem:$0x1FFC0] =	vst v11;
	v11 =	vld.idx.msk [tilespmem:v4+s13+$0x0], $0xffff;
	_ =	sdelay $0x1  }
0x8a: {  	s31 =	simm.s32 $0x40;
	s19 =	simm.s32 $0x10  }
0x8b: {  	s20 =	sand.u32 $0x1E00, s31;
	s21 =	sand.u32 $0x70, s19  }
0x8c: {  	s21 =	sor.u32 s21, s20  }
0x8d: {  	v12 =	vsub.f32 v8, v14;
	v8 =	vld [tilespmem:s21+$0x80];
	[tilespmem:$0x1FFD0] =	vst v11;
	v11 =	vsub.f32 v7, v13  }
0x8e: {  	v16 =	vimm.f32 $+Inf;
	v7 =	vld [tilespmem:s21+$0x0]  }
0x8f: {  	v15 =	vimm.s32 $0x0;
	s20 =	simm.s32 $0x20;
	v12 =	vmul.f32 v12, v12;
	s21 =	simm.s32 $0x80;
	v11 =	vmul.f32 v11, v11  }
.LBB2_7:
0x90: {  	s22 =	sand.u32 $0x70, s20  }
0x91: {  	s23 =	sand.u32 $0x1E00, s21;
	v11 =	vadd.f32 v12, v11;
	s24 =	smov.u32 s20;
	p0 =	sne.s32 s20, $0x7F0  }
.Ltmp2:
0x92: {  	s20 =	sadd.s32 $0x10, s20;
	v12 =	vor.u32 s18, v0;
	s22 =	sor.u32 s22, s23;
	(pc) =	sbr.rel @p0 .LBB2_7-.Ltmp2, $4  }
0x93: {  	s18 =	smov.u32 s19;
	v17 =	vsub.f32 v7, v13;
	s19 =	smov.u32 s24;
	v7 =	vld [tilespmem:s22+$0x0];
	v18 =	vsub.f32 v8, v14;
	vm0 =	vlt.f32 v11, v16  }
0x94: {  	v8 =	vld [tilespmem:s22+$0x80];
	v16 =	vsel vm0, v11, v16;
	v15 =	vsel vm0, v12, v15  }
0x95: {  	v11 =	vmul.f32 v17, v17;
	v12 =	vmul.f32 v18, v18  }
0x96: {  	s21 =	sadd.s32 $0x40, s21  }
0x97: {  	_ =	sdelay $0x1  }
0x98: {  	v7 =	vsub.f32 v7, v13;
	v8 =	vsub.f32 v8, v14;
	_ =	sdelay $0x1  }
0x99: {  	v11 =	vadd.f32 v12, v11;
	v7 =	vmul.f32 v7, v7;
	v8 =	vmul.f32 v8, v8;
	_ =	sdelay $0x1  }
0x9a: {  	vm0 =	vlt.f32 v11, v16;
	v7 =	vadd.f32 v8, v7  }
0x9b: {  	v8 =	vsel vm0, v11, v16  }
0x9c: {  	v11 =	vor.u32 s18, v0;
	vm14 =	vlt.f32 v7, v8  }
0x9d: {  	v12 =	vor.u32 s19, v0;
	v11 =	vsel vm0, v11, v15;
	v7 =	vsel vm14, v7, v8  }
0x9e: {  	v8 =	vsel vm14, v12, v11;
	[tilespmem:$0x3400] =	vst v7  }
0x9f: {  	[tilespmem:$0x3480] =	vst v8  }
0xa0: {  	v11 =	vld.idx.msk [tilespmem:v1+s12+$0x0], $0xffff  }
0xa1: {  	v12 =	vld.idx.msk [tilespmem:v1+s13+$0x0], $0xffff;
	_ =	sdelay $0x4  }
0xa2: {  	vm0 =	veq.f32 v11, v7;
	vm14 =	vlt.s32 v12, v8  }
0xa3: {  	vm15 =	vlt.f32 v11, v7;
	vm0 =	vmand vm0, vm14  }
0xa4: {  	vm0 =	vmor vm15, vm0  }
0xa5: {  	v7 =	vsel vm0, v11, v7  }
0xa6: {  	v8 =	vsel vm0, v12, v8;
	[tilespmem:$0x3400] =	vst v7  }
0xa7: {  	[tilespmem:$0x3480] =	vst v8  }
0xa8: {  	v11 =	vld.idx.msk [tilespmem:v2+s12+$0x0], $0xffff  }
0xa9: {  	v12 =	vld.idx.msk [tilespmem:v2+s13+$0x0], $0xffff;
	_ =	sdelay $0x4  }
0xaa: {  	vm0 =	veq.f32 v11, v7;
	vm14 =	vlt.s32 v12, v8  }
0xab: {  	vm15 =	vlt.f32 v11, v7;
	vm0 =	vmand vm0, vm14  }
0xac: {  	vm0 =	vmor vm15, vm0  }
0xad: {  	v7 =	vsel vm0, v11, v7  }
0xae: {  	v8 =	vsel vm0, v12, v8;
	[tilespmem:$0x3400] =	vst v7  }
0xaf: {  	[tilespmem:$0x3480] =	vst v8  }
0xb0: {  	v11 =	vld.idx.msk [tilespmem:v3+s12+$0x0], $0xffff  }
0xb1: {  	v12 =	vld.idx.msk [tilespmem:v3+s13+$0x0], $0xffff;
	_ =	sdelay $0x4  }
0xb2: {  	vm0 =	veq.f32 v11, v7;
	vm14 =	vlt.s32 v12, v8  }
0xb3: {  	vm15 =	vlt.f32 v11, v7;
	vm0 =	vmand vm0, vm14  }
0xb4: {  	vm0 =	vmor vm15, vm0  }
0xb5: {  	v14 =	vsel vm0, v11, v7  }
0xb6: {  	v13 =	vsel vm0, v12, v8;
	[tilespmem:$0x3400] =	vst v14  }
0xb7: {  	[tilespmem:$0x3480] =	vst v13  }
0xb8: {  	s18 =	simm.s32 $0x0;
	v11 =	vld.idx.msk [tilespmem:v4+s12+$0x0], $0xffff  }
0xb9: {  	v17 =	vld [tilespmem:$0x2300];
	s30 =	sand.u32 $0x70, s18;
	s20 =	sand.u32 $0x1E00, s18  }
0xba: {  	v18 =	vld [tilespmem:$0x2380];
	s19 =	sor.u32 s30, s20  }
0xbb: {  	v7 =	vld [tilespmem:s19+$0x0]  }
0xbc: {  	v8 =	vld [tilespmem:s19+$0x80]  }
0xbd: {  	[tilespmem:$0x1FFA0] =	vst v11;
	v11 =	vld.idx.msk [tilespmem:v4+s13+$0x0], $0xffff;
	_ =	sdelay $0x1  }
0xbe: {  	s31 =	simm.s32 $0x40;
	s19 =	simm.s32 $0x10  }
0xbf: {  	s20 =	sand.u32 $0x1E00, s31;
	s21 =	sand.u32 $0x70, s19  }
0xc0: {  	s21 =	sor.u32 s21, s20  }
0xc1: {  	v12 =	vsub.f32 v8, v18;
	v8 =	vld [tilespmem:s21+$0x80];
	[tilespmem:$0x1FFB0] =	vst v11;
	v11 =	vsub.f32 v7, v17  }
0xc2: {  	v20 =	vimm.f32 $+Inf;
	v7 =	vld [tilespmem:s21+$0x0]  }
0xc3: {  	v19 =	vimm.s32 $0x0;
	s20 =	simm.s32 $0x20;
	v12 =	vmul.f32 v12, v12;
	s21 =	simm.s32 $0x80;
	v11 =	vmul.f32 v11, v11  }
.LBB2_9:
0xc4: {  	s22 =	sand.u32 $0x70, s20  }
0xc5: {  	s23 =	sand.u32 $0x1E00, s21;
	v11 =	vadd.f32 v12, v11;
	s24 =	smov.u32 s20;
	p0 =	sne.s32 s20, $0x7F0  }
.Ltmp3:
0xc6: {  	s20 =	sadd.s32 $0x10, s20;
	v12 =	vor.u32 s18, v0;
	s22 =	sor.u32 s22, s23;
	(pc) =	sbr.rel @p0 .LBB2_9-.Ltmp3, $4  }
0xc7: {  	s18 =	smov.u32 s19;
	v15 =	vsub.f32 v7, v17;
	s19 =	smov.u32 s24;
	v7 =	vld [tilespmem:s22+$0x0];
	v21 =	vsub.f32 v8, v18;
	vm0 =	vlt.f32 v11, v20  }
0xc8: {  	v8 =	vld [tilespmem:s22+$0x80];
	v20 =	vsel vm0, v11, v20;
	v19 =	vsel vm0, v12, v19  }
0xc9: {  	v11 =	vmul.f32 v15, v15;
	v12 =	vmul.f32 v21, v21  }
0xca: {  	s21 =	sadd.s32 $0x40, s21  }
0xcb: {  	_ =	sdelay $0x1  }
0xcc: {  	v7 =	vsub.f32 v7, v17;
	v8 =	vsub.f32 v8, v18;
	_ =	sdelay $0x1  }
0xcd: {  	v11 =	vadd.f32 v12, v11;
	v7 =	vmul.f32 v7, v7;
	v8 =	vmul.f32 v8, v8;
	_ =	sdelay $0x1  }
0xce: {  	vm0 =	vlt.f32 v11, v20;
	v7 =	vadd.f32 v8, v7  }
0xcf: {  	v8 =	vsel vm0, v11, v20  }
0xd0: {  	v11 =	vor.u32 s18, v0;
	vm14 =	vlt.f32 v7, v8  }
0xd1: {  	v12 =	vor.u32 s19, v0;
	v11 =	vsel vm0, v11, v19;
	v7 =	vsel vm14, v7, v8  }
0xd2: {  	v8 =	vsel vm14, v12, v11;
	[tilespmem:$0x3400] =	vst v7  }
0xd3: {  	[tilespmem:$0x3480] =	vst v8  }
0xd4: {  	v11 =	vld.idx.msk [tilespmem:v1+s12+$0x0], $0xffff  }
0xd5: {  	v12 =	vld.idx.msk [tilespmem:v1+s13+$0x0], $0xffff;
	_ =	sdelay $0x4  }
0xd6: {  	vm0 =	veq.f32 v11, v7;
	vm14 =	vlt.s32 v12, v8  }
0xd7: {  	vm15 =	vlt.f32 v11, v7;
	vm0 =	vmand vm0, vm14  }
0xd8: {  	vm0 =	vmor vm15, vm0  }
0xd9: {  	v7 =	vsel vm0, v11, v7  }
0xda: {  	v8 =	vsel vm0, v12, v8;
	[tilespmem:$0x3400] =	vst v7  }
0xdb: {  	[tilespmem:$0x3480] =	vst v8  }
0xdc: {  	v11 =	vld.idx.msk [tilespmem:v2+s12+$0x0], $0xffff  }
0xdd: {  	v12 =	vld.idx.msk [tilespmem:v2+s13+$0x0], $0xffff;
	_ =	sdelay $0x4  }
0xde: {  	vm0 =	veq.f32 v11, v7;
	vm14 =	vlt.s32 v12, v8  }
0xdf: {  	vm15 =	vlt.f32 v11, v7;
	vm0 =	vmand vm0, vm14  }
0xe0: {  	vm0 =	vmor vm15, vm0  }
0xe1: {  	v7 =	vsel vm0, v11, v7  }
0xe2: {  	v8 =	vsel vm0, v12, v8;
	[tilespmem:$0x3400] =	vst v7  }
0xe3: {  	[tilespmem:$0x3480] =	vst v8  }
0xe4: {  	v11 =	vld.idx.msk [tilespmem:v3+s12+$0x0], $0xffff  }
0xe5: {  	v12 =	vld.idx.msk [tilespmem:v3+s13+$0x0], $0xffff;
	_ =	sdelay $0x4  }
0xe6: {  	vm0 =	veq.f32 v11, v7;
	vm14 =	vlt.s32 v12, v8  }
0xe7: {  	vm15 =	vlt.f32 v11, v7;
	vm0 =	vmand vm0, vm14  }
0xe8: {  	vm0 =	vmor vm15, vm0  }
0xe9: {  	s18 =	simm.s32 $0x0;
	v18 =	vsel vm0, v11, v7  }
0xea: {  	v21 =	vld [tilespmem:$0x2400];
	s30 =	sand.u32 $0x70, s18;
	s20 =	sand.u32 $0x1E00, s18;
	v17 =	vsel vm0, v12, v8;
	[tilespmem:$0x3400] =	vst v18  }
0xeb: {  	v22 =	vld [tilespmem:$0x2480];
	s19 =	sor.u32 s30, s20;
	[tilespmem:$0x3480] =	vst v17  }
0xec: {  	v7 =	vld [tilespmem:s19+$0x0]  }
0xed: {  	v8 =	vld [tilespmem:s19+$0x80]  }
0xee: {  	v11 =	vld.idx.msk [tilespmem:v4+s13+$0x0], $0xffff;
	_ =	sdelay $0x1  }
0xef: {  	s31 =	simm.s32 $0x40;
	s19 =	simm.s32 $0x10  }
0xf0: {  	s20 =	sand.u32 $0x1E00, s31;
	s21 =	sand.u32 $0x70, s19  }
0xf1: {  	s21 =	sor.u32 s21, s20  }
0xf2: {  	[tilespmem:$0x1FF90] =	vst v11;
	v11 =	vsub.f32 v7, v21;
	v12 =	vsub.f32 v8, v22;
	v7 =	vld [tilespmem:s21+$0x0]  }
0xf3: {  	v24 =	vimm.f32 $+Inf;
	v8 =	vld [tilespmem:s21+$0x80]  }
0xf4: {  	v23 =	vimm.s32 $0x0;
	v20 =	vld.idx.msk [tilespmem:v4+s12+$0x0], $0xffff;
	s20 =	simm.s32 $0x20;
	s21 =	simm.s32 $0x80;
	v11 =	vmul.f32 v11, v11;
	v12 =	vmul.f32 v12, v12  }
.LBB2_11:
0xf5: {  	s22 =	sand.u32 $0x70, s20  }
0xf6: {  	s23 =	sand.u32 $0x1E00, s21;
	v11 =	vadd.f32 v12, v11;
	s24 =	smov.u32 s20;
	p0 =	sne.s32 s20, $0x7F0  }
.Ltmp4:
0xf7: {  	s20 =	sadd.s32 $0x10, s20;
	v12 =	vor.u32 s18, v0;
	s22 =	sor.u32 s22, s23;
	(pc) =	sbr.rel @p0 .LBB2_11-.Ltmp4, $4  }
0xf8: {  	s18 =	smov.u32 s19;
	v15 =	vsub.f32 v7, v21;
	s19 =	smov.u32 s24;
	v7 =	vld [tilespmem:s22+$0x0];
	v25 =	vsub.f32 v8, v22;
	vm0 =	vlt.f32 v11, v24  }
0xf9: {  	v8 =	vld [tilespmem:s22+$0x80];
	v24 =	vsel vm0, v11, v24;
	v23 =	vsel vm0, v12, v23  }
0xfa: {  	v11 =	vmul.f32 v15, v15;
	v12 =	vmul.f32 v25, v25  }
0xfb: {  	s21 =	sadd.s32 $0x40, s21  }
0xfc: {  	_ =	sdelay $0x1  }
0xfd: {  	v7 =	vsub.f32 v7, v21;
	v8 =	vsub.f32 v8, v22;
	_ =	sdelay $0x1  }
0xfe: {  	v11 =	vadd.f32 v12, v11;
	v7 =	vmul.f32 v7, v7;
	v8 =	vmul.f32 v8, v8;
	_ =	sdelay $0x1  }
0xff: {  	vm0 =	vlt.f32 v11, v24;
	v7 =	vadd.f32 v8, v7  }
0x100: {  	v8 =	vsel vm0, v11, v24  }
0x101: {  	v11 =	vor.u32 s18, v0;
	vm14 =	vlt.f32 v7, v8  }
0x102: {  	v12 =	vor.u32 s19, v0;
	v11 =	vsel vm0, v11, v23;
	v7 =	vsel vm14, v7, v8  }
0x103: {  	v8 =	vsel vm14, v12, v11;
	[tilespmem:$0x3400] =	vst v7  }
0x104: {  	[tilespmem:$0x3480] =	vst v8  }
0x105: {  	v11 =	vld.idx.msk [tilespmem:v1+s12+$0x0], $0xffff  }
0x106: {  	v12 =	vld.idx.msk [tilespmem:v1+s13+$0x0], $0xffff;
	_ =	sdelay $0x4  }
0x107: {  	vm0 =	veq.f32 v11, v7;
	vm14 =	vlt.s32 v12, v8  }
0x108: {  	vm15 =	vlt.f32 v11, v7;
	vm0 =	vmand vm0, vm14  }
0x109: {  	vm0 =	vmor vm15, vm0  }
0x10a: {  	v7 =	vsel vm0, v11, v7  }
0x10b: {  	v8 =	vsel vm0, v12, v8;
	[tilespmem:$0x3400] =	vst v7  }
0x10c: {  	[tilespmem:$0x3480] =	vst v8  }
0x10d: {  	v11 =	vld.idx.msk [tilespmem:v2+s12+$0x0], $0xffff  }
0x10e: {  	v12 =	vld.idx.msk [tilespmem:v2+s13+$0x0], $0xffff;
	_ =	sdelay $0x4  }
0x10f: {  	vm0 =	veq.f32 v11, v7;
	vm14 =	vlt.s32 v12, v8  }
0x110: {  	vm15 =	vlt.f32 v11, v7;
	vm0 =	vmand vm0, vm14  }
0x111: {  	vm0 =	vmor vm15, vm0  }
0x112: {  	v7 =	vsel vm0, v11, v7  }
0x113: {  	v8 =	vsel vm0, v12, v8;
	[tilespmem:$0x3400] =	vst v7  }
0x114: {  	[tilespmem:$0x3480] =	vst v8  }
0x115: {  	v11 =	vld.idx.msk [tilespmem:v3+s12+$0x0], $0xffff  }
0x116: {  	v12 =	vld.idx.msk [tilespmem:v3+s13+$0x0], $0xffff;
	_ =	sdelay $0x4  }
0x117: {  	vm0 =	veq.f32 v11, v7;
	vm14 =	vlt.s32 v12, v8  }
0x118: {  	vm15 =	vlt.f32 v11, v7;
	vm0 =	vmand vm0, vm14  }
0x119: {  	vm0 =	vmor vm15, vm0  }
0x11a: {  	s18 =	simm.s32 $0x0;
	v23 =	vsel vm0, v11, v7  }
0x11b: {  	v25 =	vld [tilespmem:$0x2500];
	s30 =	sand.u32 $0x70, s18;
	s20 =	sand.u32 $0x1E00, s18;
	v21 =	vsel vm0, v12, v8;
	[tilespmem:$0x3400] =	vst v23  }
0x11c: {  	v26 =	vld [tilespmem:$0x2580];
	s19 =	sor.u32 s30, s20;
	[tilespmem:$0x3480] =	vst v21  }
0x11d: {  	v7 =	vld [tilespmem:s19+$0x0]  }
0x11e: {  	v8 =	vld [tilespmem:s19+$0x80];
	_ =	sdelay $0x1  }
0x11f: {  	s31 =	simm.s32 $0x40;
	s19 =	simm.s32 $0x10  }
0x120: {  	s20 =	sand.u32 $0x1E00, s31;
	s21 =	sand.u32 $0x70, s19  }
0x121: {  	v24 =	vld.idx.msk [tilespmem:v4+s12+$0x0], $0xffff;
	s21 =	sor.u32 s21, s20  }
0x122: {  	v11 =	vsub.f32 v7, v25;
	v12 =	vsub.f32 v8, v26;
	v7 =	vld [tilespmem:s21+$0x0]  }
0x123: {  	v28 =	vimm.f32 $+Inf;
	v8 =	vld [tilespmem:s21+$0x80]  }
0x124: {  	v27 =	vimm.s32 $0x0;
	v22 =	vld.idx.msk [tilespmem:v4+s13+$0x0], $0xffff;
	s20 =	simm.s32 $0x20;
	s21 =	simm.s32 $0x80;
	v11 =	vmul.f32 v11, v11;
	v12 =	vmul.f32 v12, v12  }
.LBB2_13:
0x125: {  	s22 =	sand.u32 $0x70, s20  }
0x126: {  	s23 =	sand.u32 $0x1E00, s21;
	v11 =	vadd.f32 v12, v11;
	s24 =	smov.u32 s20;
	p0 =	sne.s32 s20, $0x7F0  }
.Ltmp5:
0x127: {  	s20 =	sadd.s32 $0x10, s20;
	v12 =	vor.u32 s18, v0;
	s22 =	sor.u32 s22, s23;
	(pc) =	sbr.rel @p0 .LBB2_13-.Ltmp5, $4  }
0x128: {  	s18 =	smov.u32 s19;
	v15 =	vsub.f32 v7, v25;
	s19 =	smov.u32 s24;
	v7 =	vld [tilespmem:s22+$0x0];
	v29 =	vsub.f32 v8, v26;
	vm0 =	vlt.f32 v11, v28  }
0x129: {  	v8 =	vld [tilespmem:s22+$0x80];
	v28 =	vsel vm0, v11, v28;
	v27 =	vsel vm0, v12, v27  }
0x12a: {  	v11 =	vmul.f32 v15, v15;
	v12 =	vmul.f32 v29, v29  }
0x12b: {  	s21 =	sadd.s32 $0x40, s21  }
0x12c: {  	_ =	sdelay $0x1  }
0x12d: {  	v7 =	vsub.f32 v7, v25;
	v8 =	vsub.f32 v8, v26;
	_ =	sdelay $0x1  }
0x12e: {  	v11 =	vadd.f32 v12, v11;
	v7 =	vmul.f32 v7, v7;
	v8 =	vmul.f32 v8, v8;
	_ =	sdelay $0x1  }
0x12f: {  	vm0 =	vlt.f32 v11, v28;
	v7 =	vadd.f32 v8, v7  }
0x130: {  	v8 =	vsel vm0, v11, v28  }
0x131: {  	v11 =	vor.u32 s18, v0;
	vm14 =	vlt.f32 v7, v8  }
0x132: {  	v12 =	vor.u32 s19, v0;
	v11 =	vsel vm0, v11, v27;
	v7 =	vsel vm14, v7, v8  }
0x133: {  	v8 =	vsel vm14, v12, v11;
	[tilespmem:$0x3400] =	vst v7  }
0x134: {  	[tilespmem:$0x3480] =	vst v8  }
0x135: {  	v11 =	vld.idx.msk [tilespmem:v1+s12+$0x0], $0xffff  }
0x136: {  	v12 =	vld.idx.msk [tilespmem:v1+s13+$0x0], $0xffff;
	_ =	sdelay $0x4  }
0x137: {  	vm0 =	veq.f32 v11, v7;
	vm14 =	vlt.s32 v12, v8  }
0x138: {  	vm15 =	vlt.f32 v11, v7;
	vm0 =	vmand vm0, vm14  }
0x139: {  	vm0 =	vmor vm15, vm0  }
0x13a: {  	v7 =	vsel vm0, v11, v7  }
0x13b: {  	v8 =	vsel vm0, v12, v8;
	[tilespmem:$0x3400] =	vst v7  }
0x13c: {  	[tilespmem:$0x3480] =	vst v8  }
0x13d: {  	v11 =	vld.idx.msk [tilespmem:v2+s12+$0x0], $0xffff  }
0x13e: {  	v12 =	vld.idx.msk [tilespmem:v2+s13+$0x0], $0xffff;
	_ =	sdelay $0x4  }
0x13f: {  	vm0 =	veq.f32 v11, v7;
	vm14 =	vlt.s32 v12, v8  }
0x140: {  	vm15 =	vlt.f32 v11, v7;
	vm0 =	vmand vm0, vm14  }
0x141: {  	vm0 =	vmor vm15, vm0  }
0x142: {  	v7 =	vsel vm0, v11, v7  }
0x143: {  	v8 =	vsel vm0, v12, v8;
	[tilespmem:$0x3400] =	vst v7  }
0x144: {  	[tilespmem:$0x3480] =	vst v8  }
0x145: {  	v11 =	vld.idx.msk [tilespmem:v3+s12+$0x0], $0xffff  }
0x146: {  	v12 =	vld.idx.msk [tilespmem:v3+s13+$0x0], $0xffff;
	_ =	sdelay $0x4  }
0x147: {  	vm0 =	veq.f32 v11, v7;
	vm14 =	vlt.s32 v12, v8  }
0x148: {  	vm15 =	vlt.f32 v11, v7;
	vm0 =	vmand vm0, vm14  }
0x149: {  	vm0 =	vmor vm15, vm0  }
0x14a: {  	s18 =	simm.s32 $0x0;
	v26 =	vsel vm0, v11, v7  }
0x14b: {  	v29 =	vld [tilespmem:$0x2600];
	s30 =	sand.u32 $0x70, s18;
	s20 =	sand.u32 $0x1E00, s18;
	v25 =	vsel vm0, v12, v8;
	[tilespmem:$0x3400] =	vst v26  }
0x14c: {  	v30 =	vld [tilespmem:$0x2680];
	s19 =	sor.u32 s30, s20;
	[tilespmem:$0x3480] =	vst v25  }
0x14d: {  	v7 =	vld [tilespmem:s19+$0x0]  }
0x14e: {  	v8 =	vld [tilespmem:s19+$0x80];
	_ =	sdelay $0x1  }
0x14f: {  	s31 =	simm.s32 $0x40;
	s19 =	simm.s32 $0x10  }
0x150: {  	s20 =	sand.u32 $0x1E00, s31;
	s21 =	sand.u32 $0x70, s19  }
0x151: {  	v28 =	vld.idx.msk [tilespmem:v4+s12+$0x0], $0xffff;
	s21 =	sor.u32 s21, s20  }
0x152: {  	v11 =	vsub.f32 v7, v29;
	v12 =	vsub.f32 v8, v30;
	v7 =	vld [tilespmem:s21+$0x0]  }
0x153: {  	v32 =	vimm.f32 $+Inf;
	v8 =	vld [tilespmem:s21+$0x80]  }
0x154: {  	v31 =	vimm.s32 $0x0;
	v27 =	vld.idx.msk [tilespmem:v4+s13+$0x0], $0xffff;
	s20 =	simm.s32 $0x20;
	s21 =	simm.s32 $0x80;
	v11 =	vmul.f32 v11, v11;
	v12 =	vmul.f32 v12, v12  }
.LBB2_15:
0x155: {  	s22 =	sand.u32 $0x70, s20  }
0x156: {  	s23 =	sand.u32 $0x1E00, s21;
	v11 =	vadd.f32 v12, v11;
	s24 =	smov.u32 s20;
	p0 =	sne.s32 s20, $0x7F0  }
.Ltmp6:
0x157: {  	s20 =	sadd.s32 $0x10, s20;
	v12 =	vor.u32 s18, v0;
	s22 =	sor.u32 s22, s23;
	(pc) =	sbr.rel @p0 .LBB2_15-.Ltmp6, $4  }
0x158: {  	s18 =	smov.u32 s19;
	v15 =	vsub.f32 v7, v29;
	s19 =	smov.u32 s24;
	v7 =	vld [tilespmem:s22+$0x0];
	v33 =	vsub.f32 v8, v30;
	vm0 =	vlt.f32 v11, v32  }
0x159: {  	v8 =	vld [tilespmem:s22+$0x80];
	v32 =	vsel vm0, v11, v32;
	v31 =	vsel vm0, v12, v31  }
0x15a: {  	v11 =	vmul.f32 v15, v15;
	v12 =	vmul.f32 v33, v33  }
0x15b: {  	s21 =	sadd.s32 $0x40, s21  }
0x15c: {  	_ =	sdelay $0x1  }
0x15d: {  	v7 =	vsub.f32 v7, v29;
	v8 =	vsub.f32 v8, v30;
	_ =	sdelay $0x1  }
0x15e: {  	v11 =	vadd.f32 v12, v11;
	v7 =	vmul.f32 v7, v7;
	v8 =	vmul.f32 v8, v8;
	_ =	sdelay $0x1  }
0x15f: {  	vm0 =	vlt.f32 v11, v32;
	v7 =	vadd.f32 v8, v7  }
0x160: {  	v8 =	vsel vm0, v11, v32  }
0x161: {  	v11 =	vor.u32 s18, v0;
	vm14 =	vlt.f32 v7, v8  }
0x162: {  	v12 =	vor.u32 s19, v0;
	v11 =	vsel vm0, v11, v31;
	v7 =	vsel vm14, v7, v8  }
0x163: {  	v8 =	vsel vm14, v12, v11;
	[tilespmem:$0x3400] =	vst v7  }
0x164: {  	[tilespmem:$0x3480] =	vst v8  }
0x165: {  	v11 =	vld.idx.msk [tilespmem:v1+s12+$0x0], $0xffff  }
0x166: {  	v12 =	vld.idx.msk [tilespmem:v1+s13+$0x0], $0xffff;
	_ =	sdelay $0x4  }
0x167: {  	vm0 =	veq.f32 v11, v7;
	vm14 =	vlt.s32 v12, v8  }
0x168: {  	vm15 =	vlt.f32 v11, v7;
	vm0 =	vmand vm0, vm14  }
0x169: {  	vm0 =	vmor vm15, vm0  }
0x16a: {  	v7 =	vsel vm0, v11, v7  }
0x16b: {  	v8 =	vsel vm0, v12, v8;
	[tilespmem:$0x3400] =	vst v7  }
0x16c: {  	[tilespmem:$0x3480] =	vst v8  }
0x16d: {  	v11 =	vld.idx.msk [tilespmem:v2+s12+$0x0], $0xffff  }
0x16e: {  	v12 =	vld.idx.msk [tilespmem:v2+s13+$0x0], $0xffff;
	_ =	sdelay $0x4  }
0x16f: {  	vm0 =	veq.f32 v11, v7;
	vm14 =	vlt.s32 v12, v8  }
0x170: {  	vm15 =	vlt.f32 v11, v7;
	vm0 =	vmand vm0, vm14  }
0x171: {  	vm0 =	vmor vm15, vm0  }
0x172: {  	v7 =	vsel vm0, v11, v7  }
0x173: {  	v8 =	vsel vm0, v12, v8;
	[tilespmem:$0x3400] =	vst v7  }
0x174: {  	[tilespmem:$0x3480] =	vst v8  }
0x175: {  	v11 =	vld.idx.msk [tilespmem:v3+s12+$0x0], $0xffff  }
0x176: {  	v12 =	vld.idx.msk [tilespmem:v3+s13+$0x0], $0xffff;
	_ =	sdelay $0x4  }
0x177: {  	vm0 =	veq.f32 v11, v7;
	vm14 =	vlt.s32 v12, v8  }
0x178: {  	vm15 =	vlt.f32 v11, v7;
	vm0 =	vmand vm0, vm14  }
0x179: {  	vm0 =	vmor vm15, vm0  }
0x17a: {  	s18 =	simm.s32 $0x0;
	v31 =	vsel vm0, v11, v7  }
0x17b: {  	v33 =	vld [tilespmem:$0x2700];
	s30 =	sand.u32 $0x70, s18;
	s20 =	sand.u32 $0x1E00, s18;
	v29 =	vsel vm0, v12, v8;
	[tilespmem:$0x3400] =	vst v31  }
0x17c: {  	v34 =	vld [tilespmem:$0x2780];
	s19 =	sor.u32 s30, s20;
	[tilespmem:$0x3480] =	vst v29  }
0x17d: {  	v7 =	vld [tilespmem:s19+$0x0]  }
0x17e: {  	v8 =	vld [tilespmem:s19+$0x80];
	_ =	sdelay $0x1  }
0x17f: {  	s31 =	simm.s32 $0x40;
	s19 =	simm.s32 $0x10  }
0x180: {  	s20 =	sand.u32 $0x1E00, s31;
	s21 =	sand.u32 $0x70, s19  }
0x181: {  	v32 =	vld.idx.msk [tilespmem:v4+s12+$0x0], $0xffff;
	s21 =	sor.u32 s21, s20  }
0x182: {  	v11 =	vsub.f32 v7, v33;
	v12 =	vsub.f32 v8, v34;
	v7 =	vld [tilespmem:s21+$0x0]  }
0x183: {  	v36 =	vimm.f32 $+Inf;
	v8 =	vld [tilespmem:s21+$0x80]  }
0x184: {  	v35 =	vimm.s32 $0x0;
	v30 =	vld.idx.msk [tilespmem:v4+s13+$0x0], $0xffff;
	s20 =	simm.s32 $0x20;
	s21 =	simm.s32 $0x80;
	v11 =	vmul.f32 v11, v11;
	v12 =	vmul.f32 v12, v12  }
.LBB2_17:
0x185: {  	s22 =	sand.u32 $0x70, s20  }
0x186: {  	s23 =	sand.u32 $0x1E00, s21;
	v11 =	vadd.f32 v12, v11;
	s24 =	smov.u32 s20;
	p0 =	sne.s32 s20, $0x7F0  }
.Ltmp7:
0x187: {  	s20 =	sadd.s32 $0x10, s20;
	v12 =	vor.u32 s18, v0;
	s22 =	sor.u32 s22, s23;
	(pc) =	sbr.rel @p0 .LBB2_17-.Ltmp7, $4  }
0x188: {  	s18 =	smov.u32 s19;
	v15 =	vsub.f32 v7, v33;
	s19 =	smov.u32 s24;
	v7 =	vld [tilespmem:s22+$0x0];
	v37 =	vsub.f32 v8, v34;
	vm0 =	vlt.f32 v11, v36  }
0x189: {  	v8 =	vld [tilespmem:s22+$0x80];
	v36 =	vsel vm0, v11, v36;
	v35 =	vsel vm0, v12, v35  }
0x18a: {  	v11 =	vmul.f32 v15, v15;
	v12 =	vmul.f32 v37, v37  }
0x18b: {  	s21 =	sadd.s32 $0x40, s21  }
0x18c: {  	_ =	sdelay $0x1  }
0x18d: {  	v7 =	vsub.f32 v7, v33;
	v8 =	vsub.f32 v8, v34;
	_ =	sdelay $0x1  }
0x18e: {  	v11 =	vadd.f32 v12, v11;
	v7 =	vmul.f32 v7, v7;
	v8 =	vmul.f32 v8, v8;
	_ =	sdelay $0x1  }
0x18f: {  	vm0 =	vlt.f32 v11, v36;
	v7 =	vadd.f32 v8, v7  }
0x190: {  	v8 =	vsel vm0, v11, v36  }
0x191: {  	v11 =	vor.u32 s18, v0;
	vm14 =	vlt.f32 v7, v8  }
0x192: {  	v12 =	vor.u32 s19, v0;
	v11 =	vsel vm0, v11, v35;
	v7 =	vsel vm14, v7, v8  }
0x193: {  	v8 =	vsel vm14, v12, v11;
	[tilespmem:$0x3400] =	vst v7  }
0x194: {  	[tilespmem:$0x3480] =	vst v8  }
0x195: {  	v11 =	vld.idx.msk [tilespmem:v1+s12+$0x0], $0xffff  }
0x196: {  	v12 =	vld.idx.msk [tilespmem:v1+s13+$0x0], $0xffff;
	_ =	sdelay $0x4  }
0x197: {  	vm0 =	veq.f32 v11, v7;
	vm14 =	vlt.s32 v12, v8  }
0x198: {  	vm15 =	vlt.f32 v11, v7;
	vm0 =	vmand vm0, vm14  }
0x199: {  	vm0 =	vmor vm15, vm0  }
0x19a: {  	v7 =	vsel vm0, v11, v7  }
0x19b: {  	v8 =	vsel vm0, v12, v8;
	[tilespmem:$0x3400] =	vst v7  }
0x19c: {  	[tilespmem:$0x3480] =	vst v8  }
0x19d: {  	v11 =	vld.idx.msk [tilespmem:v2+s12+$0x0], $0xffff  }
0x19e: {  	v12 =	vld.idx.msk [tilespmem:v2+s13+$0x0], $0xffff;
	_ =	sdelay $0x4  }
0x19f: {  	vm0 =	veq.f32 v11, v7;
	vm14 =	vlt.s32 v12, v8  }
0x1a0: {  	vm15 =	vlt.f32 v11, v7;
	vm0 =	vmand vm0, vm14  }
0x1a1: {  	vm0 =	vmor vm15, vm0  }
0x1a2: {  	v7 =	vsel vm0, v11, v7  }
0x1a3: {  	v8 =	vsel vm0, v12, v8;
	[tilespmem:$0x3400] =	vst v7  }
0x1a4: {  	[tilespmem:$0x3480] =	vst v8  }
0x1a5: {  	v11 =	vld.idx.msk [tilespmem:v3+s12+$0x0], $0xffff  }
0x1a6: {  	v12 =	vld.idx.msk [tilespmem:v3+s13+$0x0], $0xffff;
	_ =	sdelay $0x4  }
0x1a7: {  	vm0 =	veq.f32 v11, v7;
	vm14 =	vlt.s32 v12, v8  }
0x1a8: {  	vm15 =	vlt.f32 v11, v7;
	vm0 =	vmand vm0, vm14  }
0x1a9: {  	vm0 =	vmor vm15, vm0  }
0x1aa: {  	s18 =	simm.s32 $0x0;
	v35 =	vsel vm0, v11, v7  }
0x1ab: {  	v37 =	vld [tilespmem:$0x2800];
	s30 =	sand.u32 $0x70, s18;
	s20 =	sand.u32 $0x1E00, s18;
	v33 =	vsel vm0, v12, v8;
	[tilespmem:$0x3400] =	vst v35  }
0x1ac: {  	v38 =	vld [tilespmem:$0x2880];
	s19 =	sor.u32 s30, s20;
	[tilespmem:$0x3480] =	vst v33  }
0x1ad: {  	v7 =	vld [tilespmem:s19+$0x0]  }
0x1ae: {  	v8 =	vld [tilespmem:s19+$0x80];
	_ =	sdelay $0x1  }
0x1af: {  	s31 =	simm.s32 $0x40;
	s19 =	simm.s32 $0x10  }
0x1b0: {  	s20 =	sand.u32 $0x1E00, s31;
	s21 =	sand.u32 $0x70, s19  }
0x1b1: {  	v36 =	vld.idx.msk [tilespmem:v4+s12+$0x0], $0xffff;
	s21 =	sor.u32 s21, s20  }
0x1b2: {  	v11 =	vsub.f32 v7, v37;
	v12 =	vsub.f32 v8, v38;
	v7 =	vld [tilespmem:s21+$0x0]  }
0x1b3: {  	v40 =	vimm.f32 $+Inf;
	v8 =	vld [tilespmem:s21+$0x80]  }
0x1b4: {  	v39 =	vimm.s32 $0x0;
	v34 =	vld.idx.msk [tilespmem:v4+s13+$0x0], $0xffff;
	s20 =	simm.s32 $0x20;
	s21 =	simm.s32 $0x80;
	v11 =	vmul.f32 v11, v11;
	v12 =	vmul.f32 v12, v12  }
.LBB2_19:
0x1b5: {  	s22 =	sand.u32 $0x70, s20  }
0x1b6: {  	s23 =	sand.u32 $0x1E00, s21;
	v11 =	vadd.f32 v12, v11;
	s24 =	smov.u32 s20;
	p0 =	sne.s32 s20, $0x7F0  }
.Ltmp8:
0x1b7: {  	s20 =	sadd.s32 $0x10, s20;
	v12 =	vor.u32 s18, v0;
	s22 =	sor.u32 s22, s23;
	(pc) =	sbr.rel @p0 .LBB2_19-.Ltmp8, $4  }
0x1b8: {  	s18 =	smov.u32 s19;
	v15 =	vsub.f32 v7, v37;
	s19 =	smov.u32 s24;
	v7 =	vld [tilespmem:s22+$0x0];
	v41 =	vsub.f32 v8, v38;
	vm0 =	vlt.f32 v11, v40  }
0x1b9: {  	v8 =	vld [tilespmem:s22+$0x80];
	v40 =	vsel vm0, v11, v40;
	v39 =	vsel vm0, v12, v39  }
0x1ba: {  	v11 =	vmul.f32 v15, v15;
	v12 =	vmul.f32 v41, v41  }
0x1bb: {  	s21 =	sadd.s32 $0x40, s21  }
0x1bc: {  	_ =	sdelay $0x1  }
0x1bd: {  	v7 =	vsub.f32 v7, v37;
	v8 =	vsub.f32 v8, v38;
	_ =	sdelay $0x1  }
0x1be: {  	v11 =	vadd.f32 v12, v11;
	v7 =	vmul.f32 v7, v7;
	v8 =	vmul.f32 v8, v8;
	_ =	sdelay $0x1  }
0x1bf: {  	vm0 =	vlt.f32 v11, v40;
	v7 =	vadd.f32 v8, v7  }
0x1c0: {  	v8 =	vsel vm0, v11, v40  }
0x1c1: {  	v11 =	vor.u32 s18, v0;
	vm14 =	vlt.f32 v7, v8  }
0x1c2: {  	v12 =	vor.u32 s19, v0;
	v11 =	vsel vm0, v11, v39;
	v7 =	vsel vm14, v7, v8  }
0x1c3: {  	v8 =	vsel vm14, v12, v11;
	[tilespmem:$0x3400] =	vst v7  }
0x1c4: {  	[tilespmem:$0x3480] =	vst v8  }
0x1c5: {  	v11 =	vld.idx.msk [tilespmem:v1+s12+$0x0], $0xffff  }
0x1c6: {  	v12 =	vld.idx.msk [tilespmem:v1+s13+$0x0], $0xffff;
	_ =	sdelay $0x4  }
0x1c7: {  	vm0 =	veq.f32 v11, v7;
	vm14 =	vlt.s32 v12, v8  }
0x1c8: {  	vm15 =	vlt.f32 v11, v7;
	vm0 =	vmand vm0, vm14  }
0x1c9: {  	vm0 =	vmor vm15, vm0  }
0x1ca: {  	v7 =	vsel vm0, v11, v7  }
0x1cb: {  	v8 =	vsel vm0, v12, v8;
	[tilespmem:$0x3400] =	vst v7  }
0x1cc: {  	[tilespmem:$0x3480] =	vst v8  }
0x1cd: {  	v11 =	vld.idx.msk [tilespmem:v2+s12+$0x0], $0xffff  }
0x1ce: {  	v12 =	vld.idx.msk [tilespmem:v2+s13+$0x0], $0xffff;
	_ =	sdelay $0x4  }
0x1cf: {  	vm0 =	veq.f32 v11, v7;
	vm14 =	vlt.s32 v12, v8  }
0x1d0: {  	vm15 =	vlt.f32 v11, v7;
	vm0 =	vmand vm0, vm14  }
0x1d1: {  	vm0 =	vmor vm15, vm0  }
0x1d2: {  	v7 =	vsel vm0, v11, v7  }
0x1d3: {  	v8 =	vsel vm0, v12, v8;
	[tilespmem:$0x3400] =	vst v7  }
0x1d4: {  	[tilespmem:$0x3480] =	vst v8  }
0x1d5: {  	v11 =	vld.idx.msk [tilespmem:v3+s12+$0x0], $0xffff  }
0x1d6: {  	v12 =	vld.idx.msk [tilespmem:v3+s13+$0x0], $0xffff;
	_ =	sdelay $0x4  }
0x1d7: {  	vm0 =	veq.f32 v11, v7;
	vm14 =	vlt.s32 v12, v8  }
0x1d8: {  	vm15 =	vlt.f32 v11, v7;
	vm0 =	vmand vm0, vm14  }
0x1d9: {  	vm0 =	vmor vm15, vm0  }
0x1da: {  	s18 =	simm.s32 $0x0;
	v39 =	vsel vm0, v11, v7  }
0x1db: {  	v41 =	vld [tilespmem:$0x2900];
	s30 =	sand.u32 $0x70, s18;
	s20 =	sand.u32 $0x1E00, s18;
	v37 =	vsel vm0, v12, v8;
	[tilespmem:$0x3400] =	vst v39  }
0x1dc: {  	v42 =	vld [tilespmem:$0x2980];
	s19 =	sor.u32 s30, s20;
	[tilespmem:$0x3480] =	vst v37  }
0x1dd: {  	v7 =	vld [tilespmem:s19+$0x0]  }
0x1de: {  	v8 =	vld [tilespmem:s19+$0x80];
	_ =	sdelay $0x1  }
0x1df: {  	s31 =	simm.s32 $0x40;
	s19 =	simm.s32 $0x10  }
0x1e0: {  	s20 =	sand.u32 $0x1E00, s31;
	s21 =	sand.u32 $0x70, s19  }
0x1e1: {  	v40 =	vld.idx.msk [tilespmem:v4+s12+$0x0], $0xffff;
	s21 =	sor.u32 s21, s20  }
0x1e2: {  	v11 =	vsub.f32 v7, v41;
	v12 =	vsub.f32 v8, v42;
	v7 =	vld [tilespmem:s21+$0x0]  }
0x1e3: {  	v44 =	vimm.f32 $+Inf;
	v8 =	vld [tilespmem:s21+$0x80]  }
0x1e4: {  	v43 =	vimm.s32 $0x0;
	v38 =	vld.idx.msk [tilespmem:v4+s13+$0x0], $0xffff;
	s20 =	simm.s32 $0x20;
	s21 =	simm.s32 $0x80;
	v11 =	vmul.f32 v11, v11;
	v12 =	vmul.f32 v12, v12  }
.LBB2_21:
0x1e5: {  	s22 =	sand.u32 $0x70, s20  }
0x1e6: {  	s23 =	sand.u32 $0x1E00, s21;
	v11 =	vadd.f32 v12, v11;
	s24 =	smov.u32 s20;
	p0 =	sne.s32 s20, $0x7F0  }
.Ltmp9:
0x1e7: {  	s20 =	sadd.s32 $0x10, s20;
	v12 =	vor.u32 s18, v0;
	s22 =	sor.u32 s22, s23;
	(pc) =	sbr.rel @p0 .LBB2_21-.Ltmp9, $4  }
0x1e8: {  	s18 =	smov.u32 s19;
	v15 =	vsub.f32 v7, v41;
	s19 =	smov.u32 s24;
	v7 =	vld [tilespmem:s22+$0x0];
	v45 =	vsub.f32 v8, v42;
	vm0 =	vlt.f32 v11, v44  }
0x1e9: {  	v8 =	vld [tilespmem:s22+$0x80];
	v44 =	vsel vm0, v11, v44;
	v43 =	vsel vm0, v12, v43  }
0x1ea: {  	v11 =	vmul.f32 v15, v15;
	v12 =	vmul.f32 v45, v45  }
0x1eb: {  	s21 =	sadd.s32 $0x40, s21  }
0x1ec: {  	_ =	sdelay $0x1  }
0x1ed: {  	v7 =	vsub.f32 v7, v41;
	v8 =	vsub.f32 v8, v42;
	_ =	sdelay $0x1  }
0x1ee: {  	v11 =	vadd.f32 v12, v11;
	v7 =	vmul.f32 v7, v7;
	v8 =	vmul.f32 v8, v8;
	_ =	sdelay $0x1  }
0x1ef: {  	vm0 =	vlt.f32 v11, v44;
	v7 =	vadd.f32 v8, v7  }
0x1f0: {  	v8 =	vsel vm0, v11, v44  }
0x1f1: {  	v11 =	vor.u32 s18, v0;
	vm14 =	vlt.f32 v7, v8  }
0x1f2: {  	v12 =	vor.u32 s19, v0;
	v11 =	vsel vm0, v11, v43;
	v7 =	vsel vm14, v7, v8  }
0x1f3: {  	v8 =	vsel vm14, v12, v11;
	[tilespmem:$0x3400] =	vst v7  }
0x1f4: {  	[tilespmem:$0x3480] =	vst v8  }
0x1f5: {  	v11 =	vld.idx.msk [tilespmem:v1+s12+$0x0], $0xffff  }
0x1f6: {  	v12 =	vld.idx.msk [tilespmem:v1+s13+$0x0], $0xffff;
	_ =	sdelay $0x4  }
0x1f7: {  	vm0 =	veq.f32 v11, v7;
	vm14 =	vlt.s32 v12, v8  }
0x1f8: {  	vm15 =	vlt.f32 v11, v7;
	vm0 =	vmand vm0, vm14  }
0x1f9: {  	vm0 =	vmor vm15, vm0  }
0x1fa: {  	v7 =	vsel vm0, v11, v7  }
0x1fb: {  	v8 =	vsel vm0, v12, v8;
	[tilespmem:$0x3400] =	vst v7  }
0x1fc: {  	[tilespmem:$0x3480] =	vst v8  }
0x1fd: {  	v11 =	vld.idx.msk [tilespmem:v2+s12+$0x0], $0xffff  }
0x1fe: {  	v12 =	vld.idx.msk [tilespmem:v2+s13+$0x0], $0xffff;
	_ =	sdelay $0x4  }
0x1ff: {  	vm0 =	veq.f32 v11, v7;
	vm14 =	vlt.s32 v12, v8  }
0x200: {  	vm15 =	vlt.f32 v11, v7;
	vm0 =	vmand vm0, vm14  }
0x201: {  	vm0 =	vmor vm15, vm0  }
0x202: {  	v7 =	vsel vm0, v11, v7  }
0x203: {  	v8 =	vsel vm0, v12, v8;
	[tilespmem:$0x3400] =	vst v7  }
0x204: {  	[tilespmem:$0x3480] =	vst v8  }
0x205: {  	v11 =	vld.idx.msk [tilespmem:v3+s12+$0x0], $0xffff  }
0x206: {  	v12 =	vld.idx.msk [tilespmem:v3+s13+$0x0], $0xffff;
	_ =	sdelay $0x4  }
0x207: {  	vm0 =	veq.f32 v11, v7;
	vm14 =	vlt.s32 v12, v8  }
0x208: {  	vm15 =	vlt.f32 v11, v7;
	vm0 =	vmand vm0, vm14  }
0x209: {  	vm0 =	vmor vm15, vm0  }
0x20a: {  	s18 =	simm.s32 $0x0;
	v42 =	vsel vm0, v11, v7  }
0x20b: {  	v45 =	vld [tilespmem:$0x2A00];
	s30 =	sand.u32 $0x70, s18;
	s20 =	sand.u32 $0x1E00, s18;
	v41 =	vsel vm0, v12, v8;
	[tilespmem:$0x3400] =	vst v42  }
0x20c: {  	v46 =	vld [tilespmem:$0x2A80];
	s19 =	sor.u32 s30, s20;
	[tilespmem:$0x3480] =	vst v41  }
0x20d: {  	v7 =	vld [tilespmem:s19+$0x0]  }
0x20e: {  	v8 =	vld [tilespmem:s19+$0x80];
	_ =	sdelay $0x1  }
0x20f: {  	s31 =	simm.s32 $0x40;
	s19 =	simm.s32 $0x10  }
0x210: {  	s20 =	sand.u32 $0x1E00, s31;
	s21 =	sand.u32 $0x70, s19  }
0x211: {  	v44 =	vld.idx.msk [tilespmem:v4+s12+$0x0], $0xffff;
	s21 =	sor.u32 s21, s20  }
0x212: {  	v11 =	vsub.f32 v7, v45;
	v12 =	vsub.f32 v8, v46;
	v7 =	vld [tilespmem:s21+$0x0]  }
0x213: {  	v48 =	vimm.f32 $+Inf;
	v8 =	vld [tilespmem:s21+$0x80]  }
0x214: {  	v47 =	vimm.s32 $0x0;
	v43 =	vld.idx.msk [tilespmem:v4+s13+$0x0], $0xffff;
	s20 =	simm.s32 $0x20;
	s21 =	simm.s32 $0x80;
	v11 =	vmul.f32 v11, v11;
	v12 =	vmul.f32 v12, v12  }
.LBB2_23:
0x215: {  	s22 =	sand.u32 $0x70, s20  }
0x216: {  	s23 =	sand.u32 $0x1E00, s21;
	v11 =	vadd.f32 v12, v11;
	s24 =	smov.u32 s20;
	p0 =	sne.s32 s20, $0x7F0  }
.Ltmp10:
0x217: {  	s20 =	sadd.s32 $0x10, s20;
	v12 =	vor.u32 s18, v0;
	s22 =	sor.u32 s22, s23;
	(pc) =	sbr.rel @p0 .LBB2_23-.Ltmp10, $4  }
0x218: {  	s18 =	smov.u32 s19;
	v15 =	vsub.f32 v7, v45;
	s19 =	smov.u32 s24;
	v7 =	vld [tilespmem:s22+$0x0];
	v49 =	vsub.f32 v8, v46;
	vm0 =	vlt.f32 v11, v48  }
0x219: {  	v8 =	vld [tilespmem:s22+$0x80];
	v48 =	vsel vm0, v11, v48;
	v47 =	vsel vm0, v12, v47  }
0x21a: {  	v11 =	vmul.f32 v15, v15;
	v12 =	vmul.f32 v49, v49  }
0x21b: {  	s21 =	sadd.s32 $0x40, s21  }
0x21c: {  	_ =	sdelay $0x1  }
0x21d: {  	v7 =	vsub.f32 v7, v45;
	v8 =	vsub.f32 v8, v46;
	_ =	sdelay $0x1  }
0x21e: {  	v11 =	vadd.f32 v12, v11;
	v7 =	vmul.f32 v7, v7;
	v8 =	vmul.f32 v8, v8;
	_ =	sdelay $0x1  }
0x21f: {  	vm0 =	vlt.f32 v11, v48;
	v7 =	vadd.f32 v8, v7  }
0x220: {  	v8 =	vsel vm0, v11, v48  }
0x221: {  	v11 =	vor.u32 s18, v0;
	vm14 =	vlt.f32 v7, v8  }
0x222: {  	v12 =	vor.u32 s19, v0;
	v11 =	vsel vm0, v11, v47;
	v7 =	vsel vm14, v7, v8  }
0x223: {  	v8 =	vsel vm14, v12, v11;
	[tilespmem:$0x3400] =	vst v7  }
0x224: {  	[tilespmem:$0x3480] =	vst v8  }
0x225: {  	v11 =	vld.idx.msk [tilespmem:v1+s12+$0x0], $0xffff  }
0x226: {  	v12 =	vld.idx.msk [tilespmem:v1+s13+$0x0], $0xffff;
	_ =	sdelay $0x4  }
0x227: {  	vm0 =	veq.f32 v11, v7;
	vm14 =	vlt.s32 v12, v8  }
0x228: {  	vm15 =	vlt.f32 v11, v7;
	vm0 =	vmand vm0, vm14  }
0x229: {  	vm0 =	vmor vm15, vm0  }
0x22a: {  	v7 =	vsel vm0, v11, v7  }
0x22b: {  	v8 =	vsel vm0, v12, v8;
	[tilespmem:$0x3400] =	vst v7  }
0x22c: {  	[tilespmem:$0x3480] =	vst v8  }
0x22d: {  	v11 =	vld.idx.msk [tilespmem:v2+s12+$0x0], $0xffff  }
0x22e: {  	v12 =	vld.idx.msk [tilespmem:v2+s13+$0x0], $0xffff;
	_ =	sdelay $0x4  }
0x22f: {  	vm0 =	veq.f32 v11, v7;
	vm14 =	vlt.s32 v12, v8  }
0x230: {  	vm15 =	vlt.f32 v11, v7;
	vm0 =	vmand vm0, vm14  }
0x231: {  	vm0 =	vmor vm15, vm0  }
0x232: {  	v7 =	vsel vm0, v11, v7  }
0x233: {  	v8 =	vsel vm0, v12, v8;
	[tilespmem:$0x3400] =	vst v7  }
0x234: {  	[tilespmem:$0x3480] =	vst v8  }
0x235: {  	v11 =	vld.idx.msk [tilespmem:v3+s12+$0x0], $0xffff  }
0x236: {  	v12 =	vld.idx.msk [tilespmem:v3+s13+$0x0], $0xffff;
	_ =	sdelay $0x4  }
0x237: {  	vm0 =	veq.f32 v11, v7;
	vm14 =	vlt.s32 v12, v8  }
0x238: {  	vm15 =	vlt.f32 v11, v7;
	vm0 =	vmand vm0, vm14  }
0x239: {  	vm0 =	vmor vm15, vm0  }
0x23a: {  	s18 =	simm.s32 $0x0;
	v46 =	vsel vm0, v11, v7  }
0x23b: {  	v49 =	vld [tilespmem:$0x2B00];
	s30 =	sand.u32 $0x70, s18;
	s20 =	sand.u32 $0x1E00, s18;
	v45 =	vsel vm0, v12, v8;
	[tilespmem:$0x3400] =	vst v46  }
0x23c: {  	v50 =	vld [tilespmem:$0x2B80];
	s19 =	sor.u32 s30, s20;
	[tilespmem:$0x3480] =	vst v45  }
0x23d: {  	v7 =	vld [tilespmem:s19+$0x0]  }
0x23e: {  	v8 =	vld [tilespmem:s19+$0x80];
	_ =	sdelay $0x1  }
0x23f: {  	s31 =	simm.s32 $0x40;
	s19 =	simm.s32 $0x10  }
0x240: {  	s20 =	sand.u32 $0x1E00, s31;
	s21 =	sand.u32 $0x70, s19  }
0x241: {  	v48 =	vld.idx.msk [tilespmem:v4+s12+$0x0], $0xffff;
	s21 =	sor.u32 s21, s20  }
0x242: {  	v11 =	vsub.f32 v7, v49;
	v12 =	vsub.f32 v8, v50;
	v7 =	vld [tilespmem:s21+$0x0]  }
0x243: {  	v52 =	vimm.f32 $+Inf;
	v8 =	vld [tilespmem:s21+$0x80]  }
0x244: {  	v51 =	vimm.s32 $0x0;
	v47 =	vld.idx.msk [tilespmem:v4+s13+$0x0], $0xffff;
	s20 =	simm.s32 $0x20;
	s21 =	simm.s32 $0x80;
	v11 =	vmul.f32 v11, v11;
	v12 =	vmul.f32 v12, v12  }
.LBB2_25:
0x245: {  	s22 =	sand.u32 $0x70, s20  }
0x246: {  	s23 =	sand.u32 $0x1E00, s21;
	v11 =	vadd.f32 v12, v11;
	s24 =	smov.u32 s20;
	p0 =	sne.s32 s20, $0x7F0  }
.Ltmp11:
0x247: {  	s20 =	sadd.s32 $0x10, s20;
	v12 =	vor.u32 s18, v0;
	s22 =	sor.u32 s22, s23;
	(pc) =	sbr.rel @p0 .LBB2_25-.Ltmp11, $4  }
0x248: {  	s18 =	smov.u32 s19;
	v15 =	vsub.f32 v7, v49;
	s19 =	smov.u32 s24;
	v7 =	vld [tilespmem:s22+$0x0];
	v53 =	vsub.f32 v8, v50;
	vm0 =	vlt.f32 v11, v52  }
0x249: {  	v8 =	vld [tilespmem:s22+$0x80];
	v52 =	vsel vm0, v11, v52;
	v51 =	vsel vm0, v12, v51  }
0x24a: {  	v11 =	vmul.f32 v15, v15;
	v12 =	vmul.f32 v53, v53  }
0x24b: {  	s21 =	sadd.s32 $0x40, s21  }
0x24c: {  	_ =	sdelay $0x1  }
0x24d: {  	v7 =	vsub.f32 v7, v49;
	v8 =	vsub.f32 v8, v50;
	_ =	sdelay $0x1  }
0x24e: {  	v11 =	vadd.f32 v12, v11;
	v7 =	vmul.f32 v7, v7;
	v8 =	vmul.f32 v8, v8;
	_ =	sdelay $0x1  }
0x24f: {  	vm0 =	vlt.f32 v11, v52;
	v7 =	vadd.f32 v8, v7  }
0x250: {  	v8 =	vsel vm0, v11, v52  }
0x251: {  	v11 =	vor.u32 s18, v0;
	vm14 =	vlt.f32 v7, v8  }
0x252: {  	v12 =	vor.u32 s19, v0;
	v11 =	vsel vm0, v11, v51;
	v7 =	vsel vm14, v7, v8  }
0x253: {  	v8 =	vsel vm14, v12, v11;
	[tilespmem:$0x3400] =	vst v7  }
0x254: {  	[tilespmem:$0x3480] =	vst v8  }
0x255: {  	v11 =	vld.idx.msk [tilespmem:v1+s12+$0x0], $0xffff  }
0x256: {  	v12 =	vld.idx.msk [tilespmem:v1+s13+$0x0], $0xffff;
	_ =	sdelay $0x4  }
0x257: {  	vm0 =	veq.f32 v11, v7;
	vm14 =	vlt.s32 v12, v8  }
0x258: {  	vm15 =	vlt.f32 v11, v7;
	vm0 =	vmand vm0, vm14  }
0x259: {  	vm0 =	vmor vm15, vm0  }
0x25a: {  	v7 =	vsel vm0, v11, v7  }
0x25b: {  	v8 =	vsel vm0, v12, v8;
	[tilespmem:$0x3400] =	vst v7  }
0x25c: {  	[tilespmem:$0x3480] =	vst v8  }
0x25d: {  	v11 =	vld.idx.msk [tilespmem:v2+s12+$0x0], $0xffff  }
0x25e: {  	v12 =	vld.idx.msk [tilespmem:v2+s13+$0x0], $0xffff;
	_ =	sdelay $0x4  }
0x25f: {  	vm0 =	veq.f32 v11, v7;
	vm14 =	vlt.s32 v12, v8  }
0x260: {  	vm15 =	vlt.f32 v11, v7;
	vm0 =	vmand vm0, vm14  }
0x261: {  	vm0 =	vmor vm15, vm0  }
0x262: {  	v7 =	vsel vm0, v11, v7  }
0x263: {  	v8 =	vsel vm0, v12, v8;
	[tilespmem:$0x3400] =	vst v7  }
0x264: {  	[tilespmem:$0x3480] =	vst v8  }
0x265: {  	v11 =	vld.idx.msk [tilespmem:v3+s12+$0x0], $0xffff  }
0x266: {  	v12 =	vld.idx.msk [tilespmem:v3+s13+$0x0], $0xffff;
	_ =	sdelay $0x4  }
0x267: {  	vm0 =	veq.f32 v11, v7;
	vm14 =	vlt.s32 v12, v8  }
0x268: {  	vm15 =	vlt.f32 v11, v7;
	vm0 =	vmand vm0, vm14  }
0x269: {  	vm0 =	vmor vm15, vm0  }
0x26a: {  	s18 =	simm.s32 $0x0;
	v50 =	vsel vm0, v11, v7  }
0x26b: {  	v53 =	vld [tilespmem:$0x2C00];
	s30 =	sand.u32 $0x70, s18;
	s20 =	sand.u32 $0x1E00, s18;
	v49 =	vsel vm0, v12, v8;
	[tilespmem:$0x3400] =	vst v50  }
0x26c: {  	v54 =	vld [tilespmem:$0x2C80];
	s19 =	sor.u32 s30, s20;
	[tilespmem:$0x3480] =	vst v49  }
0x26d: {  	v7 =	vld [tilespmem:s19+$0x0]  }
0x26e: {  	v8 =	vld [tilespmem:s19+$0x80];
	_ =	sdelay $0x1  }
0x26f: {  	s31 =	simm.s32 $0x40;
	s19 =	simm.s32 $0x10  }
0x270: {  	s20 =	sand.u32 $0x1E00, s31;
	s21 =	sand.u32 $0x70, s19  }
0x271: {  	v52 =	vld.idx.msk [tilespmem:v4+s12+$0x0], $0xffff;
	s21 =	sor.u32 s21, s20  }
0x272: {  	v11 =	vsub.f32 v7, v53;
	v12 =	vsub.f32 v8, v54;
	v7 =	vld [tilespmem:s21+$0x0]  }
0x273: {  	v56 =	vimm.f32 $+Inf;
	v8 =	vld [tilespmem:s21+$0x80]  }
0x274: {  	v55 =	vimm.s32 $0x0;
	v51 =	vld.idx.msk [tilespmem:v4+s13+$0x0], $0xffff;
	s20 =	simm.s32 $0x20;
	s21 =	simm.s32 $0x80;
	v11 =	vmul.f32 v11, v11;
	v12 =	vmul.f32 v12, v12  }
.LBB2_27:
0x275: {  	s22 =	sand.u32 $0x70, s20  }
0x276: {  	s23 =	sand.u32 $0x1E00, s21;
	v11 =	vadd.f32 v12, v11;
	s24 =	smov.u32 s20;
	p0 =	sne.s32 s20, $0x7F0  }
.Ltmp12:
0x277: {  	s20 =	sadd.s32 $0x10, s20;
	v12 =	vor.u32 s18, v0;
	s22 =	sor.u32 s22, s23;
	(pc) =	sbr.rel @p0 .LBB2_27-.Ltmp12, $4  }
0x278: {  	s18 =	smov.u32 s19;
	v15 =	vsub.f32 v7, v53;
	s19 =	smov.u32 s24;
	v7 =	vld [tilespmem:s22+$0x0];
	v57 =	vsub.f32 v8, v54;
	vm0 =	vlt.f32 v11, v56  }
0x279: {  	v8 =	vld [tilespmem:s22+$0x80];
	v56 =	vsel vm0, v11, v56;
	v55 =	vsel vm0, v12, v55  }
0x27a: {  	v11 =	vmul.f32 v15, v15;
	v12 =	vmul.f32 v57, v57  }
0x27b: {  	s21 =	sadd.s32 $0x40, s21  }
0x27c: {  	_ =	sdelay $0x1  }
0x27d: {  	v7 =	vsub.f32 v7, v53;
	v8 =	vsub.f32 v8, v54;
	_ =	sdelay $0x1  }
0x27e: {  	v11 =	vadd.f32 v12, v11;
	v7 =	vmul.f32 v7, v7;
	v8 =	vmul.f32 v8, v8;
	_ =	sdelay $0x1  }
0x27f: {  	vm0 =	vlt.f32 v11, v56;
	v7 =	vadd.f32 v8, v7  }
0x280: {  	v8 =	vsel vm0, v11, v56  }
0x281: {  	v11 =	vor.u32 s18, v0;
	vm14 =	vlt.f32 v7, v8  }
0x282: {  	v12 =	vor.u32 s19, v0;
	v11 =	vsel vm0, v11, v55;
	v7 =	vsel vm14, v7, v8  }
0x283: {  	v8 =	vsel vm14, v12, v11;
	[tilespmem:$0x3400] =	vst v7  }
0x284: {  	[tilespmem:$0x3480] =	vst v8  }
0x285: {  	v11 =	vld.idx.msk [tilespmem:v1+s12+$0x0], $0xffff  }
0x286: {  	v12 =	vld.idx.msk [tilespmem:v1+s13+$0x0], $0xffff;
	_ =	sdelay $0x4  }
0x287: {  	vm0 =	veq.f32 v11, v7;
	vm14 =	vlt.s32 v12, v8  }
0x288: {  	vm15 =	vlt.f32 v11, v7;
	vm0 =	vmand vm0, vm14  }
0x289: {  	vm0 =	vmor vm15, vm0  }
0x28a: {  	v7 =	vsel vm0, v11, v7  }
0x28b: {  	v8 =	vsel vm0, v12, v8;
	[tilespmem:$0x3400] =	vst v7  }
0x28c: {  	[tilespmem:$0x3480] =	vst v8  }
0x28d: {  	v11 =	vld.idx.msk [tilespmem:v2+s12+$0x0], $0xffff  }
0x28e: {  	v12 =	vld.idx.msk [tilespmem:v2+s13+$0x0], $0xffff;
	_ =	sdelay $0x4  }
0x28f: {  	vm0 =	veq.f32 v11, v7;
	vm14 =	vlt.s32 v12, v8  }
0x290: {  	vm15 =	vlt.f32 v11, v7;
	vm0 =	vmand vm0, vm14  }
0x291: {  	vm0 =	vmor vm15, vm0  }
0x292: {  	v7 =	vsel vm0, v11, v7  }
0x293: {  	v8 =	vsel vm0, v12, v8;
	[tilespmem:$0x3400] =	vst v7  }
0x294: {  	[tilespmem:$0x3480] =	vst v8  }
0x295: {  	v11 =	vld.idx.msk [tilespmem:v3+s12+$0x0], $0xffff  }
0x296: {  	v12 =	vld.idx.msk [tilespmem:v3+s13+$0x0], $0xffff;
	_ =	sdelay $0x4  }
0x297: {  	vm0 =	veq.f32 v11, v7;
	vm14 =	vlt.s32 v12, v8  }
0x298: {  	vm15 =	vlt.f32 v11, v7;
	vm0 =	vmand vm0, vm14  }
0x299: {  	vm0 =	vmor vm15, vm0  }
0x29a: {  	s18 =	simm.s32 $0x0;
	v54 =	vsel vm0, v11, v7  }
0x29b: {  	v57 =	vld [tilespmem:$0x2D00];
	s30 =	sand.u32 $0x70, s18;
	s20 =	sand.u32 $0x1E00, s18;
	v53 =	vsel vm0, v12, v8;
	[tilespmem:$0x3400] =	vst v54  }
0x29c: {  	v58 =	vld [tilespmem:$0x2D80];
	s19 =	sor.u32 s30, s20;
	[tilespmem:$0x3480] =	vst v53  }
0x29d: {  	v7 =	vld [tilespmem:s19+$0x0]  }
0x29e: {  	v8 =	vld [tilespmem:s19+$0x80];
	_ =	sdelay $0x1  }
0x29f: {  	s31 =	simm.s32 $0x40;
	s19 =	simm.s32 $0x10  }
0x2a0: {  	s20 =	sand.u32 $0x1E00, s31;
	s21 =	sand.u32 $0x70, s19  }
0x2a1: {  	v56 =	vld.idx.msk [tilespmem:v4+s12+$0x0], $0xffff;
	s21 =	sor.u32 s21, s20  }
0x2a2: {  	v11 =	vsub.f32 v7, v57;
	v12 =	vsub.f32 v8, v58;
	v7 =	vld [tilespmem:s21+$0x0]  }
0x2a3: {  	v60 =	vimm.f32 $+Inf;
	v8 =	vld [tilespmem:s21+$0x80]  }
0x2a4: {  	v59 =	vimm.s32 $0x0;
	v55 =	vld.idx.msk [tilespmem:v4+s13+$0x0], $0xffff;
	s20 =	simm.s32 $0x20;
	s21 =	simm.s32 $0x80;
	v11 =	vmul.f32 v11, v11;
	v12 =	vmul.f32 v12, v12  }
.LBB2_29:
0x2a5: {  	s22 =	sand.u32 $0x70, s20  }
0x2a6: {  	s23 =	sand.u32 $0x1E00, s21;
	v11 =	vadd.f32 v12, v11;
	s24 =	smov.u32 s20;
	p0 =	sne.s32 s20, $0x7F0  }
.Ltmp13:
0x2a7: {  	s20 =	sadd.s32 $0x10, s20;
	v12 =	vor.u32 s18, v0;
	s22 =	sor.u32 s22, s23;
	(pc) =	sbr.rel @p0 .LBB2_29-.Ltmp13, $4  }
0x2a8: {  	s18 =	smov.u32 s19;
	v15 =	vsub.f32 v7, v57;
	s19 =	smov.u32 s24;
	v7 =	vld [tilespmem:s22+$0x0];
	v61 =	vsub.f32 v8, v58;
	vm0 =	vlt.f32 v11, v60  }
0x2a9: {  	v8 =	vld [tilespmem:s22+$0x80];
	v60 =	vsel vm0, v11, v60;
	v59 =	vsel vm0, v12, v59  }
0x2aa: {  	v11 =	vmul.f32 v15, v15;
	v12 =	vmul.f32 v61, v61  }
0x2ab: {  	s21 =	sadd.s32 $0x40, s21  }
0x2ac: {  	_ =	sdelay $0x1  }
0x2ad: {  	v7 =	vsub.f32 v7, v57;
	v8 =	vsub.f32 v8, v58;
	_ =	sdelay $0x1  }
0x2ae: {  	v11 =	vadd.f32 v12, v11;
	v7 =	vmul.f32 v7, v7;
	v8 =	vmul.f32 v8, v8;
	_ =	sdelay $0x1  }
0x2af: {  	vm0 =	vlt.f32 v11, v60;
	v7 =	vadd.f32 v8, v7  }
0x2b0: {  	v8 =	vsel vm0, v11, v60  }
0x2b1: {  	v11 =	vor.u32 s18, v0;
	vm14 =	vlt.f32 v7, v8  }
0x2b2: {  	v12 =	vor.u32 s19, v0;
	v11 =	vsel vm0, v11, v59;
	v7 =	vsel vm14, v7, v8  }
0x2b3: {  	v8 =	vsel vm14, v12, v11;
	[tilespmem:$0x3400] =	vst v7  }
0x2b4: {  	[tilespmem:$0x3480] =	vst v8  }
0x2b5: {  	v11 =	vld.idx.msk [tilespmem:v1+s12+$0x0], $0xffff  }
0x2b6: {  	v12 =	vld.idx.msk [tilespmem:v1+s13+$0x0], $0xffff;
	_ =	sdelay $0x4  }
0x2b7: {  	vm0 =	veq.f32 v11, v7;
	vm14 =	vlt.s32 v12, v8  }
0x2b8: {  	vm15 =	vlt.f32 v11, v7;
	vm0 =	vmand vm0, vm14  }
0x2b9: {  	vm0 =	vmor vm15, vm0  }
0x2ba: {  	v7 =	vsel vm0, v11, v7  }
0x2bb: {  	v8 =	vsel vm0, v12, v8;
	[tilespmem:$0x3400] =	vst v7  }
0x2bc: {  	[tilespmem:$0x3480] =	vst v8  }
0x2bd: {  	v11 =	vld.idx.msk [tilespmem:v2+s12+$0x0], $0xffff  }
0x2be: {  	v12 =	vld.idx.msk [tilespmem:v2+s13+$0x0], $0xffff;
	_ =	sdelay $0x4  }
0x2bf: {  	vm0 =	veq.f32 v11, v7;
	vm14 =	vlt.s32 v12, v8  }
0x2c0: {  	vm15 =	vlt.f32 v11, v7;
	vm0 =	vmand vm0, vm14  }
0x2c1: {  	vm0 =	vmor vm15, vm0  }
0x2c2: {  	v7 =	vsel vm0, v11, v7  }
0x2c3: {  	v8 =	vsel vm0, v12, v8;
	[tilespmem:$0x3400] =	vst v7  }
0x2c4: {  	[tilespmem:$0x3480] =	vst v8  }
0x2c5: {  	v11 =	vld.idx.msk [tilespmem:v3+s12+$0x0], $0xffff  }
0x2c6: {  	v12 =	vld.idx.msk [tilespmem:v3+s13+$0x0], $0xffff;
	_ =	sdelay $0x4  }
0x2c7: {  	vm0 =	veq.f32 v11, v7;
	vm14 =	vlt.s32 v12, v8  }
0x2c8: {  	vm15 =	vlt.f32 v11, v7;
	vm0 =	vmand vm0, vm14  }
0x2c9: {  	vm0 =	vmor vm15, vm0  }
0x2ca: {  	s18 =	simm.s32 $0x0;
	v58 =	vsel vm0, v11, v7  }
0x2cb: {  	v61 =	vld [tilespmem:$0x2E00];
	s30 =	sand.u32 $0x70, s18;
	s20 =	sand.u32 $0x1E00, s18;
	v57 =	vsel vm0, v12, v8;
	[tilespmem:$0x3400] =	vst v58  }
0x2cc: {  	v62 =	vld [tilespmem:$0x2E80];
	s19 =	sor.u32 s30, s20;
	[tilespmem:$0x3480] =	vst v57  }
0x2cd: {  	v7 =	vld [tilespmem:s19+$0x0]  }
0x2ce: {  	v8 =	vld [tilespmem:s19+$0x80];
	_ =	sdelay $0x1  }
0x2cf: {  	s31 =	simm.s32 $0x40;
	s19 =	simm.s32 $0x10  }
0x2d0: {  	s20 =	sand.u32 $0x1E00, s31;
	s21 =	sand.u32 $0x70, s19  }
0x2d1: {  	v60 =	vld.idx.msk [tilespmem:v4+s12+$0x0], $0xffff;
	s21 =	sor.u32 s21, s20  }
0x2d2: {  	v11 =	vld [tilespmem:s21+$0x80];
	v12 =	vsub.f32 v7, v61;
	v15 =	vsub.f32 v8, v62  }
0x2d3: {  	v63 =	vimm.s32 $0x0;
	v8 =	vld [tilespmem:s21+$0x0]  }
0x2d4: {  	v59 =	vld.idx.msk [tilespmem:v4+s13+$0x0], $0xffff;
	s20 =	simm.s32 $0x20;
	v7 =	vimm.f32 $+Inf;
	s21 =	simm.s32 $0x80;
	v12 =	vmul.f32 v12, v12;
	v15 =	vmul.f32 v15, v15  }
.LBB2_31:
0x2d5: {  	s22 =	sand.u32 $0x70, s20  }
0x2d6: {  	s23 =	sand.u32 $0x1E00, s21;
	v12 =	vadd.f32 v15, v12;
	s24 =	smov.u32 s20;
	p0 =	sne.s32 s20, $0x7F0  }
.Ltmp14:
0x2d7: {  	s20 =	sadd.s32 $0x10, s20;
	v15 =	vor.u32 s18, v0;
	s22 =	sor.u32 s22, s23;
	(pc) =	sbr.rel @p0 .LBB2_31-.Ltmp14, $4  }
0x2d8: {  	s18 =	smov.u32 s19;
	v16 =	vsub.f32 v8, v61;
	s19 =	smov.u32 s24;
	v8 =	vld [tilespmem:s22+$0x0];
	v19 =	vsub.f32 v11, v62;
	vm0 =	vlt.f32 v12, v7  }
0x2d9: {  	v11 =	vld [tilespmem:s22+$0x80];
	v7 =	vsel vm0, v12, v7;
	v63 =	vsel vm0, v15, v63  }
0x2da: {  	v12 =	vmul.f32 v16, v16;
	v15 =	vmul.f32 v19, v19  }
0x2db: {  	s21 =	sadd.s32 $0x40, s21  }
0x2dc: {  	_ =	sdelay $0x1  }
0x2dd: {  	v8 =	vsub.f32 v8, v61;
	v11 =	vsub.f32 v11, v62;
	_ =	sdelay $0x1  }
0x2de: {  	v12 =	vadd.f32 v15, v12;
	v8 =	vmul.f32 v8, v8;
	v11 =	vmul.f32 v11, v11;
	_ =	sdelay $0x1  }
0x2df: {  	vm0 =	vlt.f32 v12, v7;
	v8 =	vadd.f32 v11, v8  }
0x2e0: {  	v7 =	vsel vm0, v12, v7  }
0x2e1: {  	v16 =	vor.u32 s18, v0;
	vm14 =	vlt.f32 v8, v7  }
0x2e2: {  	v19 =	vor.u32 s19, v0;
	v11 =	vsel vm0, v16, v63;
	v7 =	vsel vm14, v8, v7  }
0x2e3: {  	v16 =	vld [tilespmem:$0x1FFE0];
	v61 =	vsel vm14, v19, v11;
	[tilespmem:$0x3400] =	vst v7  }
0x2e4: {  	[tilespmem:$0x3480] =	vst v61  }
0x2e5: {  	v62 =	vld.idx.msk [tilespmem:v1+s12+$0x0], $0xffff  }
0x2e6: {  	v63 =	vld.idx.msk [tilespmem:v1+s13+$0x0], $0xffff  }
0x2e7: {  	v19 =	vld [tilespmem:$0x1FFF0]  }
0x2e8: {  	vm0 =	veq.f32 v16, v6;
	vm2 =	vlt.f32 v16, v6;
	v6 =	vld [tilespmem:$0x1FFC0];
	_ =	sdelay $0x2  }
0x2e9: {  	vm14 =	veq.f32 v62, v7;
	vm15 =	vlt.s32 v63, v61  }
0x2ea: {  	vm1 =	vlt.s32 v19, v5;
	vm14 =	vmand vm14, vm15;
	vm15 =	vlt.f32 v62, v7  }
0x2eb: {  	vm0 =	vmand vm0, vm1;
	vm1 =	vmor vm15, vm14;
	vm14 =	vlt.f32 v6, v10  }
0x2ec: {  	vm15 =	veq.f32 v6, v10;
	v6 =	vsel vm1, v62, v7;
	v7 =	vsel vm1, v63, v61;
	v61 =	vld [tilespmem:$0x1FFD0]  }
0x2ed: {  	v62 =	vld [tilespmem:$0x1FFA0]  }
0x2ee: {  	v63 =	vld [tilespmem:$0x1FFB0]  }
0x2ef: {  	vm0 =	vmor vm2, vm0  }
0x2f0: {  	v5 =	vsel vm0, v19, v5;
	v19 =	vld [tilespmem:$0x1FF90]  }
0x2f1: {  	vm1 =	vlt.s32 v61, v9  }
0x2f2: {  	vm2 =	vlt.f32 v62, v14;
	vm1 =	vmand vm15, vm1  }
0x2f3: {  	[tilespmem:$0x3400] =	vst v6;
	vm15 =	veq.f32 v62, v14;
	vm0 =	vmor vm14, vm1;
	vm1 =	vlt.s32 v63, v13  }
0x2f4: {  	[tilespmem:$0x3480] =	vst v7;
	vm14 =	vlt.f32 v20, v18;
	vm1 =	vmand vm15, vm1;
	vm15 =	veq.f32 v20, v18  }
0x2f5: {  	v16 =	vld.idx.msk [tilespmem:v2+s12+$0x0], $0xffff;
	v18 =	vsel vm0, v61, v9;
	vm0 =	vmor vm2, vm1;
	vm1 =	vlt.s32 v19, v17  }
0x2f6: {  	v20 =	vld.idx.msk [tilespmem:v2+s13+$0x0], $0xffff;
	vm1 =	vmand vm15, vm1;
	vm15 =	veq.f32 v24, v23  }
0x2f7: {  	v11 =	vsel vm0, v63, v13;
	vm0 =	vmor vm14, vm1;
	vm1 =	vlt.s32 v22, v21  }
0x2f8: {  	vm2 =	vlt.f32 v24, v23;
	vm1 =	vmand vm15, vm1;
	vm15 =	veq.f32 v28, v26  }
0x2f9: {  	v12 =	vsel vm0, v19, v17;
	vm0 =	vmor vm2, vm1;
	vm1 =	vlt.s32 v27, v25  }
0x2fa: {  	vm3 =	vcmask $0x33C;
	vm14 =	vlt.f32 v28, v26;
	vm1 =	vmand vm15, vm1  }
0x2fb: {  	vm2 =	veq.f32 v16, v6;
	vm15 =	vlt.s32 v20, v7;
	vm1 =	vmor vm14, vm1  }
0x2fc: {  	vm14 =	vlt.f32 v16, v6;
	vm2 =	vmand vm2, vm15;
	vm15 =	vlt.f32 v32, v31  }
0x2fd: {  	vm2 =	vmor vm14, vm2;
	vm14 =	veq.f32 v32, v31;
	v31 =	vsel vm0, v22, v21  }
0x2fe: {  	v32 =	vsel vm1, v27, v25;
	vm0 =	veq.s32 v0, $0xF;
	vm1 =	vlt.f32 v36, v35  }
0x2ff: {  	v6 =	vsel vm2, v16, v6;
	v5 =	vsel vm0, $0x0, v5;
	vm0 =	vlt.s32 v30, v29  }
0x300: {  	v7 =	vsel vm2, v20, v7;
	vm2 =	veq.f32 v36, v35;
	vm0 =	vmand vm14, vm0  }
0x301: {  	[tilespmem:$0x3400] =	vst v6;
	vm14 =	vlt.f32 v40, v39;
	v5 =	vsel vm3, v5, v18;
	vm3 =	vcmask $0x73C  }
0x302: {  	[tilespmem:$0x3480] =	vst v7;
	vm0 =	vmor vm15, vm0;
	vm15 =	veq.f32 v40, v39;
	v5 =	vsel vm3, v5, v11  }
0x303: {  	v35 =	vld.idx.msk [tilespmem:v3+s12+$0x0], $0xffff;
	vm3 =	vcmask $0xB3C;
	v36 =	vsel vm0, v30, v29;
	vm0 =	vlt.s32 v34, v33  }
0x304: {  	v39 =	vld.idx.msk [tilespmem:v3+s13+$0x0], $0xffff;
	v5 =	vsel vm3, v5, v12;
	vm3 =	vcmask $0xF3C;
	vm0 =	vmand vm2, vm0  }
0x305: {  	vm2 =	vlt.s32 v38, v37;
	v5 =	vsel vm3, v5, v31;
	vm0 =	vmor vm1, vm0  }
0x306: {  	vm1 =	vmand vm15, vm2;
	vm15 =	veq.f32 v44, v42;
	v5 =	vsel vm4, v5, v32  }
0x307: {  	v40 =	vsel vm0, v34, v33;
	vm0 =	vmor vm14, vm1;
	vm1 =	vlt.s32 v43, v41  }
0x308: {  	vm2 =	vlt.f32 v44, v42;
	v5 =	vsel vm5, v5, v36;
	vm1 =	vmand vm15, vm1  }
0x309: {  	vm14 =	veq.f32 v35, v6;
	vm15 =	vlt.s32 v39, v7;
	v42 =	vsel vm0, v38, v37  }
0x30a: {  	vm0 =	veq.f32 v48, v46;
	vm14 =	vmand vm14, vm15;
	vm15 =	vlt.f32 v35, v6  }
0x30b: {  	v5 =	vsel vm6, v5, v40;
	vm1 =	vmor vm2, vm1;
	vm2 =	vmor vm15, vm14  }
0x30c: {  	v44 =	vsel vm1, v43, v41;
	vm1 =	vlt.s32 v47, v45;
	v6 =	vsel vm2, v35, v6  }
0x30d: {  	v7 =	vsel vm2, v39, v7;
	vm2 =	vlt.f32 v48, v46;
	vm0 =	vmand vm0, vm1;
	[tilespmem:$0x3400] =	vst v6  }
0x30e: {  	vm1 =	veq.f32 v52, v50;
	vm0 =	vmor vm2, vm0;
	vm2 =	vlt.s32 v51, v49;
	[tilespmem:$0x3480] =	vst v7  }
0x30f: {  	v48 =	vsel vm0, v47, v45;
	vm0 =	vlt.f32 v52, v50;
	vm1 =	vmand vm1, vm2;
	v50 =	vld.idx.msk [tilespmem:v4+s12+$0x0], $0xffff  }
0x310: {  	vm2 =	vlt.s32 v55, v53;
	v52 =	vld.idx.msk [tilespmem:v4+s13+$0x0], $0xffff;
	vm0 =	vmor vm0, vm1;
	vm1 =	veq.f32 v56, v54  }
0x311: {  	v5 =	vsel vm7, v5, v42;
	vm1 =	vmand vm1, vm2;
	vm2 =	vlt.f32 v56, v54  }
0x312: {  	v5 =	vsel vm8, v5, v44;
	v54 =	vsel vm0, v51, v49;
	vm0 =	vmor vm2, vm1  }
0x313: {  	vm1 =	vlt.s32 v59, v57;
	v56 =	vsel vm0, v55, v53;
	vm0 =	veq.f32 v60, v58  }
0x314: {  	v5 =	vsel vm9, v5, v48;
	vm2 =	vlt.f32 v60, v58;
	vm0 =	vmand vm0, vm1  }
0x315: {  	vm1 =	veq.f32 v50, v6;
	vm0 =	vmor vm2, vm0;
	vm2 =	vlt.s32 v52, v7  }
0x316: {  	v5 =	vsel vm10, v5, v54;
	vm1 =	vmand vm1, vm2;
	vm2 =	vlt.f32 v50, v6  }
0x317: {  	v5 =	vsel vm11, v5, v56;
	v6 =	vsel vm0, v59, v57;
	vm0 =	vmor vm2, vm1  }
0x318: {  	v5 =	vsel vm12, v5, v6;
	v6 =	vsel vm0, v52, v7  }
0x319: {  	v5 =	vsel vm13, v5, v6  }
0x31a: {  	v6 =	vshll.u32 v5, $0x2  }
0x31b: {  	v5 =	vand.u32 $0x7F, v5;
	v6 =	vand.u32 $0xFFFFFE00, v6  }
0x31c: {  	v5 =	vor.u32 v5, v6  }
0x31d: {  	v62 =	vld [tilespmem:$0x3080];
	v6 =	vor.u32 $0x80, v5  }
0x31e: {  	v61 =	vld [tilespmem:$0x3000];
	v7 =	vor.u32 $0x100, v5  }
0x31f: {  	v60 =	vld [tilespmem:$0x3180]  }
0x320: {  	v63 =	vld [tilespmem:$0x3100]  }
0x321: {  	v5 =	vld.idx.msk [tilespmem:v5+s1+$0x0], $0xffff  }
0x322: {  	v6 =	vld.idx.msk [tilespmem:v6+s1+$0x0], $0xffff  }
0x323: {  	v7 =	vld.idx.msk [tilespmem:v7+s1+$0x0], $0xffff  }
0x324: {  	vm0 =	vlt.f32 v60, $0.0e+00;
	vm1 =	vgt.f32 v60, $0.0e+00  }
0x325: {  	vm0 =	vmor vm1, vm0  }
0x326: {  	v5 =	vsel vm0, v5, v61  }
0x327: {  	s16 =	sadd.s32 $0x1, s16;
	[tilespmem:$0x3200] =	vst v5;
	v5 =	vsel vm0, v6, v62  }
0x328: {  	p0 =	sne.s32 s16, $0x20;
	v6 =	vsel vm0, v7, v63;
	[tilespmem:$0x3280] =	vst v5  }
.Ltmp15:
0x329: {  	s17 =	sadd.s32 s6, s17;
	[tilespmem:$0x3300] =	vst v6;
	(pc) =	sbr.rel @p0 .LBB2_2-.Ltmp15, $4  }
0x32a: {  	[hbm4b:s17+s1] =	stream.linear.scatter [tilespmem:s14], [sflag:$0x1], $0x180, $0x38;
	[tilespmem:$0x3500] =	vst v63  }
0x32b: {  	_ =	swait.ge [sflag:s9], $0x180  }
0x32c: {  	[sflag:s9] =	ssyncset.done $0x0  }
0x32d: {  	[sflag:s9] =	ssyncadd.s32 $0xFFFFFE80  }
0x32e: {  	s15 =	sadd.s32 $0x1, s15  }
0x32f: {  	p0 =	sne.s32 s15, s8  }
.Ltmp16:
0x330: {  	_ = 	snop;
	(pc) =	sbr.rel @p0 .LBB2_1-.Ltmp16, $1  }
0x331: {  	_ =	sdelay $0x3  }
0x332: {  	_ =	sfence.sel $0x180000  }
0x333: {  	[bflag:$0x0] =	sbarrier.arrive $0xFFFF  }
0x334: {  	p0 =	sne.s32 s5, $0x0;
	_ =	strace $0x90000047  }
0x335: {  	s0 =	sadd.s32 @!p0 $0x100000, s0;
	[bflag:$0x2] =	sbarrier.arrive $0xFFFF  }
0x336: {  	[sflag:s0] =	ssyncadd.tile.s32 @!p0 $0x1;
	_ =	shalt  }
.Lfunc_end2:
_tile_overlayer_lowered:
.L_overlay_start_2:
0x337: {  	(tag) =	ssettag $0x2  }
0x338: {  	s0 =	rddreg [dreg:$0x0];
	s2 =	stileid.u32  }
0x339: {  	s1 =	rddreg [dreg:$0x1];
	p0 =	sne.s32 s2, $0x0  }
0x33a: {  	s3 =	rddreg [dreg:$0x2];
	[bflag:$0x3] =	sbarrier.arrive $0xFFFF;
	s2 =	simm.s32 @!p0 $0x1C01  }
0x33b: {  	[timem:s3], [sflag:s2] =	dma.local @!p0 [hbm:s0], s1  }
0x33c: {  	s0 =	simm.s32 @!p0 $0x1  }
0x33d: {  	_ =	swait.ge @!p0 [sflag:s0], s1  }
0x33e: {  	s1 =	ssub.s32 @!p0 $0x0, s1;
	[sflag:s0] =	ssyncset.done @!p0 $0x0  }
0x33f: {  	[sflag:s0] =	ssyncadd.s32 @!p0 s1  }
0x340: {  	[bflag:$0x3] =	sbarrier.arrive $0xFFFF  }
0x341: {  	_ =	shalt  }

</sc_bundles>
